<compile_context>
chip_gen: v7x
topology: tpu7x:2x2x1
jax: 0.10.2.dev20260603
libtpu: 0.0.44.dev20260713+nightly
codegen_flags: <defaults>
</compile_context>

<pallas_src>
import functools

import jax
import jax.numpy as jnp
from jax import lax
from jax.experimental import pallas as pl
from jax.experimental.pallas import tpu as pltpu
from jax.experimental.pallas import tpu_sc as plsc

N = 10000
E = 320000
NPAD = 10112
NCORES = 2
NSUB = 16
NW = NCORES * NSUB
CH = 128
K = (E + NW * CH - 1) // (NW * CH)
EPAD = NW * K * CH
ROWS_PER_TILE = NPAD // NSUB

_mesh = plsc.VectorSubcoreMesh(core_axis_name="c", subcore_axis_name="s")


def _make_sc_scatter(w):

    @functools.partial(
        pl.kernel,
        mesh=_mesh,
        compiler_params=pltpu.CompilerParams(use_tc_tiling_on_sc=False),
        out_type=jax.ShapeDtypeStruct((NCORES, NPAD, w), jnp.float32),
        scratch_types=[
            pltpu.VMEM_SHARED((NPAD, w), jnp.float32),
            pltpu.VMEM((K, CH), jnp.int32),
            pltpu.VMEM((K, CH), jnp.int32),
            pltpu.VMEM((CH, w), jnp.float32),
            pltpu.VMEM((CH, w), jnp.float32),
            pltpu.SemaphoreType.DMA,
            pltpu.SemaphoreType.DMA,
        ],
    )
    def sc_scatter(t_hbm, src_hbm, dst_hbm, z_hbm, out_hbm,
                   acc_sh, src_v, dst_v, rows0_v, rows1_v, sem0, sem1):
        cid = lax.axis_index("c")
        sid = lax.axis_index("s")
        wid = cid * NSUB + sid
        rs = pl.ds(sid * ROWS_PER_TILE, ROWS_PER_TILE)
        pltpu.sync_copy(z_hbm.at[rs], acc_sh.at[rs])
        pltpu.sync_copy(src_hbm.at[wid], src_v)
        pltpu.sync_copy(dst_hbm.at[wid], dst_v)
        plsc.subcore_barrier()
        bufs = ((rows0_v, sem0), (rows1_v, sem1))
        pltpu.async_copy(t_hbm.at[src_v.at[0]], rows0_v, sem0)

        def body(j, carry):
            for par in range(2):
                rows_v, sem = bufs[par]
                nrows_v, nsem = bufs[1 - par]

                @pl.when(lax.rem(j, 2) == par)
                def _():
                    @pl.when(j + 1 < K)
                    def _():
                        pltpu.async_copy(t_hbm.at[src_v.at[j + 1]], nrows_v,
                                         nsem)
                    pltpu.make_async_copy(t_hbm.at[src_v.at[j]], rows_v,
                                          sem).wait()
                    pltpu.sync_copy(rows_v, acc_sh.at[dst_v.at[j]], add=True)

            return carry

        lax.fori_loop(0, K, body, 0)
        plsc.subcore_barrier()
        pltpu.sync_copy(acc_sh.at[rs], out_hbm.at[cid, rs])

    return sc_scatter


_sc_scatter_64 = _make_sc_scatter(64)
_sc_scatter_16 = _make_sc_scatter(16)


@functools.partial(
    pl.kernel,
    mesh=_mesh,
    compiler_params=pltpu.CompilerParams(use_tc_tiling_on_sc=False),
    out_type=jax.ShapeDtypeStruct((NCORES, NPAD, 16), jnp.float32),
    scratch_types=[
        pltpu.VMEM_SHARED((NPAD, 16), jnp.float32),
        pltpu.VMEM((K, CH), jnp.int32),
        pltpu.VMEM((CH, 16), jnp.float32),
    ],
)
def _sc_degree(src_hbm, z_hbm, ones_hbm, out_hbm, acc_sh, src_v, ones_v):
    cid = lax.axis_index("c")
    sid = lax.axis_index("s")
    wid = cid * NSUB + sid
    rs = pl.ds(sid * ROWS_PER_TILE, ROWS_PER_TILE)
    pltpu.sync_copy(z_hbm.at[rs], acc_sh.at[rs])
    pltpu.sync_copy(src_hbm.at[wid], src_v)
    pltpu.sync_copy(ones_hbm, ones_v)
    plsc.subcore_barrier()

    def body(j, carry):
        pltpu.sync_copy(ones_v, acc_sh.at[src_v.at[j]], add=True)
        return carry

    lax.fori_loop(0, K, body, 0)
    plsc.subcore_barrier()
    pltpu.sync_copy(acc_sh.at[rs], out_hbm.at[cid, rs])


def _pad_rows(t, nrows):
    return jnp.concatenate(
        [t, jnp.zeros((nrows - t.shape[0], t.shape[1]), t.dtype)], axis=0)



def _tc0_body(degp_ref, x_ref, w11_ref, dis_ref, t1_ref):
    deg = degp_ref[0, :, 0:1] + degp_ref[1, :, 0:1]
    safe = jnp.where(deg > 0, deg, 1.0)
    dis = jnp.where(deg > 0, lax.rsqrt(safe), 0.0)
    dis_ref[...] = jnp.broadcast_to(dis, (NPAD, 128))
    xw = jnp.dot(x_ref[...], w11_ref[...].T, preferred_element_type=jnp.float32)
    t1_ref[...] = _pad_rows(dis[:N] * xw, NPAD)


def _bn_relu(pre, g, be):
    m = jnp.mean(pre, axis=0)
    v = jnp.mean((pre - m) ** 2, axis=0)
    return jnp.maximum(g * (pre - m) / jnp.sqrt(v + 1e-5) + be, 0.0)


def _tc1_body(accp_ref, x_ref, w01_ref, b1_ref, g1_ref, be1_ref, dis_ref,
              w12_ref, x1_ref, t2_ref):
    acc = accp_ref[0, :N] + accp_ref[1, :N]
    pre = (jnp.dot(x_ref[...], w01_ref[...].T, preferred_element_type=jnp.float32)
           - dis_ref[:N, 0:64] * acc + b1_ref[...])
    x1 = _bn_relu(pre, g1_ref[...], be1_ref[...])
    x1_ref[...] = x1
    xw = jnp.dot(x1, w12_ref[...].T, preferred_element_type=jnp.float32)
    t2_ref[...] = _pad_rows(dis_ref[:N, 0:16] * xw, NPAD)


def _tc2_body(accp_ref, x1_ref, w02_ref, b2_ref, dis_ref, x2_ref, t3_ref):
    acc = accp_ref[0, :N] + accp_ref[1, :N]
    x2 = (jnp.dot(x1_ref[...], w02_ref[...].T, preferred_element_type=jnp.float32)
          - dis_ref[:N, 0:16] * acc + b2_ref[...])
    x2_ref[...] = x2
    t3_ref[...] = _pad_rows(dis_ref[:N, 0:16] * x2, NPAD)


def _tc3_body(accp_ref, x2_ref, w03_ref, w13_ref, b3_ref, g3_ref, be3_ref,
              dis_ref, x3_ref, t4_ref):
    acc = accp_ref[0, :N] + accp_ref[1, :N]
    tx1w = jnp.dot(-dis_ref[:N, 0:16] * acc, w13_ref[...].T,
                   preferred_element_type=jnp.float32)
    pre = (jnp.dot(x2_ref[...], w03_ref[...].T, preferred_element_type=jnp.float32)
           + tx1w + b3_ref[...])
    x3 = _bn_relu(pre, g3_ref[...], be3_ref[...])
    x3_ref[...] = x3
    t4_ref[...] = _pad_rows(dis_ref[:N, 0:64] * x3, NPAD)


def _tc4_body(accp_ref, x3_ref, w04_ref, w14_ref, b4_ref, dis_ref, out_ref):
    acc = accp_ref[0, :N] + accp_ref[1, :N]
    tx1w = jnp.dot(-dis_ref[:N, 0:64] * acc, w14_ref[...].T,
                   preferred_element_type=jnp.float32)
    out_ref[...] = (jnp.dot(x3_ref[...], w04_ref[...].T,
                            preferred_element_type=jnp.float32)
                    + tx1w + b4_ref[...])


def _sds(shape):
    return jax.ShapeDtypeStruct(shape, jnp.float32)


def kernel(x, W0_1, W1_1, b1, g1, be1, W0_2, W1_2, b2, W0_3, W1_3, b3,
           g3, be3, W0_4, W1_4, b4, edge_index, dataset_num):
    src = jnp.concatenate(
        [edge_index[0], jnp.full((EPAD - E,), N, jnp.int32)]).reshape(NW, K, CH)
    dst = jnp.concatenate(
        [edge_index[1], jnp.full((EPAD - E,), N, jnp.int32)]).reshape(NW, K, CH)
    z16 = jnp.zeros((NPAD, 16), jnp.float32)
    z64 = jnp.zeros((NPAD, 64), jnp.float32)
    ones = jnp.ones((CH, 16), jnp.float32)

    degp = _sc_degree(src, z16, ones)

    dis, t1 = pl.pallas_call(
        _tc0_body, out_shape=[_sds((NPAD, 128)), _sds((NPAD, 64))],
    )(degp, x, W1_1)

    acc1 = _sc_scatter_64(t1, src, dst, z64)
    x1, t2 = pl.pallas_call(
        _tc1_body, out_shape=[_sds((N, 64)), _sds((NPAD, 16))],
    )(acc1, x, W0_1, b1, g1, be1, dis, W1_2)

    acc2 = _sc_scatter_16(t2, src, dst, z16)
    x2, t3 = pl.pallas_call(
        _tc2_body, out_shape=[_sds((N, 16)), _sds((NPAD, 16))],
    )(acc2, x1, W0_2, b2, dis)

    acc3 = _sc_scatter_16(t3, src, dst, z16)
    x3, t4 = pl.pallas_call(
        _tc3_body, out_shape=[_sds((N, 64)), _sds((NPAD, 64))],
    )(acc3, x2, W0_3, W1_3, b3, g3, be3, dis)

    acc4 = _sc_scatter_64(t4, src, dst, z64)
    x4 = pl.pallas_call(
        _tc4_body, out_shape=_sds((N, 128)),
    )(acc4, x3, W0_4, W1_4, b4, dis)
    return x4

# --- scband reference (transcript-rebuilt; emitter-appended) ---
"""Pipeline reference for scband-gaae-18236431138889 (READ-ONLY COPY).

The authoritative reference and input builder live on the scoring server;
editing this copy changes nothing except your own understanding.
"""

import jax, jax.numpy as jnp
import numpy as np

N = 10000
E = 320000
D = 128

# ChebConv with K=2, normalization='sym', default lambda_max=2.0:
#   L_hat = 2*L/lambda_max - I = (I - D^-1/2 A D^-1/2) - I = -D^-1/2 A D^-1/2
#   Tx_0 = x ; Tx_1 = L_hat @ x ; out = Tx_0 @ W0^T + Tx_1 @ W1^T + b

def _cheb(x, src, dst, W0, W1, b):
    n = x.shape[0]
    deg = jnp.zeros((n,), x.dtype).at[src].add(jnp.ones((src.shape[0],), x.dtype))
    dis = jnp.where(deg > 0, 1.0 / jnp.sqrt(jnp.where(deg > 0, deg, 1.0)), 0.0)
    norm = -(dis[src] * dis[dst])
    Tx1 = jnp.zeros_like(x).at[dst].add(norm[:, None] * x[src])
    return x @ W0.T + Tx1 @ W1.T + b

def _bn(x, gamma, beta, eps=1e-5):
    m = jnp.mean(x, axis=0)
    v = jnp.var(x, axis=0)
    return gamma * (x - m) / jnp.sqrt(v + eps) + beta

def setup_inputs(seed: int = 0):
    key = jax.random.key(seed)
    ks = jax.random.split(key, 16)
    def lin(k, fo, fi):
        s = 1.0 / np.sqrt(fi)
        return jax.random.uniform(k, (fo, fi), jnp.float32, -s, s)
    inp = {}
    inp["x"] = jax.random.normal(ks[0], (N, D), dtype=jnp.float32)
    inp["W0_1"] = lin(ks[1], 64, D); inp["W1_1"] = lin(ks[2], 64, D); inp["b1"] = jnp.zeros((64,), jnp.float32)
    inp["g1"] = jnp.ones((64,), jnp.float32); inp["be1"] = jnp.zeros((64,), jnp.float32)
    inp["W0_2"] = lin(ks[3], 16, 64); inp["W1_2"] = lin(ks[4], 16, 64); inp["b2"] = jnp.zeros((16,), jnp.float32)
    inp["W0_3"] = lin(ks[5], 64, 16); inp["W1_3"] = lin(ks[6], 64, 16); inp["b3"] = jnp.zeros((64,), jnp.float32)
    inp["g3"] = jnp.ones((64,), jnp.float32); inp["be3"] = jnp.zeros((64,), jnp.float32)
    inp["W0_4"] = lin(ks[7], D, 64); inp["W1_4"] = lin(ks[8], D, 64); inp["b4"] = jnp.zeros((D,), jnp.float32)
    inp["edge_index"] = jax.random.randint(ks[9], (2, E), 0, N, dtype=jnp.int32)
    inp["dataset_num"] = 1
    return inp

def reference(x, W0_1, W1_1, b1, g1, be1, W0_2, W1_2, b2, W0_3, W1_3, b3, g3, be3, W0_4, W1_4, b4, edge_index, dataset_num):
    # mode='eval' path: no input noise (dataset_num unused)
    src = edge_index[0]
    dst = edge_index[1]
    x1 = jax.nn.relu(_bn(_cheb(x, src, dst, W0_1, W1_1, b1), g1, be1))
    x2 = _cheb(x1, src, dst, W0_2, W1_2, b2)
    x3 = jax.nn.relu(_bn(_cheb(x2, src, dst, W0_3, W1_3, b3), g3, be3))
    x4 = _cheb(x3, src, dst, W0_4, W1_4, b4)
    return x4

if __name__ == "__main__":
    import jax
    _d = setup_inputs()
    print(jax.jit(kernel)(*tuple(_d.values())))

</pallas_src>

<mosaic_0001>
#map = affine_map<(d0, d1) -> (0, 0)>
#map1 = affine_map<(d0, d1) -> (0, 0, 0)>
module attributes {stable_mosaic.version = 14 : i64} {
  func.func @sc_scatter(%arg0: i32, %arg1: i32, %arg2: memref<10112x64xf32, #tpu.memory_space<hbm>>, %arg3: memref<32x79x128xi32, #tpu.memory_space<hbm>>, %arg4: memref<32x79x128xi32, #tpu.memory_space<hbm>>, %arg5: memref<10112x64xf32, #tpu.memory_space<hbm>>, %arg6: memref<2x10112x64xf32, #tpu.memory_space<hbm>>, %arg7: memref<10112x64xf32, #tpu.memory_space<vmem_shared>>, %arg8: memref<79x128xi32, #tpu.memory_space<vmem>>, %arg9: memref<79x128xi32, #tpu.memory_space<vmem>>, %arg10: memref<128x64xf32, #tpu.memory_space<vmem>>, %arg11: memref<128x64xf32, #tpu.memory_space<vmem>>, %arg12: memref<!tpu.dma_semaphore, #tpu.memory_space<semaphore_mem>>, %arg13: memref<!tpu.dma_semaphore, #tpu.memory_space<semaphore_mem>>) attributes {dimension_semantics = [#tpu.dimension_semantics<core_parallel>, #tpu.dimension_semantics<subcore_parallel>], iteration_bounds = array<i64: 2, 16>, scalar_prefetch = 0 : i64, scratch_operands = 7 : i64, tpu.core_type = #tpu.core_type<sc_vector_subcore>, window_params = [{transform_indices = #map}, {transform_indices = #map1}, {transform_indices = #map1}, {transform_indices = #map}, {transform_indices = #map1}]} {
    %mul3A = arith.constant 16 : i32
    %mul3A_0 = arith.muli %arg0, %mul3A : i32
    %add3A = arith.addi %mul3A_0, %arg1 : i32
    %mul3A_1 = arith.constant 632 : i32
    %mul3A_2 = arith.muli %arg1, %mul3A_1 : i32
    "tpu.region"() ({
      %run_scoped3A = tpu.sem_alloc : memref<!tpu.dma_semaphore, #tpu.memory_space<semaphore_mem>>
      %dma_start3A_15 = arith.constant 0 : i32
      %dma_start3A_16 = tpu.memref_slice %arg7[%mul3A_2, %dma_start3A_15] : memref<10112x64xf32, #tpu.memory_space<vmem_shared>> -> memref<632x64xf32, #tpu.memory_space<vmem_shared>>
      %dma_start3A_17 = arith.constant 0 : i32
      %dma_start3A_18 = tpu.memref_slice %arg5[%mul3A_2, %dma_start3A_17] : memref<10112x64xf32, #tpu.memory_space<hbm>> -> memref<632x64xf32, #tpu.memory_space<hbm>>
      tpu.enqueue_dma source(%dma_start3A_18 : memref<632x64xf32, #tpu.memory_space<hbm>>) target(%dma_start3A_16 : memref<632x64xf32, #tpu.memory_space<vmem_shared>>) target_semaphore(%run_scoped3A : memref<!tpu.dma_semaphore, #tpu.memory_space<semaphore_mem>>)
      %dma_wait3A = arith.constant 0 : i32
      %dma_wait3A_19 = tpu.memref_slice %arg7[%mul3A_2, %dma_wait3A] : memref<10112x64xf32, #tpu.memory_space<vmem_shared>> -> memref<632x64xf32, #tpu.memory_space<vmem_shared>>
      %dma_wait3A_20 = arith.constant 0 : i32
      %dma_wait3A_21 = tpu.memref_slice %arg5[%mul3A_2, %dma_wait3A_20] : memref<10112x64xf32, #tpu.memory_space<hbm>> -> memref<632x64xf32, #tpu.memory_space<hbm>>
      tpu.wait_dma2 semaphore(%run_scoped3A : memref<!tpu.dma_semaphore, #tpu.memory_space<semaphore_mem>>) src(%dma_wait3A_21 : memref<632x64xf32, #tpu.memory_space<hbm>>) dst(%dma_wait3A_19 : memref<632x64xf32, #tpu.memory_space<vmem_shared>>)
      tpu.yield
    }) : () -> ()
    "tpu.region"() ({
      %run_scoped3A = tpu.sem_alloc : memref<!tpu.dma_semaphore, #tpu.memory_space<semaphore_mem>>
      %dma_start3A_15 = arith.constant 0 : i32
      %dma_start3A_16 = arith.constant 0 : i32
      %dma_start3A_17 = tpu.memref_slice %arg3[%add3A, %dma_start3A_15, %dma_start3A_16] : memref<32x79x128xi32, #tpu.memory_space<hbm>> -> memref<1x79x128xi32, #tpu.memory_space<hbm>>
      %dma_start3A_18 = tpu.memref_squeeze %dma_start3A_17 : memref<1x79x128xi32, #tpu.memory_space<hbm>> -> memref<79x128xi32, #tpu.memory_space<hbm>>
      %dma_start3A_19 = arith.constant 0 : i32
      %dma_start3A_20 = arith.constant 0 : i32
      %dma_start3A_21 = tpu.memref_slice %arg3[%add3A, %dma_start3A_19, %dma_start3A_20] : memref<32x79x128xi32, #tpu.memory_space<hbm>> -> memref<1x79x128xi32, #tpu.memory_space<hbm>>
      %dma_start3A_22 = tpu.memref_squeeze %dma_start3A_21 : memref<1x79x128xi32, #tpu.memory_space<hbm>> -> memref<79x128xi32, #tpu.memory_space<hbm>>
      tpu.enqueue_dma source(%dma_start3A_22 : memref<79x128xi32, #tpu.memory_space<hbm>>) target(%arg8 : memref<79x128xi32, #tpu.memory_space<vmem>>) target_semaphore(%run_scoped3A : memref<!tpu.dma_semaphore, #tpu.memory_space<semaphore_mem>>)
      %dma_wait3A = arith.constant 0 : i32
      %dma_wait3A_23 = arith.constant 0 : i32
      %dma_wait3A_24 = tpu.memref_slice %arg3[%add3A, %dma_wait3A, %dma_wait3A_23] : memref<32x79x128xi32, #tpu.memory_space<hbm>> -> memref<1x79x128xi32, #tpu.memory_space<hbm>>
      %dma_wait3A_25 = tpu.memref_squeeze %dma_wait3A_24 : memref<1x79x128xi32, #tpu.memory_space<hbm>> -> memref<79x128xi32, #tpu.memory_space<hbm>>
      %dma_wait3A_26 = arith.constant 0 : i32
      %dma_wait3A_27 = arith.constant 0 : i32
      %dma_wait3A_28 = tpu.memref_slice %arg3[%add3A, %dma_wait3A_26, %dma_wait3A_27] : memref<32x79x128xi32, #tpu.memory_space<hbm>> -> memref<1x79x128xi32, #tpu.memory_space<hbm>>
      %dma_wait3A_29 = tpu.memref_squeeze %dma_wait3A_28 : memref<1x79x128xi32, #tpu.memory_space<hbm>> -> memref<79x128xi32, #tpu.memory_space<hbm>>
      tpu.wait_dma2 semaphore(%run_scoped3A : memref<!tpu.dma_semaphore, #tpu.memory_space<semaphore_mem>>) src(%dma_wait3A_29 : memref<79x128xi32, #tpu.memory_space<hbm>>) dst(%arg8 : memref<79x128xi32, #tpu.memory_space<vmem>>)
      tpu.yield
    }) : () -> ()
    "tpu.region"() ({
      %run_scoped3A = tpu.sem_alloc : memref<!tpu.dma_semaphore, #tpu.memory_space<semaphore_mem>>
      %dma_start3A_15 = arith.constant 0 : i32
      %dma_start3A_16 = arith.constant 0 : i32
      %dma_start3A_17 = tpu.memref_slice %arg4[%add3A, %dma_start3A_15, %dma_start3A_16] : memref<32x79x128xi32, #tpu.memory_space<hbm>> -> memref<1x79x128xi32, #tpu.memory_space<hbm>>
      %dma_start3A_18 = tpu.memref_squeeze %dma_start3A_17 : memref<1x79x128xi32, #tpu.memory_space<hbm>> -> memref<79x128xi32, #tpu.memory_space<hbm>>
      %dma_start3A_19 = arith.constant 0 : i32
      %dma_start3A_20 = arith.constant 0 : i32
      %dma_start3A_21 = tpu.memref_slice %arg4[%add3A, %dma_start3A_19, %dma_start3A_20] : memref<32x79x128xi32, #tpu.memory_space<hbm>> -> memref<1x79x128xi32, #tpu.memory_space<hbm>>
      %dma_start3A_22 = tpu.memref_squeeze %dma_start3A_21 : memref<1x79x128xi32, #tpu.memory_space<hbm>> -> memref<79x128xi32, #tpu.memory_space<hbm>>
      tpu.enqueue_dma source(%dma_start3A_22 : memref<79x128xi32, #tpu.memory_space<hbm>>) target(%arg9 : memref<79x128xi32, #tpu.memory_space<vmem>>) target_semaphore(%run_scoped3A : memref<!tpu.dma_semaphore, #tpu.memory_space<semaphore_mem>>)
      %dma_wait3A = arith.constant 0 : i32
      %dma_wait3A_23 = arith.constant 0 : i32
      %dma_wait3A_24 = tpu.memref_slice %arg4[%add3A, %dma_wait3A, %dma_wait3A_23] : memref<32x79x128xi32, #tpu.memory_space<hbm>> -> memref<1x79x128xi32, #tpu.memory_space<hbm>>
      %dma_wait3A_25 = tpu.memref_squeeze %dma_wait3A_24 : memref<1x79x128xi32, #tpu.memory_space<hbm>> -> memref<79x128xi32, #tpu.memory_space<hbm>>
      %dma_wait3A_26 = arith.constant 0 : i32
      %dma_wait3A_27 = arith.constant 0 : i32
      %dma_wait3A_28 = tpu.memref_slice %arg4[%add3A, %dma_wait3A_26, %dma_wait3A_27] : memref<32x79x128xi32, #tpu.memory_space<hbm>> -> memref<1x79x128xi32, #tpu.memory_space<hbm>>
      %dma_wait3A_29 = tpu.memref_squeeze %dma_wait3A_28 : memref<1x79x128xi32, #tpu.memory_space<hbm>> -> memref<79x128xi32, #tpu.memory_space<hbm>>
      tpu.wait_dma2 semaphore(%run_scoped3A : memref<!tpu.dma_semaphore, #tpu.memory_space<semaphore_mem>>) src(%dma_wait3A_29 : memref<79x128xi32, #tpu.memory_space<hbm>>) dst(%arg9 : memref<79x128xi32, #tpu.memory_space<vmem>>)
      tpu.yield
    }) : () -> ()
    %barrier3A = arith.constant 0 : index
    tpu.barrier barrier_id(%barrier3A)
    %dma_start3A = arith.constant 0 : i32
    %dma_start3A_3 = arith.constant 0 : i32
    %dma_start3A_4 = tpu.memref_slice %arg8[%dma_start3A, %dma_start3A_3] : memref<79x128xi32, #tpu.memory_space<vmem>> -> memref<1x128xi32, #tpu.memory_space<vmem>>
    %dma_start3A_5 = tpu.memref_squeeze %dma_start3A_4 : memref<1x128xi32, #tpu.memory_space<vmem>> -> memref<128xi32, #tpu.memory_space<vmem>>
    %dma_start3A_6 = arith.constant 0 : i32
    %dma_start3A_7 = arith.constant 0 : i32
    %dma_start3A_8 = tpu.memref_slice %arg2[%dma_start3A_6, %dma_start3A_7] : memref<10112x64xf32, #tpu.memory_space<hbm>> -> memref<10112x64xf32, #tpu.memory_space<hbm>>
    tpu.enqueue_indirect_dma source(%dma_start3A_8 : memref<10112x64xf32, #tpu.memory_space<hbm>>) target(%arg10 : memref<128x64xf32, #tpu.memory_space<vmem>>) offsets(%dma_start3A_5 : memref<128xi32, #tpu.memory_space<vmem>>) semaphore(%arg12 : memref<!tpu.dma_semaphore, #tpu.memory_space<semaphore_mem>>)
    %scan3A = arith.constant 0 : i32
    %scan3A_9 = arith.constant 0 : i32
    %scan3A_10 = arith.constant 79 : i32
    %scan3A_11 = arith.addi %scan3A_9, %scan3A_10 : i32
    %scan3A_12 = arith.constant 1 : i32
    scf.for %scan3A_15 = %scan3A_9 to %scan3A_11 step %scan3A_12  : i32 {
      %rem3A = arith.constant 2 : i32
      %rem3A_16 = arith.remsi %scan3A_15, %rem3A : i32
      %eq3A = arith.constant 0 : i32
      %eq3A_17 = arith.cmpi eq, %rem3A_16, %eq3A : i32
      %convert_element_type3A = arith.extui %eq3A_17 : i1 to i32
      %cond3A = arith.constant 0 : i32
      %cond3A_18 = arith.cmpi ne, %convert_element_type3A, %cond3A : i32
      scf.if %cond3A_18 {
        %add3A_26 = arith.constant 1 : i32
        %add3A_27 = arith.addi %scan3A_15, %add3A_26 : i32
        %lt3A = arith.constant 79 : i32
        %lt3A_28 = arith.cmpi slt, %add3A_27, %lt3A : i32
        %convert_element_type3A_29 = arith.extui %lt3A_28 : i1 to i32
        %cond3A_30 = arith.constant 0 : i32
        %cond3A_31 = arith.cmpi ne, %convert_element_type3A_29, %cond3A_30 : i32
        scf.if %cond3A_31 {
          %add3A_37 = arith.constant 1 : i32
          %add3A_38 = arith.addi %scan3A_15, %add3A_37 : i32
          %dma_start3A_39 = arith.constant 0 : i32
          %dma_start3A_40 = tpu.memref_slice %arg8[%add3A_38, %dma_start3A_39] : memref<79x128xi32, #tpu.memory_space<vmem>> -> memref<1x128xi32, #tpu.memory_space<vmem>>
          %dma_start3A_41 = tpu.memref_squeeze %dma_start3A_40 : memref<1x128xi32, #tpu.memory_space<vmem>> -> memref<128xi32, #tpu.memory_space<vmem>>
          %dma_start3A_42 = arith.constant 0 : i32
          %dma_start3A_43 = arith.constant 0 : i32
          %dma_start3A_44 = tpu.memref_slice %arg2[%dma_start3A_42, %dma_start3A_43] : memref<10112x64xf32, #tpu.memory_space<hbm>> -> memref<10112x64xf32, #tpu.memory_space<hbm>>
          tpu.enqueue_indirect_dma source(%dma_start3A_44 : memref<10112x64xf32, #tpu.memory_space<hbm>>) target(%arg11 : memref<128x64xf32, #tpu.memory_space<vmem>>) offsets(%dma_start3A_41 : memref<128xi32, #tpu.memory_space<vmem>>) semaphore(%arg13 : memref<!tpu.dma_semaphore, #tpu.memory_space<semaphore_mem>>)
        } else {
        }
        %dma_wait3A = arith.constant 0 : i32
        %dma_wait3A_32 = tpu.memref_slice %arg8[%scan3A_15, %dma_wait3A] : memref<79x128xi32, #tpu.memory_space<vmem>> -> memref<1x128xi32, #tpu.memory_space<vmem>>
        %dma_wait3A_33 = tpu.memref_squeeze %dma_wait3A_32 : memref<1x128xi32, #tpu.memory_space<vmem>> -> memref<128xi32, #tpu.memory_space<vmem>>
        %dma_wait3A_34 = arith.constant 0 : i32
        %dma_wait3A_35 = arith.constant 0 : i32
        %dma_wait3A_36 = tpu.memref_slice %arg2[%dma_wait3A_34, %dma_wait3A_35] : memref<10112x64xf32, #tpu.memory_space<hbm>> -> memref<10112x64xf32, #tpu.memory_space<hbm>>
        tpu.wait_indirect_dma semaphore(%arg12 : memref<!tpu.dma_semaphore, #tpu.memory_space<semaphore_mem>>) src(%dma_wait3A_36 : memref<10112x64xf32, #tpu.memory_space<hbm>>) dst(%arg10 : memref<128x64xf32, #tpu.memory_space<vmem>>)
        "tpu.region"() ({
          %run_scoped3A = tpu.sem_alloc : memref<!tpu.dma_semaphore, #tpu.memory_space<semaphore_mem>>
          %dma_start3A_37 = arith.constant 0 : i32
          %dma_start3A_38 = tpu.memref_slice %arg9[%scan3A_15, %dma_start3A_37] : memref<79x128xi32, #tpu.memory_space<vmem>> -> memref<1x128xi32, #tpu.memory_space<vmem>>
          %dma_start3A_39 = tpu.memref_squeeze %dma_start3A_38 : memref<1x128xi32, #tpu.memory_space<vmem>> -> memref<128xi32, #tpu.memory_space<vmem>>
          %dma_start3A_40 = arith.constant 0 : i32
          %dma_start3A_41 = arith.constant 0 : i32
          %dma_start3A_42 = tpu.memref_slice %arg7[%dma_start3A_40, %dma_start3A_41] : memref<10112x64xf32, #tpu.memory_space<vmem_shared>> -> memref<10112x64xf32, #tpu.memory_space<vmem_shared>>
          tpu.enqueue_indirect_dma source(%arg10 : memref<128x64xf32, #tpu.memory_space<vmem>>) target(%dma_start3A_42 : memref<10112x64xf32, #tpu.memory_space<vmem_shared>>) offsets(%dma_start3A_39 : memref<128xi32, #tpu.memory_space<vmem>>) semaphore(%run_scoped3A : memref<!tpu.dma_semaphore, #tpu.memory_space<semaphore_mem>>) {add = true}
          %dma_wait3A_43 = arith.constant 0 : i32
          %dma_wait3A_44 = tpu.memref_slice %arg9[%scan3A_15, %dma_wait3A_43] : memref<79x128xi32, #tpu.memory_space<vmem>> -> memref<1x128xi32, #tpu.memory_space<vmem>>
          %dma_wait3A_45 = tpu.memref_squeeze %dma_wait3A_44 : memref<1x128xi32, #tpu.memory_space<vmem>> -> memref<128xi32, #tpu.memory_space<vmem>>
          %dma_wait3A_46 = arith.constant 0 : i32
          %dma_wait3A_47 = arith.constant 0 : i32
          %dma_wait3A_48 = tpu.memref_slice %arg7[%dma_wait3A_46, %dma_wait3A_47] : memref<10112x64xf32, #tpu.memory_space<vmem_shared>> -> memref<10112x64xf32, #tpu.memory_space<vmem_shared>>
          tpu.wait_indirect_dma semaphore(%run_scoped3A : memref<!tpu.dma_semaphore, #tpu.memory_space<semaphore_mem>>) src(%arg10 : memref<128x64xf32, #tpu.memory_space<vmem>>) dst(%dma_wait3A_48 : memref<10112x64xf32, #tpu.memory_space<vmem_shared>>)
          tpu.yield
        }) : () -> ()
      } else {
      }
      %rem3A_19 = arith.constant 2 : i32
      %rem3A_20 = arith.remsi %scan3A_15, %rem3A_19 : i32
      %eq3A_21 = arith.constant 1 : i32
      %eq3A_22 = arith.cmpi eq, %rem3A_20, %eq3A_21 : i32
      %convert_element_type3A_23 = arith.extui %eq3A_22 : i1 to i32
      %cond3A_24 = arith.constant 0 : i32
      %cond3A_25 = arith.cmpi ne, %convert_element_type3A_23, %cond3A_24 : i32
      scf.if %cond3A_25 {
        %add3A_26 = arith.constant 1 : i32
        %add3A_27 = arith.addi %scan3A_15, %add3A_26 : i32
        %lt3A = arith.constant 79 : i32
        %lt3A_28 = arith.cmpi slt, %add3A_27, %lt3A : i32
        %convert_element_type3A_29 = arith.extui %lt3A_28 : i1 to i32
        %cond3A_30 = arith.constant 0 : i32
        %cond3A_31 = arith.cmpi ne, %convert_element_type3A_29, %cond3A_30 : i32
        scf.if %cond3A_31 {
          %add3A_37 = arith.constant 1 : i32
          %add3A_38 = arith.addi %scan3A_15, %add3A_37 : i32
          %dma_start3A_39 = arith.constant 0 : i32
          %dma_start3A_40 = tpu.memref_slice %arg8[%add3A_38, %dma_start3A_39] : memref<79x128xi32, #tpu.memory_space<vmem>> -> memref<1x128xi32, #tpu.memory_space<vmem>>
          %dma_start3A_41 = tpu.memref_squeeze %dma_start3A_40 : memref<1x128xi32, #tpu.memory_space<vmem>> -> memref<128xi32, #tpu.memory_space<vmem>>
          %dma_start3A_42 = arith.constant 0 : i32
          %dma_start3A_43 = arith.constant 0 : i32
          %dma_start3A_44 = tpu.memref_slice %arg2[%dma_start3A_42, %dma_start3A_43] : memref<10112x64xf32, #tpu.memory_space<hbm>> -> memref<10112x64xf32, #tpu.memory_space<hbm>>
          tpu.enqueue_indirect_dma source(%dma_start3A_44 : memref<10112x64xf32, #tpu.memory_space<hbm>>) target(%arg10 : memref<128x64xf32, #tpu.memory_space<vmem>>) offsets(%dma_start3A_41 : memref<128xi32, #tpu.memory_space<vmem>>) semaphore(%arg12 : memref<!tpu.dma_semaphore, #tpu.memory_space<semaphore_mem>>)
        } else {
        }
        %dma_wait3A = arith.constant 0 : i32
        %dma_wait3A_32 = tpu.memref_slice %arg8[%scan3A_15, %dma_wait3A] : memref<79x128xi32, #tpu.memory_space<vmem>> -> memref<1x128xi32, #tpu.memory_space<vmem>>
        %dma_wait3A_33 = tpu.memref_squeeze %dma_wait3A_32 : memref<1x128xi32, #tpu.memory_space<vmem>> -> memref<128xi32, #tpu.memory_space<vmem>>
        %dma_wait3A_34 = arith.constant 0 : i32
        %dma_wait3A_35 = arith.constant 0 : i32
        %dma_wait3A_36 = tpu.memref_slice %arg2[%dma_wait3A_34, %dma_wait3A_35] : memref<10112x64xf32, #tpu.memory_space<hbm>> -> memref<10112x64xf32, #tpu.memory_space<hbm>>
        tpu.wait_indirect_dma semaphore(%arg13 : memref<!tpu.dma_semaphore, #tpu.memory_space<semaphore_mem>>) src(%dma_wait3A_36 : memref<10112x64xf32, #tpu.memory_space<hbm>>) dst(%arg11 : memref<128x64xf32, #tpu.memory_space<vmem>>)
        "tpu.region"() ({
          %run_scoped3A = tpu.sem_alloc : memref<!tpu.dma_semaphore, #tpu.memory_space<semaphore_mem>>
          %dma_start3A_37 = arith.constant 0 : i32
          %dma_start3A_38 = tpu.memref_slice %arg9[%scan3A_15, %dma_start3A_37] : memref<79x128xi32, #tpu.memory_space<vmem>> -> memref<1x128xi32, #tpu.memory_space<vmem>>
          %dma_start3A_39 = tpu.memref_squeeze %dma_start3A_38 : memref<1x128xi32, #tpu.memory_space<vmem>> -> memref<128xi32, #tpu.memory_space<vmem>>
          %dma_start3A_40 = arith.constant 0 : i32
          %dma_start3A_41 = arith.constant 0 : i32
          %dma_start3A_42 = tpu.memref_slice %arg7[%dma_start3A_40, %dma_start3A_41] : memref<10112x64xf32, #tpu.memory_space<vmem_shared>> -> memref<10112x64xf32, #tpu.memory_space<vmem_shared>>
          tpu.enqueue_indirect_dma source(%arg11 : memref<128x64xf32, #tpu.memory_space<vmem>>) target(%dma_start3A_42 : memref<10112x64xf32, #tpu.memory_space<vmem_shared>>) offsets(%dma_start3A_39 : memref<128xi32, #tpu.memory_space<vmem>>) semaphore(%run_scoped3A : memref<!tpu.dma_semaphore, #tpu.memory_space<semaphore_mem>>) {add = true}
          %dma_wait3A_43 = arith.constant 0 : i32
          %dma_wait3A_44 = tpu.memref_slice %arg9[%scan3A_15, %dma_wait3A_43] : memref<79x128xi32, #tpu.memory_space<vmem>> -> memref<1x128xi32, #tpu.memory_space<vmem>>
          %dma_wait3A_45 = tpu.memref_squeeze %dma_wait3A_44 : memref<1x128xi32, #tpu.memory_space<vmem>> -> memref<128xi32, #tpu.memory_space<vmem>>
          %dma_wait3A_46 = arith.constant 0 : i32
          %dma_wait3A_47 = arith.constant 0 : i32
          %dma_wait3A_48 = tpu.memref_slice %arg7[%dma_wait3A_46, %dma_wait3A_47] : memref<10112x64xf32, #tpu.memory_space<vmem_shared>> -> memref<10112x64xf32, #tpu.memory_space<vmem_shared>>
          tpu.wait_indirect_dma semaphore(%run_scoped3A : memref<!tpu.dma_semaphore, #tpu.memory_space<semaphore_mem>>) src(%arg11 : memref<128x64xf32, #tpu.memory_space<vmem>>) dst(%dma_wait3A_48 : memref<10112x64xf32, #tpu.memory_space<vmem_shared>>)
          tpu.yield
        }) : () -> ()
      } else {
      }
    }
    %scan3A_13 = arith.constant 79 : i32
    %barrier3A_14 = arith.constant 0 : index
    tpu.barrier barrier_id(%barrier3A_14)
    "tpu.region"() ({
      %run_scoped3A = tpu.sem_alloc : memref<!tpu.dma_semaphore, #tpu.memory_space<semaphore_mem>>
      %dma_start3A_15 = arith.constant 0 : i32
      %dma_start3A_16 = tpu.memref_slice %arg6[%arg0, %mul3A_2, %dma_start3A_15] : memref<2x10112x64xf32, #tpu.memory_space<hbm>> -> memref<1x632x64xf32, #tpu.memory_space<hbm>>
      %dma_start3A_17 = tpu.memref_squeeze %dma_start3A_16 : memref<1x632x64xf32, #tpu.memory_space<hbm>> -> memref<632x64xf32, #tpu.memory_space<hbm>>
      %dma_start3A_18 = arith.constant 0 : i32
      %dma_start3A_19 = tpu.memref_slice %arg7[%mul3A_2, %dma_start3A_18] : memref<10112x64xf32, #tpu.memory_space<vmem_shared>> -> memref<632x64xf32, #tpu.memory_space<vmem_shared>>
      tpu.enqueue_dma source(%dma_start3A_19 : memref<632x64xf32, #tpu.memory_space<vmem_shared>>) target(%dma_start3A_17 : memref<632x64xf32, #tpu.memory_space<hbm>>) target_semaphore(%run_scoped3A : memref<!tpu.dma_semaphore, #tpu.memory_space<semaphore_mem>>)
      %dma_wait3A = arith.constant 0 : i32
      %dma_wait3A_20 = tpu.memref_slice %arg6[%arg0, %mul3A_2, %dma_wait3A] : memref<2x10112x64xf32, #tpu.memory_space<hbm>> -> memref<1x632x64xf32, #tpu.memory_space<hbm>>
      %dma_wait3A_21 = tpu.memref_squeeze %dma_wait3A_20 : memref<1x632x64xf32, #tpu.memory_space<hbm>> -> memref<632x64xf32, #tpu.memory_space<hbm>>
      %dma_wait3A_22 = arith.constant 0 : i32
      %dma_wait3A_23 = tpu.memref_slice %arg7[%mul3A_2, %dma_wait3A_22] : memref<10112x64xf32, #tpu.memory_space<vmem_shared>> -> memref<632x64xf32, #tpu.memory_space<vmem_shared>>
      tpu.wait_dma2 semaphore(%run_scoped3A : memref<!tpu.dma_semaphore, #tpu.memory_space<semaphore_mem>>) src(%dma_wait3A_23 : memref<632x64xf32, #tpu.memory_space<vmem_shared>>) dst(%dma_wait3A_21 : memref<632x64xf32, #tpu.memory_space<hbm>>)
      tpu.yield
    }) : () -> ()
    return
  }
}

#map = affine_map<(d0, d1) -> (0, 0)>
#map1 = affine_map<(d0, d1) -> (0, 0, 0)>
module attributes {stable_mosaic.version = 14 : i64} {
  func.func @sc_scatter(%arg0: i32, %arg1: i32, %arg2: memref<10112x16xf32, #tpu.memory_space<hbm>>, %arg3: memref<32x79x128xi32, #tpu.memory_space<hbm>>, %arg4: memref<32x79x128xi32, #tpu.memory_space<hbm>>, %arg5: memref<10112x16xf32, #tpu.memory_space<hbm>>, %arg6: memref<2x10112x16xf32, #tpu.memory_space<hbm>>, %arg7: memref<10112x16xf32, #tpu.memory_space<vmem_shared>>, %arg8: memref<79x128xi32, #tpu.memory_space<vmem>>, %arg9: memref<79x128xi32, #tpu.memory_space<vmem>>, %arg10: memref<128x16xf32, #tpu.memory_space<vmem>>, %arg11: memref<128x16xf32, #tpu.memory_space<vmem>>, %arg12: memref<!tpu.dma_semaphore, #tpu.memory_space<semaphore_mem>>, %arg13: memref<!tpu.dma_semaphore, #tpu.memory_space<semaphore_mem>>) attributes {dimension_semantics = [#tpu.dimension_semantics<core_parallel>, #tpu.dimension_semantics<subcore_parallel>], iteration_bounds = array<i64: 2, 16>, scalar_prefetch = 0 : i64, scratch_operands = 7 : i64, tpu.core_type = #tpu.core_type<sc_vector_subcore>, window_params = [{transform_indices = #map}, {transform_indices = #map1}, {transform_indices = #map1}, {transform_indices = #map}, {transform_indices = #map1}]} {
    %mul3A = arith.constant 16 : i32
    %mul3A_0 = arith.muli %arg0, %mul3A : i32
    %add3A = arith.addi %mul3A_0, %arg1 : i32
    %mul3A_1 = arith.constant 632 : i32
    %mul3A_2 = arith.muli %arg1, %mul3A_1 : i32
    "tpu.region"() ({
      %run_scoped3A = tpu.sem_alloc : memref<!tpu.dma_semaphore, #tpu.memory_space<semaphore_mem>>
      %dma_start3A_15 = arith.constant 0 : i32
      %dma_start3A_16 = tpu.memref_slice %arg7[%mul3A_2, %dma_start3A_15] : memref<10112x16xf32, #tpu.memory_space<vmem_shared>> -> memref<632x16xf32, #tpu.memory_space<vmem_shared>>
      %dma_start3A_17 = arith.constant 0 : i32
      %dma_start3A_18 = tpu.memref_slice %arg5[%mul3A_2, %dma_start3A_17] : memref<10112x16xf32, #tpu.memory_space<hbm>> -> memref<632x16xf32, #tpu.memory_space<hbm>>
      tpu.enqueue_dma source(%dma_start3A_18 : memref<632x16xf32, #tpu.memory_space<hbm>>) target(%dma_start3A_16 : memref<632x16xf32, #tpu.memory_space<vmem_shared>>) target_semaphore(%run_scoped3A : memref<!tpu.dma_semaphore, #tpu.memory_space<semaphore_mem>>)
      %dma_wait3A = arith.constant 0 : i32
      %dma_wait3A_19 = tpu.memref_slice %arg7[%mul3A_2, %dma_wait3A] : memref<10112x16xf32, #tpu.memory_space<vmem_shared>> -> memref<632x16xf32, #tpu.memory_space<vmem_shared>>
      %dma_wait3A_20 = arith.constant 0 : i32
      %dma_wait3A_21 = tpu.memref_slice %arg5[%mul3A_2, %dma_wait3A_20] : memref<10112x16xf32, #tpu.memory_space<hbm>> -> memref<632x16xf32, #tpu.memory_space<hbm>>
      tpu.wait_dma2 semaphore(%run_scoped3A : memref<!tpu.dma_semaphore, #tpu.memory_space<semaphore_mem>>) src(%dma_wait3A_21 : memref<632x16xf32, #tpu.memory_space<hbm>>) dst(%dma_wait3A_19 : memref<632x16xf32, #tpu.memory_space<vmem_shared>>)
      tpu.yield
    }) : () -> ()
    "tpu.region"() ({
      %run_scoped3A = tpu.sem_alloc : memref<!tpu.dma_semaphore, #tpu.memory_space<semaphore_mem>>
      %dma_start3A_15 = arith.constant 0 : i32
      %dma_start3A_16 = arith.constant 0 : i32
      %dma_start3A_17 = tpu.memref_slice %arg3[%add3A, %dma_start3A_15, %dma_start3A_16] : memref<32x79x128xi32, #tpu.memory_space<hbm>> -> memref<1x79x128xi32, #tpu.memory_space<hbm>>
      %dma_start3A_18 = tpu.memref_squeeze %dma_start3A_17 : memref<1x79x128xi32, #tpu.memory_space<hbm>> -> memref<79x128xi32, #tpu.memory_space<hbm>>
      %dma_start3A_19 = arith.constant 0 : i32
      %dma_start3A_20 = arith.constant 0 : i32
      %dma_start3A_21 = tpu.memref_slice %arg3[%add3A, %dma_start3A_19, %dma_start3A_20] : memref<32x79x128xi32, #tpu.memory_space<hbm>> -> memref<1x79x128xi32, #tpu.memory_space<hbm>>
      %dma_start3A_22 = tpu.memref_squeeze %dma_start3A_21 : memref<1x79x128xi32, #tpu.memory_space<hbm>> -> memref<79x128xi32, #tpu.memory_space<hbm>>
      tpu.enqueue_dma source(%dma_start3A_22 : memref<79x128xi32, #tpu.memory_space<hbm>>) target(%arg8 : memref<79x128xi32, #tpu.memory_space<vmem>>) target_semaphore(%run_scoped3A : memref<!tpu.dma_semaphore, #tpu.memory_space<semaphore_mem>>)
      %dma_wait3A = arith.constant 0 : i32
      %dma_wait3A_23 = arith.constant 0 : i32
      %dma_wait3A_24 = tpu.memref_slice %arg3[%add3A, %dma_wait3A, %dma_wait3A_23] : memref<32x79x128xi32, #tpu.memory_space<hbm>> -> memref<1x79x128xi32, #tpu.memory_space<hbm>>
      %dma_wait3A_25 = tpu.memref_squeeze %dma_wait3A_24 : memref<1x79x128xi32, #tpu.memory_space<hbm>> -> memref<79x128xi32, #tpu.memory_space<hbm>>
      %dma_wait3A_26 = arith.constant 0 : i32
      %dma_wait3A_27 = arith.constant 0 : i32
      %dma_wait3A_28 = tpu.memref_slice %arg3[%add3A, %dma_wait3A_26, %dma_wait3A_27] : memref<32x79x128xi32, #tpu.memory_space<hbm>> -> memref<1x79x128xi32, #tpu.memory_space<hbm>>
      %dma_wait3A_29 = tpu.memref_squeeze %dma_wait3A_28 : memref<1x79x128xi32, #tpu.memory_space<hbm>> -> memref<79x128xi32, #tpu.memory_space<hbm>>
      tpu.wait_dma2 semaphore(%run_scoped3A : memref<!tpu.dma_semaphore, #tpu.memory_space<semaphore_mem>>) src(%dma_wait3A_29 : memref<79x128xi32, #tpu.memory_space<hbm>>) dst(%arg8 : memref<79x128xi32, #tpu.memory_space<vmem>>)
      tpu.yield
    }) : () -> ()
    "tpu.region"() ({
      %run_scoped3A = tpu.sem_alloc : memref<!tpu.dma_semaphore, #tpu.memory_space<semaphore_mem>>
      %dma_start3A_15 = arith.constant 0 : i32
      %dma_start3A_16 = arith.constant 0 : i32
      %dma_start3A_17 = tpu.memref_slice %arg4[%add3A, %dma_start3A_15, %dma_start3A_16] : memref<32x79x128xi32, #tpu.memory_space<hbm>> -> memref<1x79x128xi32, #tpu.memory_space<hbm>>
      %dma_start3A_18 = tpu.memref_squeeze %dma_start3A_17 : memref<1x79x128xi32, #tpu.memory_space<hbm>> -> memref<79x128xi32, #tpu.memory_space<hbm>>
      %dma_start3A_19 = arith.constant 0 : i32
      %dma_start3A_20 = arith.constant 0 : i32
      %dma_start3A_21 = tpu.memref_slice %arg4[%add3A, %dma_start3A_19, %dma_start3A_20] : memref<32x79x128xi32, #tpu.memory_space<hbm>> -> memref<1x79x128xi32, #tpu.memory_space<hbm>>
      %dma_start3A_22 = tpu.memref_squeeze %dma_start3A_21 : memref<1x79x128xi32, #tpu.memory_space<hbm>> -> memref<79x128xi32, #tpu.memory_space<hbm>>
      tpu.enqueue_dma source(%dma_start3A_22 : memref<79x128xi32, #tpu.memory_space<hbm>>) target(%arg9 : memref<79x128xi32, #tpu.memory_space<vmem>>) target_semaphore(%run_scoped3A : memref<!tpu.dma_semaphore, #tpu.memory_space<semaphore_mem>>)
      %dma_wait3A = arith.constant 0 : i32
      %dma_wait3A_23 = arith.constant 0 : i32
      %dma_wait3A_24 = tpu.memref_slice %arg4[%add3A, %dma_wait3A, %dma_wait3A_23] : memref<32x79x128xi32, #tpu.memory_space<hbm>> -> memref<1x79x128xi32, #tpu.memory_space<hbm>>
      %dma_wait3A_25 = tpu.memref_squeeze %dma_wait3A_24 : memref<1x79x128xi32, #tpu.memory_space<hbm>> -> memref<79x128xi32, #tpu.memory_space<hbm>>
      %dma_wait3A_26 = arith.constant 0 : i32
      %dma_wait3A_27 = arith.constant 0 : i32
      %dma_wait3A_28 = tpu.memref_slice %arg4[%add3A, %dma_wait3A_26, %dma_wait3A_27] : memref<32x79x128xi32, #tpu.memory_space<hbm>> -> memref<1x79x128xi32, #tpu.memory_space<hbm>>
      %dma_wait3A_29 = tpu.memref_squeeze %dma_wait3A_28 : memref<1x79x128xi32, #tpu.memory_space<hbm>> -> memref<79x128xi32, #tpu.memory_space<hbm>>
      tpu.wait_dma2 semaphore(%run_scoped3A : memref<!tpu.dma_semaphore, #tpu.memory_space<semaphore_mem>>) src(%dma_wait3A_29 : memref<79x128xi32, #tpu.memory_space<hbm>>) dst(%arg9 : memref<79x128xi32, #tpu.memory_space<vmem>>)
      tpu.yield
    }) : () -> ()
    %barrier3A = arith.constant 0 : index
    tpu.barrier barrier_id(%barrier3A)
    %dma_start3A = arith.constant 0 : i32
    %dma_start3A_3 = arith.constant 0 : i32
    %dma_start3A_4 = tpu.memref_slice %arg8[%dma_start3A, %dma_start3A_3] : memref<79x128xi32, #tpu.memory_space<vmem>> -> memref<1x128xi32, #tpu.memory_space<vmem>>
    %dma_start3A_5 = tpu.memref_squeeze %dma_start3A_4 : memref<1x128xi32, #tpu.memory_space<vmem>> -> memref<128xi32, #tpu.memory_space<vmem>>
    %dma_start3A_6 = arith.constant 0 : i32
    %dma_start3A_7 = arith.constant 0 : i32
    %dma_start3A_8 = tpu.memref_slice %arg2[%dma_start3A_6, %dma_start3A_7] : memref<10112x16xf32, #tpu.memory_space<hbm>> -> memref<10112x16xf32, #tpu.memory_space<hbm>>
    tpu.enqueue_indirect_dma source(%dma_start3A_8 : memref<10112x16xf32, #tpu.memory_space<hbm>>) target(%arg10 : memref<128x16xf32, #tpu.memory_space<vmem>>) offsets(%dma_start3A_5 : memref<128xi32, #tpu.memory_space<vmem>>) semaphore(%arg12 : memref<!tpu.dma_semaphore, #tpu.memory_space<semaphore_mem>>)
    %scan3A = arith.constant 0 : i32
    %scan3A_9 = arith.constant 0 : i32
    %scan3A_10 = arith.constant 79 : i32
    %scan3A_11 = arith.addi %scan3A_9, %scan3A_10 : i32
    %scan3A_12 = arith.constant 1 : i32
    scf.for %scan3A_15 = %scan3A_9 to %scan3A_11 step %scan3A_12  : i32 {
      %rem3A = arith.constant 2 : i32
      %rem3A_16 = arith.remsi %scan3A_15, %rem3A : i32
      %eq3A = arith.constant 0 : i32
      %eq3A_17 = arith.cmpi eq, %rem3A_16, %eq3A : i32
      %convert_element_type3A = arith.extui %eq3A_17 : i1 to i32
      %cond3A = arith.constant 0 : i32
      %cond3A_18 = arith.cmpi ne, %convert_element_type3A, %cond3A : i32
      scf.if %cond3A_18 {
        %add3A_26 = arith.constant 1 : i32
        %add3A_27 = arith.addi %scan3A_15, %add3A_26 : i32
        %lt3A = arith.constant 79 : i32
        %lt3A_28 = arith.cmpi slt, %add3A_27, %lt3A : i32
        %convert_element_type3A_29 = arith.extui %lt3A_28 : i1 to i32
        %cond3A_30 = arith.constant 0 : i32
        %cond3A_31 = arith.cmpi ne, %convert_element_type3A_29, %cond3A_30 : i32
        scf.if %cond3A_31 {
          %add3A_37 = arith.constant 1 : i32
          %add3A_38 = arith.addi %scan3A_15, %add3A_37 : i32
          %dma_start3A_39 = arith.constant 0 : i32
          %dma_start3A_40 = tpu.memref_slice %arg8[%add3A_38, %dma_start3A_39] : memref<79x128xi32, #tpu.memory_space<vmem>> -> memref<1x128xi32, #tpu.memory_space<vmem>>
          %dma_start3A_41 = tpu.memref_squeeze %dma_start3A_40 : memref<1x128xi32, #tpu.memory_space<vmem>> -> memref<128xi32, #tpu.memory_space<vmem>>
          %dma_start3A_42 = arith.constant 0 : i32
          %dma_start3A_43 = arith.constant 0 : i32
          %dma_start3A_44 = tpu.memref_slice %arg2[%dma_start3A_42, %dma_start3A_43] : memref<10112x16xf32, #tpu.memory_space<hbm>> -> memref<10112x16xf32, #tpu.memory_space<hbm>>
          tpu.enqueue_indirect_dma source(%dma_start3A_44 : memref<10112x16xf32, #tpu.memory_space<hbm>>) target(%arg11 : memref<128x16xf32, #tpu.memory_space<vmem>>) offsets(%dma_start3A_41 : memref<128xi32, #tpu.memory_space<vmem>>) semaphore(%arg13 : memref<!tpu.dma_semaphore, #tpu.memory_space<semaphore_mem>>)
        } else {
        }
        %dma_wait3A = arith.constant 0 : i32
        %dma_wait3A_32 = tpu.memref_slice %arg8[%scan3A_15, %dma_wait3A] : memref<79x128xi32, #tpu.memory_space<vmem>> -> memref<1x128xi32, #tpu.memory_space<vmem>>
        %dma_wait3A_33 = tpu.memref_squeeze %dma_wait3A_32 : memref<1x128xi32, #tpu.memory_space<vmem>> -> memref<128xi32, #tpu.memory_space<vmem>>
        %dma_wait3A_34 = arith.constant 0 : i32
        %dma_wait3A_35 = arith.constant 0 : i32
        %dma_wait3A_36 = tpu.memref_slice %arg2[%dma_wait3A_34, %dma_wait3A_35] : memref<10112x16xf32, #tpu.memory_space<hbm>> -> memref<10112x16xf32, #tpu.memory_space<hbm>>
        tpu.wait_indirect_dma semaphore(%arg12 : memref<!tpu.dma_semaphore, #tpu.memory_space<semaphore_mem>>) src(%dma_wait3A_36 : memref<10112x16xf32, #tpu.memory_space<hbm>>) dst(%arg10 : memref<128x16xf32, #tpu.memory_space<vmem>>)
        "tpu.region"() ({
          %run_scoped3A = tpu.sem_alloc : memref<!tpu.dma_semaphore, #tpu.memory_space<semaphore_mem>>
          %dma_start3A_37 = arith.constant 0 : i32
          %dma_start3A_38 = tpu.memref_slice %arg9[%scan3A_15, %dma_start3A_37] : memref<79x128xi32, #tpu.memory_space<vmem>> -> memref<1x128xi32, #tpu.memory_space<vmem>>
          %dma_start3A_39 = tpu.memref_squeeze %dma_start3A_38 : memref<1x128xi32, #tpu.memory_space<vmem>> -> memref<128xi32, #tpu.memory_space<vmem>>
          %dma_start3A_40 = arith.constant 0 : i32
          %dma_start3A_41 = arith.constant 0 : i32
          %dma_start3A_42 = tpu.memref_slice %arg7[%dma_start3A_40, %dma_start3A_41] : memref<10112x16xf32, #tpu.memory_space<vmem_shared>> -> memref<10112x16xf32, #tpu.memory_space<vmem_shared>>
          tpu.enqueue_indirect_dma source(%arg10 : memref<128x16xf32, #tpu.memory_space<vmem>>) target(%dma_start3A_42 : memref<10112x16xf32, #tpu.memory_space<vmem_shared>>) offsets(%dma_start3A_39 : memref<128xi32, #tpu.memory_space<vmem>>) semaphore(%run_scoped3A : memref<!tpu.dma_semaphore, #tpu.memory_space<semaphore_mem>>) {add = true}
          %dma_wait3A_43 = arith.constant 0 : i32
          %dma_wait3A_44 = tpu.memref_slice %arg9[%scan3A_15, %dma_wait3A_43] : memref<79x128xi32, #tpu.memory_space<vmem>> -> memref<1x128xi32, #tpu.memory_space<vmem>>
          %dma_wait3A_45 = tpu.memref_squeeze %dma_wait3A_44 : memref<1x128xi32, #tpu.memory_space<vmem>> -> memref<128xi32, #tpu.memory_space<vmem>>
          %dma_wait3A_46 = arith.constant 0 : i32
          %dma_wait3A_47 = arith.constant 0 : i32
          %dma_wait3A_48 = tpu.memref_slice %arg7[%dma_wait3A_46, %dma_wait3A_47] : memref<10112x16xf32, #tpu.memory_space<vmem_shared>> -> memref<10112x16xf32, #tpu.memory_space<vmem_shared>>
          tpu.wait_indirect_dma semaphore(%run_scoped3A : memref<!tpu.dma_semaphore, #tpu.memory_space<semaphore_mem>>) src(%arg10 : memref<128x16xf32, #tpu.memory_space<vmem>>) dst(%dma_wait3A_48 : memref<10112x16xf32, #tpu.memory_space<vmem_shared>>)
          tpu.yield
        }) : () -> ()
      } else {
      }
      %rem3A_19 = arith.constant 2 : i32
      %rem3A_20 = arith.remsi %scan3A_15, %rem3A_19 : i32
      %eq3A_21 = arith.constant 1 : i32
      %eq3A_22 = arith.cmpi eq, %rem3A_20, %eq3A_21 : i32
      %convert_element_type3A_23 = arith.extui %eq3A_22 : i1 to i32
      %cond3A_24 = arith.constant 0 : i32
      %cond3A_25 = arith.cmpi ne, %convert_element_type3A_23, %cond3A_24 : i32
      scf.if %cond3A_25 {
        %add3A_26 = arith.constant 1 : i32
        %add3A_27 = arith.addi %scan3A_15, %add3A_26 : i32
        %lt3A = arith.constant 79 : i32
        %lt3A_28 = arith.cmpi slt, %add3A_27, %lt3A : i32
        %convert_element_type3A_29 = arith.extui %lt3A_28 : i1 to i32
        %cond3A_30 = arith.constant 0 : i32
        %cond3A_31 = arith.cmpi ne, %convert_element_type3A_29, %cond3A_30 : i32
        scf.if %cond3A_31 {
          %add3A_37 = arith.constant 1 : i32
          %add3A_38 = arith.addi %scan3A_15, %add3A_37 : i32
          %dma_start3A_39 = arith.constant 0 : i32
          %dma_start3A_40 = tpu.memref_slice %arg8[%add3A_38, %dma_start3A_39] : memref<79x128xi32, #tpu.memory_space<vmem>> -> memref<1x128xi32, #tpu.memory_space<vmem>>
          %dma_start3A_41 = tpu.memref_squeeze %dma_start3A_40 : memref<1x128xi32, #tpu.memory_space<vmem>> -> memref<128xi32, #tpu.memory_space<vmem>>
          %dma_start3A_42 = arith.constant 0 : i32
          %dma_start3A_43 = arith.constant 0 : i32
          %dma_start3A_44 = tpu.memref_slice %arg2[%dma_start3A_42, %dma_start3A_43] : memref<10112x16xf32, #tpu.memory_space<hbm>> -> memref<10112x16xf32, #tpu.memory_space<hbm>>
          tpu.enqueue_indirect_dma source(%dma_start3A_44 : memref<10112x16xf32, #tpu.memory_space<hbm>>) target(%arg10 : memref<128x16xf32, #tpu.memory_space<vmem>>) offsets(%dma_start3A_41 : memref<128xi32, #tpu.memory_space<vmem>>) semaphore(%arg12 : memref<!tpu.dma_semaphore, #tpu.memory_space<semaphore_mem>>)
        } else {
        }
        %dma_wait3A = arith.constant 0 : i32
        %dma_wait3A_32 = tpu.memref_slice %arg8[%scan3A_15, %dma_wait3A] : memref<79x128xi32, #tpu.memory_space<vmem>> -> memref<1x128xi32, #tpu.memory_space<vmem>>
        %dma_wait3A_33 = tpu.memref_squeeze %dma_wait3A_32 : memref<1x128xi32, #tpu.memory_space<vmem>> -> memref<128xi32, #tpu.memory_space<vmem>>
        %dma_wait3A_34 = arith.constant 0 : i32
        %dma_wait3A_35 = arith.constant 0 : i32
        %dma_wait3A_36 = tpu.memref_slice %arg2[%dma_wait3A_34, %dma_wait3A_35] : memref<10112x16xf32, #tpu.memory_space<hbm>> -> memref<10112x16xf32, #tpu.memory_space<hbm>>
        tpu.wait_indirect_dma semaphore(%arg13 : memref<!tpu.dma_semaphore, #tpu.memory_space<semaphore_mem>>) src(%dma_wait3A_36 : memref<10112x16xf32, #tpu.memory_space<hbm>>) dst(%arg11 : memref<128x16xf32, #tpu.memory_space<vmem>>)
        "tpu.region"() ({
          %run_scoped3A = tpu.sem_alloc : memref<!tpu.dma_semaphore, #tpu.memory_space<semaphore_mem>>
          %dma_start3A_37 = arith.constant 0 : i32
          %dma_start3A_38 = tpu.memref_slice %arg9[%scan3A_15, %dma_start3A_37] : memref<79x128xi32, #tpu.memory_space<vmem>> -> memref<1x128xi32, #tpu.memory_space<vmem>>
          %dma_start3A_39 = tpu.memref_squeeze %dma_start3A_38 : memref<1x128xi32, #tpu.memory_space<vmem>> -> memref<128xi32, #tpu.memory_space<vmem>>
          %dma_start3A_40 = arith.constant 0 : i32
          %dma_start3A_41 = arith.constant 0 : i32
          %dma_start3A_42 = tpu.memref_slice %arg7[%dma_start3A_40, %dma_start3A_41] : memref<10112x16xf32, #tpu.memory_space<vmem_shared>> -> memref<10112x16xf32, #tpu.memory_space<vmem_shared>>
          tpu.enqueue_indirect_dma source(%arg11 : memref<128x16xf32, #tpu.memory_space<vmem>>) target(%dma_start3A_42 : memref<10112x16xf32, #tpu.memory_space<vmem_shared>>) offsets(%dma_start3A_39 : memref<128xi32, #tpu.memory_space<vmem>>) semaphore(%run_scoped3A : memref<!tpu.dma_semaphore, #tpu.memory_space<semaphore_mem>>) {add = true}
          %dma_wait3A_43 = arith.constant 0 : i32
          %dma_wait3A_44 = tpu.memref_slice %arg9[%scan3A_15, %dma_wait3A_43] : memref<79x128xi32, #tpu.memory_space<vmem>> -> memref<1x128xi32, #tpu.memory_space<vmem>>
          %dma_wait3A_45 = tpu.memref_squeeze %dma_wait3A_44 : memref<1x128xi32, #tpu.memory_space<vmem>> -> memref<128xi32, #tpu.memory_space<vmem>>
          %dma_wait3A_46 = arith.constant 0 : i32
          %dma_wait3A_47 = arith.constant 0 : i32
          %dma_wait3A_48 = tpu.memref_slice %arg7[%dma_wait3A_46, %dma_wait3A_47] : memref<10112x16xf32, #tpu.memory_space<vmem_shared>> -> memref<10112x16xf32, #tpu.memory_space<vmem_shared>>
          tpu.wait_indirect_dma semaphore(%run_scoped3A : memref<!tpu.dma_semaphore, #tpu.memory_space<semaphore_mem>>) src(%arg11 : memref<128x16xf32, #tpu.memory_space<vmem>>) dst(%dma_wait3A_48 : memref<10112x16xf32, #tpu.memory_space<vmem_shared>>)
          tpu.yield
        }) : () -> ()
      } else {
      }
    }
    %scan3A_13 = arith.constant 79 : i32
    %barrier3A_14 = arith.constant 0 : index
    tpu.barrier barrier_id(%barrier3A_14)
    "tpu.region"() ({
      %run_scoped3A = tpu.sem_alloc : memref<!tpu.dma_semaphore, #tpu.memory_space<semaphore_mem>>
      %dma_start3A_15 = arith.constant 0 : i32
      %dma_start3A_16 = tpu.memref_slice %arg6[%arg0, %mul3A_2, %dma_start3A_15] : memref<2x10112x16xf32, #tpu.memory_space<hbm>> -> memref<1x632x16xf32, #tpu.memory_space<hbm>>
      %dma_start3A_17 = tpu.memref_squeeze %dma_start3A_16 : memref<1x632x16xf32, #tpu.memory_space<hbm>> -> memref<632x16xf32, #tpu.memory_space<hbm>>
      %dma_start3A_18 = arith.constant 0 : i32
      %dma_start3A_19 = tpu.memref_slice %arg7[%mul3A_2, %dma_start3A_18] : memref<10112x16xf32, #tpu.memory_space<vmem_shared>> -> memref<632x16xf32, #tpu.memory_space<vmem_shared>>
      tpu.enqueue_dma source(%dma_start3A_19 : memref<632x16xf32, #tpu.memory_space<vmem_shared>>) target(%dma_start3A_17 : memref<632x16xf32, #tpu.memory_space<hbm>>) target_semaphore(%run_scoped3A : memref<!tpu.dma_semaphore, #tpu.memory_space<semaphore_mem>>)
      %dma_wait3A = arith.constant 0 : i32
      %dma_wait3A_20 = tpu.memref_slice %arg6[%arg0, %mul3A_2, %dma_wait3A] : memref<2x10112x16xf32, #tpu.memory_space<hbm>> -> memref<1x632x16xf32, #tpu.memory_space<hbm>>
      %dma_wait3A_21 = tpu.memref_squeeze %dma_wait3A_20 : memref<1x632x16xf32, #tpu.memory_space<hbm>> -> memref<632x16xf32, #tpu.memory_space<hbm>>
      %dma_wait3A_22 = arith.constant 0 : i32
      %dma_wait3A_23 = tpu.memref_slice %arg7[%mul3A_2, %dma_wait3A_22] : memref<10112x16xf32, #tpu.memory_space<vmem_shared>> -> memref<632x16xf32, #tpu.memory_space<vmem_shared>>
      tpu.wait_dma2 semaphore(%run_scoped3A : memref<!tpu.dma_semaphore, #tpu.memory_space<semaphore_mem>>) src(%dma_wait3A_23 : memref<632x16xf32, #tpu.memory_space<vmem_shared>>) dst(%dma_wait3A_21 : memref<632x16xf32, #tpu.memory_space<hbm>>)
      tpu.yield
    }) : () -> ()
    return
  }
}

#map = affine_map<(d0, d1) -> (0, 0, 0)>
#map1 = affine_map<(d0, d1) -> (0, 0)>
module attributes {stable_mosaic.version = 14 : i64} {
  func.func @_sc_degree(%arg0: i32, %arg1: i32, %arg2: memref<32x79x128xi32, #tpu.memory_space<hbm>>, %arg3: memref<10112x16xf32, #tpu.memory_space<hbm>>, %arg4: memref<128x16xf32, #tpu.memory_space<hbm>>, %arg5: memref<2x10112x16xf32, #tpu.memory_space<hbm>>, %arg6: memref<10112x16xf32, #tpu.memory_space<vmem_shared>>, %arg7: memref<79x128xi32, #tpu.memory_space<vmem>>, %arg8: memref<128x16xf32, #tpu.memory_space<vmem>>) attributes {dimension_semantics = [#tpu.dimension_semantics<core_parallel>, #tpu.dimension_semantics<subcore_parallel>], iteration_bounds = array<i64: 2, 16>, scalar_prefetch = 0 : i64, scratch_operands = 3 : i64, tpu.core_type = #tpu.core_type<sc_vector_subcore>, window_params = [{transform_indices = #map}, {transform_indices = #map1}, {transform_indices = #map1}, {transform_indices = #map}]} {
    %mul3A = arith.constant 16 : i32
    %mul3A_0 = arith.muli %arg0, %mul3A : i32
    %add3A = arith.addi %mul3A_0, %arg1 : i32
    %mul3A_1 = arith.constant 632 : i32
    %mul3A_2 = arith.muli %arg1, %mul3A_1 : i32
    "tpu.region"() ({
      %run_scoped3A = tpu.sem_alloc : memref<!tpu.dma_semaphore, #tpu.memory_space<semaphore_mem>>
      %dma_start3A = arith.constant 0 : i32
      %dma_start3A_9 = tpu.memref_slice %arg6[%mul3A_2, %dma_start3A] : memref<10112x16xf32, #tpu.memory_space<vmem_shared>> -> memref<632x16xf32, #tpu.memory_space<vmem_shared>>
      %dma_start3A_10 = arith.constant 0 : i32
      %dma_start3A_11 = tpu.memref_slice %arg3[%mul3A_2, %dma_start3A_10] : memref<10112x16xf32, #tpu.memory_space<hbm>> -> memref<632x16xf32, #tpu.memory_space<hbm>>
      tpu.enqueue_dma source(%dma_start3A_11 : memref<632x16xf32, #tpu.memory_space<hbm>>) target(%dma_start3A_9 : memref<632x16xf32, #tpu.memory_space<vmem_shared>>) target_semaphore(%run_scoped3A : memref<!tpu.dma_semaphore, #tpu.memory_space<semaphore_mem>>)
      %dma_wait3A = arith.constant 0 : i32
      %dma_wait3A_12 = tpu.memref_slice %arg6[%mul3A_2, %dma_wait3A] : memref<10112x16xf32, #tpu.memory_space<vmem_shared>> -> memref<632x16xf32, #tpu.memory_space<vmem_shared>>
      %dma_wait3A_13 = arith.constant 0 : i32
      %dma_wait3A_14 = tpu.memref_slice %arg3[%mul3A_2, %dma_wait3A_13] : memref<10112x16xf32, #tpu.memory_space<hbm>> -> memref<632x16xf32, #tpu.memory_space<hbm>>
      tpu.wait_dma2 semaphore(%run_scoped3A : memref<!tpu.dma_semaphore, #tpu.memory_space<semaphore_mem>>) src(%dma_wait3A_14 : memref<632x16xf32, #tpu.memory_space<hbm>>) dst(%dma_wait3A_12 : memref<632x16xf32, #tpu.memory_space<vmem_shared>>)
      tpu.yield
    }) : () -> ()
    "tpu.region"() ({
      %run_scoped3A = tpu.sem_alloc : memref<!tpu.dma_semaphore, #tpu.memory_space<semaphore_mem>>
      %dma_start3A = arith.constant 0 : i32
      %dma_start3A_9 = arith.constant 0 : i32
      %dma_start3A_10 = tpu.memref_slice %arg2[%add3A, %dma_start3A, %dma_start3A_9] : memref<32x79x128xi32, #tpu.memory_space<hbm>> -> memref<1x79x128xi32, #tpu.memory_space<hbm>>
      %dma_start3A_11 = tpu.memref_squeeze %dma_start3A_10 : memref<1x79x128xi32, #tpu.memory_space<hbm>> -> memref<79x128xi32, #tpu.memory_space<hbm>>
      %dma_start3A_12 = arith.constant 0 : i32
      %dma_start3A_13 = arith.constant 0 : i32
      %dma_start3A_14 = tpu.memref_slice %arg2[%add3A, %dma_start3A_12, %dma_start3A_13] : memref<32x79x128xi32, #tpu.memory_space<hbm>> -> memref<1x79x128xi32, #tpu.memory_space<hbm>>
      %dma_start3A_15 = tpu.memref_squeeze %dma_start3A_14 : memref<1x79x128xi32, #tpu.memory_space<hbm>> -> memref<79x128xi32, #tpu.memory_space<hbm>>
      tpu.enqueue_dma source(%dma_start3A_15 : memref<79x128xi32, #tpu.memory_space<hbm>>) target(%arg7 : memref<79x128xi32, #tpu.memory_space<vmem>>) target_semaphore(%run_scoped3A : memref<!tpu.dma_semaphore, #tpu.memory_space<semaphore_mem>>)
      %dma_wait3A = arith.constant 0 : i32
      %dma_wait3A_16 = arith.constant 0 : i32
      %dma_wait3A_17 = tpu.memref_slice %arg2[%add3A, %dma_wait3A, %dma_wait3A_16] : memref<32x79x128xi32, #tpu.memory_space<hbm>> -> memref<1x79x128xi32, #tpu.memory_space<hbm>>
      %dma_wait3A_18 = tpu.memref_squeeze %dma_wait3A_17 : memref<1x79x128xi32, #tpu.memory_space<hbm>> -> memref<79x128xi32, #tpu.memory_space<hbm>>
      %dma_wait3A_19 = arith.constant 0 : i32
      %dma_wait3A_20 = arith.constant 0 : i32
      %dma_wait3A_21 = tpu.memref_slice %arg2[%add3A, %dma_wait3A_19, %dma_wait3A_20] : memref<32x79x128xi32, #tpu.memory_space<hbm>> -> memref<1x79x128xi32, #tpu.memory_space<hbm>>
      %dma_wait3A_22 = tpu.memref_squeeze %dma_wait3A_21 : memref<1x79x128xi32, #tpu.memory_space<hbm>> -> memref<79x128xi32, #tpu.memory_space<hbm>>
      tpu.wait_dma2 semaphore(%run_scoped3A : memref<!tpu.dma_semaphore, #tpu.memory_space<semaphore_mem>>) src(%dma_wait3A_22 : memref<79x128xi32, #tpu.memory_space<hbm>>) dst(%arg7 : memref<79x128xi32, #tpu.memory_space<vmem>>)
      tpu.yield
    }) : () -> ()
    "tpu.region"() ({
      %run_scoped3A = tpu.sem_alloc : memref<!tpu.dma_semaphore, #tpu.memory_space<semaphore_mem>>
      tpu.enqueue_dma source(%arg4 : memref<128x16xf32, #tpu.memory_space<hbm>>) target(%arg8 : memref<128x16xf32, #tpu.memory_space<vmem>>) target_semaphore(%run_scoped3A : memref<!tpu.dma_semaphore, #tpu.memory_space<semaphore_mem>>)
      tpu.wait_dma2 semaphore(%run_scoped3A : memref<!tpu.dma_semaphore, #tpu.memory_space<semaphore_mem>>) src(%arg4 : memref<128x16xf32, #tpu.memory_space<hbm>>) dst(%arg8 : memref<128x16xf32, #tpu.memory_space<vmem>>)
      tpu.yield
    }) : () -> ()
    %barrier3A = arith.constant 0 : index
    tpu.barrier barrier_id(%barrier3A)
    %scan3A = arith.constant 0 : i32
    %scan3A_3 = arith.constant 0 : i32
    %scan3A_4 = arith.constant 79 : i32
    %scan3A_5 = arith.addi %scan3A_3, %scan3A_4 : i32
    %scan3A_6 = arith.constant 1 : i32
    scf.for %scan3A_9 = %scan3A_3 to %scan3A_5 step %scan3A_6  : i32 {
      "tpu.region"() ({
        %run_scoped3A = tpu.sem_alloc : memref<!tpu.dma_semaphore, #tpu.memory_space<semaphore_mem>>
        %dma_start3A = arith.constant 0 : i32
        %dma_start3A_10 = tpu.memref_slice %arg7[%scan3A_9, %dma_start3A] : memref<79x128xi32, #tpu.memory_space<vmem>> -> memref<1x128xi32, #tpu.memory_space<vmem>>
        %dma_start3A_11 = tpu.memref_squeeze %dma_start3A_10 : memref<1x128xi32, #tpu.memory_space<vmem>> -> memref<128xi32, #tpu.memory_space<vmem>>
        %dma_start3A_12 = arith.constant 0 : i32
        %dma_start3A_13 = arith.constant 0 : i32
        %dma_start3A_14 = tpu.memref_slice %arg6[%dma_start3A_12, %dma_start3A_13] : memref<10112x16xf32, #tpu.memory_space<vmem_shared>> -> memref<10112x16xf32, #tpu.memory_space<vmem_shared>>
        tpu.enqueue_indirect_dma source(%arg8 : memref<128x16xf32, #tpu.memory_space<vmem>>) target(%dma_start3A_14 : memref<10112x16xf32, #tpu.memory_space<vmem_shared>>) offsets(%dma_start3A_11 : memref<128xi32, #tpu.memory_space<vmem>>) semaphore(%run_scoped3A : memref<!tpu.dma_semaphore, #tpu.memory_space<semaphore_mem>>) {add = true}
        %dma_wait3A = arith.constant 0 : i32
        %dma_wait3A_15 = tpu.memref_slice %arg7[%scan3A_9, %dma_wait3A] : memref<79x128xi32, #tpu.memory_space<vmem>> -> memref<1x128xi32, #tpu.memory_space<vmem>>
        %dma_wait3A_16 = tpu.memref_squeeze %dma_wait3A_15 : memref<1x128xi32, #tpu.memory_space<vmem>> -> memref<128xi32, #tpu.memory_space<vmem>>
        %dma_wait3A_17 = arith.constant 0 : i32
        %dma_wait3A_18 = arith.constant 0 : i32
        %dma_wait3A_19 = tpu.memref_slice %arg6[%dma_wait3A_17, %dma_wait3A_18] : memref<10112x16xf32, #tpu.memory_space<vmem_shared>> -> memref<10112x16xf32, #tpu.memory_space<vmem_shared>>
        tpu.wait_indirect_dma semaphore(%run_scoped3A : memref<!tpu.dma_semaphore, #tpu.memory_space<semaphore_mem>>) src(%arg8 : memref<128x16xf32, #tpu.memory_space<vmem>>) dst(%dma_wait3A_19 : memref<10112x16xf32, #tpu.memory_space<vmem_shared>>)
        tpu.yield
      }) : () -> ()
    }
    %scan3A_7 = arith.constant 79 : i32
    %barrier3A_8 = arith.constant 0 : index
    tpu.barrier barrier_id(%barrier3A_8)
    "tpu.region"() ({
      %run_scoped3A = tpu.sem_alloc : memref<!tpu.dma_semaphore, #tpu.memory_space<semaphore_mem>>
      %dma_start3A = arith.constant 0 : i32
      %dma_start3A_9 = tpu.memref_slice %arg5[%arg0, %mul3A_2, %dma_start3A] : memref<2x10112x16xf32, #tpu.memory_space<hbm>> -> memref<1x632x16xf32, #tpu.memory_space<hbm>>
      %dma_start3A_10 = tpu.memref_squeeze %dma_start3A_9 : memref<1x632x16xf32, #tpu.memory_space<hbm>> -> memref<632x16xf32, #tpu.memory_space<hbm>>
      %dma_start3A_11 = arith.constant 0 : i32
      %dma_start3A_12 = tpu.memref_slice %arg6[%mul3A_2, %dma_start3A_11] : memref<10112x16xf32, #tpu.memory_space<vmem_shared>> -> memref<632x16xf32, #tpu.memory_space<vmem_shared>>
      tpu.enqueue_dma source(%dma_start3A_12 : memref<632x16xf32, #tpu.memory_space<vmem_shared>>) target(%dma_start3A_10 : memref<632x16xf32, #tpu.memory_space<hbm>>) target_semaphore(%run_scoped3A : memref<!tpu.dma_semaphore, #tpu.memory_space<semaphore_mem>>)
      %dma_wait3A = arith.constant 0 : i32
      %dma_wait3A_13 = tpu.memref_slice %arg5[%arg0, %mul3A_2, %dma_wait3A] : memref<2x10112x16xf32, #tpu.memory_space<hbm>> -> memref<1x632x16xf32, #tpu.memory_space<hbm>>
      %dma_wait3A_14 = tpu.memref_squeeze %dma_wait3A_13 : memref<1x632x16xf32, #tpu.memory_space<hbm>> -> memref<632x16xf32, #tpu.memory_space<hbm>>
      %dma_wait3A_15 = arith.constant 0 : i32
      %dma_wait3A_16 = tpu.memref_slice %arg6[%mul3A_2, %dma_wait3A_15] : memref<10112x16xf32, #tpu.memory_space<vmem_shared>> -> memref<632x16xf32, #tpu.memory_space<vmem_shared>>
      tpu.wait_dma2 semaphore(%run_scoped3A : memref<!tpu.dma_semaphore, #tpu.memory_space<semaphore_mem>>) src(%dma_wait3A_16 : memref<632x16xf32, #tpu.memory_space<vmem_shared>>) dst(%dma_wait3A_14 : memref<632x16xf32, #tpu.memory_space<hbm>>)
      tpu.yield
    }) : () -> ()
    return
  }
}

#map = affine_map<(d0, d1) -> (0, 0)>
#map1 = affine_map<(d0, d1) -> (0, 0, 0)>
module attributes {stable_mosaic.version = 14 : i64} {
  func.func @sc_scatter(%arg0: i32, %arg1: i32, %arg2: memref<10112x16xf32, #tpu.memory_space<hbm>>, %arg3: memref<32x79x128xi32, #tpu.memory_space<hbm>>, %arg4: memref<32x79x128xi32, #tpu.memory_space<hbm>>, %arg5: memref<10112x16xf32, #tpu.memory_space<hbm>>, %arg6: memref<2x10112x16xf32, #tpu.memory_space<hbm>>, %arg7: memref<10112x16xf32, #tpu.memory_space<vmem_shared>>, %arg8: memref<79x128xi32, #tpu.memory_space<vmem>>, %arg9: memref<79x128xi32, #tpu.memory_space<vmem>>, %arg10: memref<128x16xf32, #tpu.memory_space<vmem>>, %arg11: memref<128x16xf32, #tpu.memory_space<vmem>>, %arg12: memref<!tpu.dma_semaphore, #tpu.memory_space<semaphore_mem>>, %arg13: memref<!tpu.dma_semaphore, #tpu.memory_space<semaphore_mem>>) attributes {dimension_semantics = [#tpu.dimension_semantics<core_parallel>, #tpu.dimension_semantics<subcore_parallel>], iteration_bounds = array<i64: 2, 16>, scalar_prefetch = 0 : i64, scratch_operands = 7 : i64, tpu.core_type = #tpu.core_type<sc_vector_subcore>, window_params = [{transform_indices = #map}, {transform_indices = #map1}, {transform_indices = #map1}, {transform_indices = #map}, {transform_indices = #map1}]} {
    %mul3A = arith.constant 16 : i32
    %mul3A_0 = arith.muli %arg0, %mul3A : i32
    %add3A = arith.addi %mul3A_0, %arg1 : i32
    %mul3A_1 = arith.constant 632 : i32
    %mul3A_2 = arith.muli %arg1, %mul3A_1 : i32
    "tpu.region"() ({
      %run_scoped3A = tpu.sem_alloc : memref<!tpu.dma_semaphore, #tpu.memory_space<semaphore_mem>>
      %dma_start3A_15 = arith.constant 0 : i32
      %dma_start3A_16 = tpu.memref_slice %arg7[%mul3A_2, %dma_start3A_15] : memref<10112x16xf32, #tpu.memory_space<vmem_shared>> -> memref<632x16xf32, #tpu.memory_space<vmem_shared>>
      %dma_start3A_17 = arith.constant 0 : i32
      %dma_start3A_18 = tpu.memref_slice %arg5[%mul3A_2, %dma_start3A_17] : memref<10112x16xf32, #tpu.memory_space<hbm>> -> memref<632x16xf32, #tpu.memory_space<hbm>>
      tpu.enqueue_dma source(%dma_start3A_18 : memref<632x16xf32, #tpu.memory_space<hbm>>) target(%dma_start3A_16 : memref<632x16xf32, #tpu.memory_space<vmem_shared>>) target_semaphore(%run_scoped3A : memref<!tpu.dma_semaphore, #tpu.memory_space<semaphore_mem>>)
      %dma_wait3A = arith.constant 0 : i32
      %dma_wait3A_19 = tpu.memref_slice %arg7[%mul3A_2, %dma_wait3A] : memref<10112x16xf32, #tpu.memory_space<vmem_shared>> -> memref<632x16xf32, #tpu.memory_space<vmem_shared>>
      %dma_wait3A_20 = arith.constant 0 : i32
      %dma_wait3A_21 = tpu.memref_slice %arg5[%mul3A_2, %dma_wait3A_20] : memref<10112x16xf32, #tpu.memory_space<hbm>> -> memref<632x16xf32, #tpu.memory_space<hbm>>
      tpu.wait_dma2 semaphore(%run_scoped3A : memref<!tpu.dma_semaphore, #tpu.memory_space<semaphore_mem>>) src(%dma_wait3A_21 : memref<632x16xf32, #tpu.memory_space<hbm>>) dst(%dma_wait3A_19 : memref<632x16xf32, #tpu.memory_space<vmem_shared>>)
      tpu.yield
    }) : () -> ()
    "tpu.region"() ({
      %run_scoped3A = tpu.sem_alloc : memref<!tpu.dma_semaphore, #tpu.memory_space<semaphore_mem>>
      %dma_start3A_15 = arith.constant 0 : i32
      %dma_start3A_16 = arith.constant 0 : i32
      %dma_start3A_17 = tpu.memref_slice %arg3[%add3A, %dma_start3A_15, %dma_start3A_16] : memref<32x79x128xi32, #tpu.memory_space<hbm>> -> memref<1x79x128xi32, #tpu.memory_space<hbm>>
      %dma_start3A_18 = tpu.memref_squeeze %dma_start3A_17 : memref<1x79x128xi32, #tpu.memory_space<hbm>> -> memref<79x128xi32, #tpu.memory_space<hbm>>
      %dma_start3A_19 = arith.constant 0 : i32
      %dma_start3A_20 = arith.constant 0 : i32
      %dma_start3A_21 = tpu.memref_slice %arg3[%add3A, %dma_start3A_19, %dma_start3A_20] : memref<32x79x128xi32, #tpu.memory_space<hbm>> -> memref<1x79x128xi32, #tpu.memory_space<hbm>>
      %dma_start3A_22 = tpu.memref_squeeze %dma_start3A_21 : memref<1x79x128xi32, #tpu.memory_space<hbm>> -> memref<79x128xi32, #tpu.memory_space<hbm>>
      tpu.enqueue_dma source(%dma_start3A_22 : memref<79x128xi32, #tpu.memory_space<hbm>>) target(%arg8 : memref<79x128xi32, #tpu.memory_space<vmem>>) target_semaphore(%run_scoped3A : memref<!tpu.dma_semaphore, #tpu.memory_space<semaphore_mem>>)
      %dma_wait3A = arith.constant 0 : i32
      %dma_wait3A_23 = arith.constant 0 : i32
      %dma_wait3A_24 = tpu.memref_slice %arg3[%add3A, %dma_wait3A, %dma_wait3A_23] : memref<32x79x128xi32, #tpu.memory_space<hbm>> -> memref<1x79x128xi32, #tpu.memory_space<hbm>>
      %dma_wait3A_25 = tpu.memref_squeeze %dma_wait3A_24 : memref<1x79x128xi32, #tpu.memory_space<hbm>> -> memref<79x128xi32, #tpu.memory_space<hbm>>
      %dma_wait3A_26 = arith.constant 0 : i32
      %dma_wait3A_27 = arith.constant 0 : i32
      %dma_wait3A_28 = tpu.memref_slice %arg3[%add3A, %dma_wait3A_26, %dma_wait3A_27] : memref<32x79x128xi32, #tpu.memory_space<hbm>> -> memref<1x79x128xi32, #tpu.memory_space<hbm>>
      %dma_wait3A_29 = tpu.memref_squeeze %dma_wait3A_28 : memref<1x79x128xi32, #tpu.memory_space<hbm>> -> memref<79x128xi32, #tpu.memory_space<hbm>>
      tpu.wait_dma2 semaphore(%run_scoped3A : memref<!tpu.dma_semaphore, #tpu.memory_space<semaphore_mem>>) src(%dma_wait3A_29 : memref<79x128xi32, #tpu.memory_space<hbm>>) dst(%arg8 : memref<79x128xi32, #tpu.memory_space<vmem>>)
      tpu.yield
    }) : () -> ()
    "tpu.region"() ({
      %run_scoped3A = tpu.sem_alloc : memref<!tpu.dma_semaphore, #tpu.memory_space<semaphore_mem>>
      %dma_start3A_15 = arith.constant 0 : i32
      %dma_start3A_16 = arith.constant 0 : i32
      %dma_start3A_17 = tpu.memref_slice %arg4[%add3A, %dma_start3A_15, %dma_start3A_16] : memref<32x79x128xi32, #tpu.memory_space<hbm>> -> memref<1x79x128xi32, #tpu.memory_space<hbm>>
      %dma_start3A_18 = tpu.memref_squeeze %dma_start3A_17 : memref<1x79x128xi32, #tpu.memory_space<hbm>> -> memref<79x128xi32, #tpu.memory_space<hbm>>
      %dma_start3A_19 = arith.constant 0 : i32
      %dma_start3A_20 = arith.constant 0 : i32
      %dma_start3A_21 = tpu.memref_slice %arg4[%add3A, %dma_start3A_19, %dma_start3A_20] : memref<32x79x128xi32, #tpu.memory_space<hbm>> -> memref<1x79x128xi32, #tpu.memory_space<hbm>>
      %dma_start3A_22 = tpu.memref_squeeze %dma_start3A_21 : memref<1x79x128xi32, #tpu.memory_space<hbm>> -> memref<79x128xi32, #tpu.memory_space<hbm>>
      tpu.enqueue_dma source(%dma_start3A_22 : memref<79x128xi32, #tpu.memory_space<hbm>>) target(%arg9 : memref<79x128xi32, #tpu.memory_space<vmem>>) target_semaphore(%run_scoped3A : memref<!tpu.dma_semaphore, #tpu.memory_space<semaphore_mem>>)
      %dma_wait3A = arith.constant 0 : i32
      %dma_wait3A_23 = arith.constant 0 : i32
      %dma_wait3A_24 = tpu.memref_slice %arg4[%add3A, %dma_wait3A, %dma_wait3A_23] : memref<32x79x128xi32, #tpu.memory_space<hbm>> -> memref<1x79x128xi32, #tpu.memory_space<hbm>>
      %dma_wait3A_25 = tpu.memref_squeeze %dma_wait3A_24 : memref<1x79x128xi32, #tpu.memory_space<hbm>> -> memref<79x128xi32, #tpu.memory_space<hbm>>
      %dma_wait3A_26 = arith.constant 0 : i32
      %dma_wait3A_27 = arith.constant 0 : i32
      %dma_wait3A_28 = tpu.memref_slice %arg4[%add3A, %dma_wait3A_26, %dma_wait3A_27] : memref<32x79x128xi32, #tpu.memory_space<hbm>> -> memref<1x79x128xi32, #tpu.memory_space<hbm>>
      %dma_wait3A_29 = tpu.memref_squeeze %dma_wait3A_28 : memref<1x79x128xi32, #tpu.memory_space<hbm>> -> memref<79x128xi32, #tpu.memory_space<hbm>>
      tpu.wait_dma2 semaphore(%run_scoped3A : memref<!tpu.dma_semaphore, #tpu.memory_space<semaphore_mem>>) src(%dma_wait3A_29 : memref<79x128xi32, #tpu.memory_space<hbm>>) dst(%arg9 : memref<79x128xi32, #tpu.memory_space<vmem>>)
      tpu.yield
    }) : () -> ()
    %barrier3A = arith.constant 0 : index
    tpu.barrier barrier_id(%barrier3A)
    %dma_start3A = arith.constant 0 : i32
    %dma_start3A_3 = arith.constant 0 : i32
    %dma_start3A_4 = tpu.memref_slice %arg8[%dma_start3A, %dma_start3A_3] : memref<79x128xi32, #tpu.memory_space<vmem>> -> memref<1x128xi32, #tpu.memory_space<vmem>>
    %dma_start3A_5 = tpu.memref_squeeze %dma_start3A_4 : memref<1x128xi32, #tpu.memory_space<vmem>> -> memref<128xi32, #tpu.memory_space<vmem>>
    %dma_start3A_6 = arith.constant 0 : i32
    %dma_start3A_7 = arith.constant 0 : i32
    %dma_start3A_8 = tpu.memref_slice %arg2[%dma_start3A_6, %dma_start3A_7] : memref<10112x16xf32, #tpu.memory_space<hbm>> -> memref<10112x16xf32, #tpu.memory_space<hbm>>
    tpu.enqueue_indirect_dma source(%dma_start3A_8 : memref<10112x16xf32, #tpu.memory_space<hbm>>) target(%arg10 : memref<128x16xf32, #tpu.memory_space<vmem>>) offsets(%dma_start3A_5 : memref<128xi32, #tpu.memory_space<vmem>>) semaphore(%arg12 : memref<!tpu.dma_semaphore, #tpu.memory_space<semaphore_mem>>)
    %scan3A = arith.constant 0 : i32
    %scan3A_9 = arith.constant 0 : i32
    %scan3A_10 = arith.constant 79 : i32
    %scan3A_11 = arith.addi %scan3A_9, %scan3A_10 : i32
    %scan3A_12 = arith.constant 1 : i32
    scf.for %scan3A_15 = %scan3A_9 to %scan3A_11 step %scan3A_12  : i32 {
      %rem3A = arith.constant 2 : i32
      %rem3A_16 = arith.remsi %scan3A_15, %rem3A : i32
      %eq3A = arith.constant 0 : i32
      %eq3A_17 = arith.cmpi eq, %rem3A_16, %eq3A : i32
      %convert_element_type3A = arith.extui %eq3A_17 : i1 to i32
      %cond3A = arith.constant 0 : i32
      %cond3A_18 = arith.cmpi ne, %convert_element_type3A, %cond3A : i32
      scf.if %cond3A_18 {
        %add3A_26 = arith.constant 1 : i32
        %add3A_27 = arith.addi %scan3A_15, %add3A_26 : i32
        %lt3A = arith.constant 79 : i32
        %lt3A_28 = arith.cmpi slt, %add3A_27, %lt3A : i32
        %convert_element_type3A_29 = arith.extui %lt3A_28 : i1 to i32
        %cond3A_30 = arith.constant 0 : i32
        %cond3A_31 = arith.cmpi ne, %convert_element_type3A_29, %cond3A_30 : i32
        scf.if %cond3A_31 {
          %add3A_37 = arith.constant 1 : i32
          %add3A_38 = arith.addi %scan3A_15, %add3A_37 : i32
          %dma_start3A_39 = arith.constant 0 : i32
          %dma_start3A_40 = tpu.memref_slice %arg8[%add3A_38, %dma_start3A_39] : memref<79x128xi32, #tpu.memory_space<vmem>> -> memref<1x128xi32, #tpu.memory_space<vmem>>
          %dma_start3A_41 = tpu.memref_squeeze %dma_start3A_40 : memref<1x128xi32, #tpu.memory_space<vmem>> -> memref<128xi32, #tpu.memory_space<vmem>>
          %dma_start3A_42 = arith.constant 0 : i32
          %dma_start3A_43 = arith.constant 0 : i32
          %dma_start3A_44 = tpu.memref_slice %arg2[%dma_start3A_42, %dma_start3A_43] : memref<10112x16xf32, #tpu.memory_space<hbm>> -> memref<10112x16xf32, #tpu.memory_space<hbm>>
          tpu.enqueue_indirect_dma source(%dma_start3A_44 : memref<10112x16xf32, #tpu.memory_space<hbm>>) target(%arg11 : memref<128x16xf32, #tpu.memory_space<vmem>>) offsets(%dma_start3A_41 : memref<128xi32, #tpu.memory_space<vmem>>) semaphore(%arg13 : memref<!tpu.dma_semaphore, #tpu.memory_space<semaphore_mem>>)
        } else {
        }
        %dma_wait3A = arith.constant 0 : i32
        %dma_wait3A_32 = tpu.memref_slice %arg8[%scan3A_15, %dma_wait3A] : memref<79x128xi32, #tpu.memory_space<vmem>> -> memref<1x128xi32, #tpu.memory_space<vmem>>
        %dma_wait3A_33 = tpu.memref_squeeze %dma_wait3A_32 : memref<1x128xi32, #tpu.memory_space<vmem>> -> memref<128xi32, #tpu.memory_space<vmem>>
        %dma_wait3A_34 = arith.constant 0 : i32
        %dma_wait3A_35 = arith.constant 0 : i32
        %dma_wait3A_36 = tpu.memref_slice %arg2[%dma_wait3A_34, %dma_wait3A_35] : memref<10112x16xf32, #tpu.memory_space<hbm>> -> memref<10112x16xf32, #tpu.memory_space<hbm>>
        tpu.wait_indirect_dma semaphore(%arg12 : memref<!tpu.dma_semaphore, #tpu.memory_space<semaphore_mem>>) src(%dma_wait3A_36 : memref<10112x16xf32, #tpu.memory_space<hbm>>) dst(%arg10 : memref<128x16xf32, #tpu.memory_space<vmem>>)
        "tpu.region"() ({
          %run_scoped3A = tpu.sem_alloc : memref<!tpu.dma_semaphore, #tpu.memory_space<semaphore_mem>>
          %dma_start3A_37 = arith.constant 0 : i32
          %dma_start3A_38 = tpu.memref_slice %arg9[%scan3A_15, %dma_start3A_37] : memref<79x128xi32, #tpu.memory_space<vmem>> -> memref<1x128xi32, #tpu.memory_space<vmem>>
          %dma_start3A_39 = tpu.memref_squeeze %dma_start3A_38 : memref<1x128xi32, #tpu.memory_space<vmem>> -> memref<128xi32, #tpu.memory_space<vmem>>
          %dma_start3A_40 = arith.constant 0 : i32
          %dma_start3A_41 = arith.constant 0 : i32
          %dma_start3A_42 = tpu.memref_slice %arg7[%dma_start3A_40, %dma_start3A_41] : memref<10112x16xf32, #tpu.memory_space<vmem_shared>> -> memref<10112x16xf32, #tpu.memory_space<vmem_shared>>
          tpu.enqueue_indirect_dma source(%arg10 : memref<128x16xf32, #tpu.memory_space<vmem>>) target(%dma_start3A_42 : memref<10112x16xf32, #tpu.memory_space<vmem_shared>>) offsets(%dma_start3A_39 : memref<128xi32, #tpu.memory_space<vmem>>) semaphore(%run_scoped3A : memref<!tpu.dma_semaphore, #tpu.memory_space<semaphore_mem>>) {add = true}
          %dma_wait3A_43 = arith.constant 0 : i32
          %dma_wait3A_44 = tpu.memref_slice %arg9[%scan3A_15, %dma_wait3A_43] : memref<79x128xi32, #tpu.memory_space<vmem>> -> memref<1x128xi32, #tpu.memory_space<vmem>>
          %dma_wait3A_45 = tpu.memref_squeeze %dma_wait3A_44 : memref<1x128xi32, #tpu.memory_space<vmem>> -> memref<128xi32, #tpu.memory_space<vmem>>
          %dma_wait3A_46 = arith.constant 0 : i32
          %dma_wait3A_47 = arith.constant 0 : i32
          %dma_wait3A_48 = tpu.memref_slice %arg7[%dma_wait3A_46, %dma_wait3A_47] : memref<10112x16xf32, #tpu.memory_space<vmem_shared>> -> memref<10112x16xf32, #tpu.memory_space<vmem_shared>>
          tpu.wait_indirect_dma semaphore(%run_scoped3A : memref<!tpu.dma_semaphore, #tpu.memory_space<semaphore_mem>>) src(%arg10 : memref<128x16xf32, #tpu.memory_space<vmem>>) dst(%dma_wait3A_48 : memref<10112x16xf32, #tpu.memory_space<vmem_shared>>)
          tpu.yield
        }) : () -> ()
      } else {
      }
      %rem3A_19 = arith.constant 2 : i32
      %rem3A_20 = arith.remsi %scan3A_15, %rem3A_19 : i32
      %eq3A_21 = arith.constant 1 : i32
      %eq3A_22 = arith.cmpi eq, %rem3A_20, %eq3A_21 : i32
      %convert_element_type3A_23 = arith.extui %eq3A_22 : i1 to i32
      %cond3A_24 = arith.constant 0 : i32
      %cond3A_25 = arith.cmpi ne, %convert_element_type3A_23, %cond3A_24 : i32
      scf.if %cond3A_25 {
        %add3A_26 = arith.constant 1 : i32
        %add3A_27 = arith.addi %scan3A_15, %add3A_26 : i32
        %lt3A = arith.constant 79 : i32
        %lt3A_28 = arith.cmpi slt, %add3A_27, %lt3A : i32
        %convert_element_type3A_29 = arith.extui %lt3A_28 : i1 to i32
        %cond3A_30 = arith.constant 0 : i32
        %cond3A_31 = arith.cmpi ne, %convert_element_type3A_29, %cond3A_30 : i32
        scf.if %cond3A_31 {
          %add3A_37 = arith.constant 1 : i32
          %add3A_38 = arith.addi %scan3A_15, %add3A_37 : i32
          %dma_start3A_39 = arith.constant 0 : i32
          %dma_start3A_40 = tpu.memref_slice %arg8[%add3A_38, %dma_start3A_39] : memref<79x128xi32, #tpu.memory_space<vmem>> -> memref<1x128xi32, #tpu.memory_space<vmem>>
          %dma_start3A_41 = tpu.memref_squeeze %dma_start3A_40 : memref<1x128xi32, #tpu.memory_space<vmem>> -> memref<128xi32, #tpu.memory_space<vmem>>
          %dma_start3A_42 = arith.constant 0 : i32
          %dma_start3A_43 = arith.constant 0 : i32
          %dma_start3A_44 = tpu.memref_slice %arg2[%dma_start3A_42, %dma_start3A_43] : memref<10112x16xf32, #tpu.memory_space<hbm>> -> memref<10112x16xf32, #tpu.memory_space<hbm>>
          tpu.enqueue_indirect_dma source(%dma_start3A_44 : memref<10112x16xf32, #tpu.memory_space<hbm>>) target(%arg10 : memref<128x16xf32, #tpu.memory_space<vmem>>) offsets(%dma_start3A_41 : memref<128xi32, #tpu.memory_space<vmem>>) semaphore(%arg12 : memref<!tpu.dma_semaphore, #tpu.memory_space<semaphore_mem>>)
        } else {
        }
        %dma_wait3A = arith.constant 0 : i32
        %dma_wait3A_32 = tpu.memref_slice %arg8[%scan3A_15, %dma_wait3A] : memref<79x128xi32, #tpu.memory_space<vmem>> -> memref<1x128xi32, #tpu.memory_space<vmem>>
        %dma_wait3A_33 = tpu.memref_squeeze %dma_wait3A_32 : memref<1x128xi32, #tpu.memory_space<vmem>> -> memref<128xi32, #tpu.memory_space<vmem>>
        %dma_wait3A_34 = arith.constant 0 : i32
        %dma_wait3A_35 = arith.constant 0 : i32
        %dma_wait3A_36 = tpu.memref_slice %arg2[%dma_wait3A_34, %dma_wait3A_35] : memref<10112x16xf32, #tpu.memory_space<hbm>> -> memref<10112x16xf32, #tpu.memory_space<hbm>>
        tpu.wait_indirect_dma semaphore(%arg13 : memref<!tpu.dma_semaphore, #tpu.memory_space<semaphore_mem>>) src(%dma_wait3A_36 : memref<10112x16xf32, #tpu.memory_space<hbm>>) dst(%arg11 : memref<128x16xf32, #tpu.memory_space<vmem>>)
        "tpu.region"() ({
          %run_scoped3A = tpu.sem_alloc : memref<!tpu.dma_semaphore, #tpu.memory_space<semaphore_mem>>
          %dma_start3A_37 = arith.constant 0 : i32
          %dma_start3A_38 = tpu.memref_slice %arg9[%scan3A_15, %dma_start3A_37] : memref<79x128xi32, #tpu.memory_space<vmem>> -> memref<1x128xi32, #tpu.memory_space<vmem>>
          %dma_start3A_39 = tpu.memref_squeeze %dma_start3A_38 : memref<1x128xi32, #tpu.memory_space<vmem>> -> memref<128xi32, #tpu.memory_space<vmem>>
          %dma_start3A_40 = arith.constant 0 : i32
          %dma_start3A_41 = arith.constant 0 : i32
          %dma_start3A_42 = tpu.memref_slice %arg7[%dma_start3A_40, %dma_start3A_41] : memref<10112x16xf32, #tpu.memory_space<vmem_shared>> -> memref<10112x16xf32, #tpu.memory_space<vmem_shared>>
          tpu.enqueue_indirect_dma source(%arg11 : memref<128x16xf32, #tpu.memory_space<vmem>>) target(%dma_start3A_42 : memref<10112x16xf32, #tpu.memory_space<vmem_shared>>) offsets(%dma_start3A_39 : memref<128xi32, #tpu.memory_space<vmem>>) semaphore(%run_scoped3A : memref<!tpu.dma_semaphore, #tpu.memory_space<semaphore_mem>>) {add = true}
          %dma_wait3A_43 = arith.constant 0 : i32
          %dma_wait3A_44 = tpu.memref_slice %arg9[%scan3A_15, %dma_wait3A_43] : memref<79x128xi32, #tpu.memory_space<vmem>> -> memref<1x128xi32, #tpu.memory_space<vmem>>
          %dma_wait3A_45 = tpu.memref_squeeze %dma_wait3A_44 : memref<1x128xi32, #tpu.memory_space<vmem>> -> memref<128xi32, #tpu.memory_space<vmem>>
          %dma_wait3A_46 = arith.constant 0 : i32
          %dma_wait3A_47 = arith.constant 0 : i32
          %dma_wait3A_48 = tpu.memref_slice %arg7[%dma_wait3A_46, %dma_wait3A_47] : memref<10112x16xf32, #tpu.memory_space<vmem_shared>> -> memref<10112x16xf32, #tpu.memory_space<vmem_shared>>
          tpu.wait_indirect_dma semaphore(%run_scoped3A : memref<!tpu.dma_semaphore, #tpu.memory_space<semaphore_mem>>) src(%arg11 : memref<128x16xf32, #tpu.memory_space<vmem>>) dst(%dma_wait3A_48 : memref<10112x16xf32, #tpu.memory_space<vmem_shared>>)
          tpu.yield
        }) : () -> ()
      } else {
      }
    }
    %scan3A_13 = arith.constant 79 : i32
    %barrier3A_14 = arith.constant 0 : index
    tpu.barrier barrier_id(%barrier3A_14)
    "tpu.region"() ({
      %run_scoped3A = tpu.sem_alloc : memref<!tpu.dma_semaphore, #tpu.memory_space<semaphore_mem>>
      %dma_start3A_15 = arith.constant 0 : i32
      %dma_start3A_16 = tpu.memref_slice %arg6[%arg0, %mul3A_2, %dma_start3A_15] : memref<2x10112x16xf32, #tpu.memory_space<hbm>> -> memref<1x632x16xf32, #tpu.memory_space<hbm>>
      %dma_start3A_17 = tpu.memref_squeeze %dma_start3A_16 : memref<1x632x16xf32, #tpu.memory_space<hbm>> -> memref<632x16xf32, #tpu.memory_space<hbm>>
      %dma_start3A_18 = arith.constant 0 : i32
      %dma_start3A_19 = tpu.memref_slice %arg7[%mul3A_2, %dma_start3A_18] : memref<10112x16xf32, #tpu.memory_space<vmem_shared>> -> memref<632x16xf32, #tpu.memory_space<vmem_shared>>
      tpu.enqueue_dma source(%dma_start3A_19 : memref<632x16xf32, #tpu.memory_space<vmem_shared>>) target(%dma_start3A_17 : memref<632x16xf32, #tpu.memory_space<hbm>>) target_semaphore(%run_scoped3A : memref<!tpu.dma_semaphore, #tpu.memory_space<semaphore_mem>>)
      %dma_wait3A = arith.constant 0 : i32
      %dma_wait3A_20 = tpu.memref_slice %arg6[%arg0, %mul3A_2, %dma_wait3A] : memref<2x10112x16xf32, #tpu.memory_space<hbm>> -> memref<1x632x16xf32, #tpu.memory_space<hbm>>
      %dma_wait3A_21 = tpu.memref_squeeze %dma_wait3A_20 : memref<1x632x16xf32, #tpu.memory_space<hbm>> -> memref<632x16xf32, #tpu.memory_space<hbm>>
      %dma_wait3A_22 = arith.constant 0 : i32
      %dma_wait3A_23 = tpu.memref_slice %arg7[%mul3A_2, %dma_wait3A_22] : memref<10112x16xf32, #tpu.memory_space<vmem_shared>> -> memref<632x16xf32, #tpu.memory_space<vmem_shared>>
      tpu.wait_dma2 semaphore(%run_scoped3A : memref<!tpu.dma_semaphore, #tpu.memory_space<semaphore_mem>>) src(%dma_wait3A_23 : memref<632x16xf32, #tpu.memory_space<vmem_shared>>) dst(%dma_wait3A_21 : memref<632x16xf32, #tpu.memory_space<hbm>>)
      tpu.yield
    }) : () -> ()
    return
  }
}

#map = affine_map<(d0, d1) -> (0, 0)>
#map1 = affine_map<(d0, d1) -> (0, 0, 0)>
module attributes {stable_mosaic.version = 14 : i64} {
  func.func @sc_scatter(%arg0: i32, %arg1: i32, %arg2: memref<10112x64xf32, #tpu.memory_space<hbm>>, %arg3: memref<32x79x128xi32, #tpu.memory_space<hbm>>, %arg4: memref<32x79x128xi32, #tpu.memory_space<hbm>>, %arg5: memref<10112x64xf32, #tpu.memory_space<hbm>>, %arg6: memref<2x10112x64xf32, #tpu.memory_space<hbm>>, %arg7: memref<10112x64xf32, #tpu.memory_space<vmem_shared>>, %arg8: memref<79x128xi32, #tpu.memory_space<vmem>>, %arg9: memref<79x128xi32, #tpu.memory_space<vmem>>, %arg10: memref<128x64xf32, #tpu.memory_space<vmem>>, %arg11: memref<128x64xf32, #tpu.memory_space<vmem>>, %arg12: memref<!tpu.dma_semaphore, #tpu.memory_space<semaphore_mem>>, %arg13: memref<!tpu.dma_semaphore, #tpu.memory_space<semaphore_mem>>) attributes {dimension_semantics = [#tpu.dimension_semantics<core_parallel>, #tpu.dimension_semantics<subcore_parallel>], iteration_bounds = array<i64: 2, 16>, scalar_prefetch = 0 : i64, scratch_operands = 7 : i64, tpu.core_type = #tpu.core_type<sc_vector_subcore>, window_params = [{transform_indices = #map}, {transform_indices = #map1}, {transform_indices = #map1}, {transform_indices = #map}, {transform_indices = #map1}]} {
    %mul3A = arith.constant 16 : i32
    %mul3A_0 = arith.muli %arg0, %mul3A : i32
    %add3A = arith.addi %mul3A_0, %arg1 : i32
    %mul3A_1 = arith.constant 632 : i32
    %mul3A_2 = arith.muli %arg1, %mul3A_1 : i32
    "tpu.region"() ({
      %run_scoped3A = tpu.sem_alloc : memref<!tpu.dma_semaphore, #tpu.memory_space<semaphore_mem>>
      %dma_start3A_15 = arith.constant 0 : i32
      %dma_start3A_16 = tpu.memref_slice %arg7[%mul3A_2, %dma_start3A_15] : memref<10112x64xf32, #tpu.memory_space<vmem_shared>> -> memref<632x64xf32, #tpu.memory_space<vmem_shared>>
      %dma_start3A_17 = arith.constant 0 : i32
      %dma_start3A_18 = tpu.memref_slice %arg5[%mul3A_2, %dma_start3A_17] : memref<10112x64xf32, #tpu.memory_space<hbm>> -> memref<632x64xf32, #tpu.memory_space<hbm>>
      tpu.enqueue_dma source(%dma_start3A_18 : memref<632x64xf32, #tpu.memory_space<hbm>>) target(%dma_start3A_16 : memref<632x64xf32, #tpu.memory_space<vmem_shared>>) target_semaphore(%run_scoped3A : memref<!tpu.dma_semaphore, #tpu.memory_space<semaphore_mem>>)
      %dma_wait3A = arith.constant 0 : i32
      %dma_wait3A_19 = tpu.memref_slice %arg7[%mul3A_2, %dma_wait3A] : memref<10112x64xf32, #tpu.memory_space<vmem_shared>> -> memref<632x64xf32, #tpu.memory_space<vmem_shared>>
      %dma_wait3A_20 = arith.constant 0 : i32
      %dma_wait3A_21 = tpu.memref_slice %arg5[%mul3A_2, %dma_wait3A_20] : memref<10112x64xf32, #tpu.memory_space<hbm>> -> memref<632x64xf32, #tpu.memory_space<hbm>>
      tpu.wait_dma2 semaphore(%run_scoped3A : memref<!tpu.dma_semaphore, #tpu.memory_space<semaphore_mem>>) src(%dma_wait3A_21 : memref<632x64xf32, #tpu.memory_space<hbm>>) dst(%dma_wait3A_19 : memref<632x64xf32, #tpu.memory_space<vmem_shared>>)
      tpu.yield
    }) : () -> ()
    "tpu.region"() ({
      %run_scoped3A = tpu.sem_alloc : memref<!tpu.dma_semaphore, #tpu.memory_space<semaphore_mem>>
      %dma_start3A_15 = arith.constant 0 : i32
      %dma_start3A_16 = arith.constant 0 : i32
      %dma_start3A_17 = tpu.memref_slice %arg3[%add3A, %dma_start3A_15, %dma_start3A_16] : memref<32x79x128xi32, #tpu.memory_space<hbm>> -> memref<1x79x128xi32, #tpu.memory_space<hbm>>
      %dma_start3A_18 = tpu.memref_squeeze %dma_start3A_17 : memref<1x79x128xi32, #tpu.memory_space<hbm>> -> memref<79x128xi32, #tpu.memory_space<hbm>>
      %dma_start3A_19 = arith.constant 0 : i32
      %dma_start3A_20 = arith.constant 0 : i32
      %dma_start3A_21 = tpu.memref_slice %arg3[%add3A, %dma_start3A_19, %dma_start3A_20] : memref<32x79x128xi32, #tpu.memory_space<hbm>> -> memref<1x79x128xi32, #tpu.memory_space<hbm>>
      %dma_start3A_22 = tpu.memref_squeeze %dma_start3A_21 : memref<1x79x128xi32, #tpu.memory_space<hbm>> -> memref<79x128xi32, #tpu.memory_space<hbm>>
      tpu.enqueue_dma source(%dma_start3A_22 : memref<79x128xi32, #tpu.memory_space<hbm>>) target(%arg8 : memref<79x128xi32, #tpu.memory_space<vmem>>) target_semaphore(%run_scoped3A : memref<!tpu.dma_semaphore, #tpu.memory_space<semaphore_mem>>)
      %dma_wait3A = arith.constant 0 : i32
      %dma_wait3A_23 = arith.constant 0 : i32
      %dma_wait3A_24 = tpu.memref_slice %arg3[%add3A, %dma_wait3A, %dma_wait3A_23] : memref<32x79x128xi32, #tpu.memory_space<hbm>> -> memref<1x79x128xi32, #tpu.memory_space<hbm>>
      %dma_wait3A_25 = tpu.memref_squeeze %dma_wait3A_24 : memref<1x79x128xi32, #tpu.memory_space<hbm>> -> memref<79x128xi32, #tpu.memory_space<hbm>>
      %dma_wait3A_26 = arith.constant 0 : i32
      %dma_wait3A_27 = arith.constant 0 : i32
      %dma_wait3A_28 = tpu.memref_slice %arg3[%add3A, %dma_wait3A_26, %dma_wait3A_27] : memref<32x79x128xi32, #tpu.memory_space<hbm>> -> memref<1x79x128xi32, #tpu.memory_space<hbm>>
      %dma_wait3A_29 = tpu.memref_squeeze %dma_wait3A_28 : memref<1x79x128xi32, #tpu.memory_space<hbm>> -> memref<79x128xi32, #tpu.memory_space<hbm>>
      tpu.wait_dma2 semaphore(%run_scoped3A : memref<!tpu.dma_semaphore, #tpu.memory_space<semaphore_mem>>) src(%dma_wait3A_29 : memref<79x128xi32, #tpu.memory_space<hbm>>) dst(%arg8 : memref<79x128xi32, #tpu.memory_space<vmem>>)
      tpu.yield
    }) : () -> ()
    "tpu.region"() ({
      %run_scoped3A = tpu.sem_alloc : memref<!tpu.dma_semaphore, #tpu.memory_space<semaphore_mem>>
      %dma_start3A_15 = arith.constant 0 : i32
      %dma_start3A_16 = arith.constant 0 : i32
      %dma_start3A_17 = tpu.memref_slice %arg4[%add3A, %dma_start3A_15, %dma_start3A_16] : memref<32x79x128xi32, #tpu.memory_space<hbm>> -> memref<1x79x128xi32, #tpu.memory_space<hbm>>
      %dma_start3A_18 = tpu.memref_squeeze %dma_start3A_17 : memref<1x79x128xi32, #tpu.memory_space<hbm>> -> memref<79x128xi32, #tpu.memory_space<hbm>>
      %dma_start3A_19 = arith.constant 0 : i32
      %dma_start3A_20 = arith.constant 0 : i32
      %dma_start3A_21 = tpu.memref_slice %arg4[%add3A, %dma_start3A_19, %dma_start3A_20] : memref<32x79x128xi32, #tpu.memory_space<hbm>> -> memref<1x79x128xi32, #tpu.memory_space<hbm>>
      %dma_start3A_22 = tpu.memref_squeeze %dma_start3A_21 : memref<1x79x128xi32, #tpu.memory_space<hbm>> -> memref<79x128xi32, #tpu.memory_space<hbm>>
      tpu.enqueue_dma source(%dma_start3A_22 : memref<79x128xi32, #tpu.memory_space<hbm>>) target(%arg9 : memref<79x128xi32, #tpu.memory_space<vmem>>) target_semaphore(%run_scoped3A : memref<!tpu.dma_semaphore, #tpu.memory_space<semaphore_mem>>)
      %dma_wait3A = arith.constant 0 : i32
      %dma_wait3A_23 = arith.constant 0 : i32
      %dma_wait3A_24 = tpu.memref_slice %arg4[%add3A, %dma_wait3A, %dma_wait3A_23] : memref<32x79x128xi32, #tpu.memory_space<hbm>> -> memref<1x79x128xi32, #tpu.memory_space<hbm>>
      %dma_wait3A_25 = tpu.memref_squeeze %dma_wait3A_24 : memref<1x79x128xi32, #tpu.memory_space<hbm>> -> memref<79x128xi32, #tpu.memory_space<hbm>>
      %dma_wait3A_26 = arith.constant 0 : i32
      %dma_wait3A_27 = arith.constant 0 : i32
      %dma_wait3A_28 = tpu.memref_slice %arg4[%add3A, %dma_wait3A_26, %dma_wait3A_27] : memref<32x79x128xi32, #tpu.memory_space<hbm>> -> memref<1x79x128xi32, #tpu.memory_space<hbm>>
      %dma_wait3A_29 = tpu.memref_squeeze %dma_wait3A_28 : memref<1x79x128xi32, #tpu.memory_space<hbm>> -> memref<79x128xi32, #tpu.memory_space<hbm>>
      tpu.wait_dma2 semaphore(%run_scoped3A : memref<!tpu.dma_semaphore, #tpu.memory_space<semaphore_mem>>) src(%dma_wait3A_29 : memref<79x128xi32, #tpu.memory_space<hbm>>) dst(%arg9 : memref<79x128xi32, #tpu.memory_space<vmem>>)
      tpu.yield
    }) : () -> ()
    %barrier3A = arith.constant 0 : index
    tpu.barrier barrier_id(%barrier3A)
    %dma_start3A = arith.constant 0 : i32
    %dma_start3A_3 = arith.constant 0 : i32
    %dma_start3A_4 = tpu.memref_slice %arg8[%dma_start3A, %dma_start3A_3] : memref<79x128xi32, #tpu.memory_space<vmem>> -> memref<1x128xi32, #tpu.memory_space<vmem>>
    %dma_start3A_5 = tpu.memref_squeeze %dma_start3A_4 : memref<1x128xi32, #tpu.memory_space<vmem>> -> memref<128xi32, #tpu.memory_space<vmem>>
    %dma_start3A_6 = arith.constant 0 : i32
    %dma_start3A_7 = arith.constant 0 : i32
    %dma_start3A_8 = tpu.memref_slice %arg2[%dma_start3A_6, %dma_start3A_7] : memref<10112x64xf32, #tpu.memory_space<hbm>> -> memref<10112x64xf32, #tpu.memory_space<hbm>>
    tpu.enqueue_indirect_dma source(%dma_start3A_8 : memref<10112x64xf32, #tpu.memory_space<hbm>>) target(%arg10 : memref<128x64xf32, #tpu.memory_space<vmem>>) offsets(%dma_start3A_5 : memref<128xi32, #tpu.memory_space<vmem>>) semaphore(%arg12 : memref<!tpu.dma_semaphore, #tpu.memory_space<semaphore_mem>>)
    %scan3A = arith.constant 0 : i32
    %scan3A_9 = arith.constant 0 : i32
    %scan3A_10 = arith.constant 79 : i32
    %scan3A_11 = arith.addi %scan3A_9, %scan3A_10 : i32
    %scan3A_12 = arith.constant 1 : i32
    scf.for %scan3A_15 = %scan3A_9 to %scan3A_11 step %scan3A_12  : i32 {
      %rem3A = arith.constant 2 : i32
      %rem3A_16 = arith.remsi %scan3A_15, %rem3A : i32
      %eq3A = arith.constant 0 : i32
      %eq3A_17 = arith.cmpi eq, %rem3A_16, %eq3A : i32
      %convert_element_type3A = arith.extui %eq3A_17 : i1 to i32
      %cond3A = arith.constant 0 : i32
      %cond3A_18 = arith.cmpi ne, %convert_element_type3A, %cond3A : i32
      scf.if %cond3A_18 {
        %add3A_26 = arith.constant 1 : i32
        %add3A_27 = arith.addi %scan3A_15, %add3A_26 : i32
        %lt3A = arith.constant 79 : i32
        %lt3A_28 = arith.cmpi slt, %add3A_27, %lt3A : i32
        %convert_element_type3A_29 = arith.extui %lt3A_28 : i1 to i32
        %cond3A_30 = arith.constant 0 : i32
        %cond3A_31 = arith.cmpi ne, %convert_element_type3A_29, %cond3A_30 : i32
        scf.if %cond3A_31 {
          %add3A_37 = arith.constant 1 : i32
          %add3A_38 = arith.addi %scan3A_15, %add3A_37 : i32
          %dma_start3A_39 = arith.constant 0 : i32
          %dma_start3A_40 = tpu.memref_slice %arg8[%add3A_38, %dma_start3A_39] : memref<79x128xi32, #tpu.memory_space<vmem>> -> memref<1x128xi32, #tpu.memory_space<vmem>>
          %dma_start3A_41 = tpu.memref_squeeze %dma_start3A_40 : memref<1x128xi32, #tpu.memory_space<vmem>> -> memref<128xi32, #tpu.memory_space<vmem>>
          %dma_start3A_42 = arith.constant 0 : i32
          %dma_start3A_43 = arith.constant 0 : i32
          %dma_start3A_44 = tpu.memref_slice %arg2[%dma_start3A_42, %dma_start3A_43] : memref<10112x64xf32, #tpu.memory_space<hbm>> -> memref<10112x64xf32, #tpu.memory_space<hbm>>
          tpu.enqueue_indirect_dma source(%dma_start3A_44 : memref<10112x64xf32, #tpu.memory_space<hbm>>) target(%arg11 : memref<128x64xf32, #tpu.memory_space<vmem>>) offsets(%dma_start3A_41 : memref<128xi32, #tpu.memory_space<vmem>>) semaphore(%arg13 : memref<!tpu.dma_semaphore, #tpu.memory_space<semaphore_mem>>)
        } else {
        }
        %dma_wait3A = arith.constant 0 : i32
        %dma_wait3A_32 = tpu.memref_slice %arg8[%scan3A_15, %dma_wait3A] : memref<79x128xi32, #tpu.memory_space<vmem>> -> memref<1x128xi32, #tpu.memory_space<vmem>>
        %dma_wait3A_33 = tpu.memref_squeeze %dma_wait3A_32 : memref<1x128xi32, #tpu.memory_space<vmem>> -> memref<128xi32, #tpu.memory_space<vmem>>
        %dma_wait3A_34 = arith.constant 0 : i32
        %dma_wait3A_35 = arith.constant 0 : i32
        %dma_wait3A_36 = tpu.memref_slice %arg2[%dma_wait3A_34, %dma_wait3A_35] : memref<10112x64xf32, #tpu.memory_space<hbm>> -> memref<10112x64xf32, #tpu.memory_space<hbm>>
        tpu.wait_indirect_dma semaphore(%arg12 : memref<!tpu.dma_semaphore, #tpu.memory_space<semaphore_mem>>) src(%dma_wait3A_36 : memref<10112x64xf32, #tpu.memory_space<hbm>>) dst(%arg10 : memref<128x64xf32, #tpu.memory_space<vmem>>)
        "tpu.region"() ({
          %run_scoped3A = tpu.sem_alloc : memref<!tpu.dma_semaphore, #tpu.memory_space<semaphore_mem>>
          %dma_start3A_37 = arith.constant 0 : i32
          %dma_start3A_38 = tpu.memref_slice %arg9[%scan3A_15, %dma_start3A_37] : memref<79x128xi32, #tpu.memory_space<vmem>> -> memref<1x128xi32, #tpu.memory_space<vmem>>
          %dma_start3A_39 = tpu.memref_squeeze %dma_start3A_38 : memref<1x128xi32, #tpu.memory_space<vmem>> -> memref<128xi32, #tpu.memory_space<vmem>>
          %dma_start3A_40 = arith.constant 0 : i32
          %dma_start3A_41 = arith.constant 0 : i32
          %dma_start3A_42 = tpu.memref_slice %arg7[%dma_start3A_40, %dma_start3A_41] : memref<10112x64xf32, #tpu.memory_space<vmem_shared>> -> memref<10112x64xf32, #tpu.memory_space<vmem_shared>>
          tpu.enqueue_indirect_dma source(%arg10 : memref<128x64xf32, #tpu.memory_space<vmem>>) target(%dma_start3A_42 : memref<10112x64xf32, #tpu.memory_space<vmem_shared>>) offsets(%dma_start3A_39 : memref<128xi32, #tpu.memory_space<vmem>>) semaphore(%run_scoped3A : memref<!tpu.dma_semaphore, #tpu.memory_space<semaphore_mem>>) {add = true}
          %dma_wait3A_43 = arith.constant 0 : i32
          %dma_wait3A_44 = tpu.memref_slice %arg9[%scan3A_15, %dma_wait3A_43] : memref<79x128xi32, #tpu.memory_space<vmem>> -> memref<1x128xi32, #tpu.memory_space<vmem>>
          %dma_wait3A_45 = tpu.memref_squeeze %dma_wait3A_44 : memref<1x128xi32, #tpu.memory_space<vmem>> -> memref<128xi32, #tpu.memory_space<vmem>>
          %dma_wait3A_46 = arith.constant 0 : i32
          %dma_wait3A_47 = arith.constant 0 : i32
          %dma_wait3A_48 = tpu.memref_slice %arg7[%dma_wait3A_46, %dma_wait3A_47] : memref<10112x64xf32, #tpu.memory_space<vmem_shared>> -> memref<10112x64xf32, #tpu.memory_space<vmem_shared>>
          tpu.wait_indirect_dma semaphore(%run_scoped3A : memref<!tpu.dma_semaphore, #tpu.memory_space<semaphore_mem>>) src(%arg10 : memref<128x64xf32, #tpu.memory_space<vmem>>) dst(%dma_wait3A_48 : memref<10112x64xf32, #tpu.memory_space<vmem_shared>>)
          tpu.yield
        }) : () -> ()
      } else {
      }
      %rem3A_19 = arith.constant 2 : i32
      %rem3A_20 = arith.remsi %scan3A_15, %rem3A_19 : i32
      %eq3A_21 = arith.constant 1 : i32
      %eq3A_22 = arith.cmpi eq, %rem3A_20, %eq3A_21 : i32
      %convert_element_type3A_23 = arith.extui %eq3A_22 : i1 to i32
      %cond3A_24 = arith.constant 0 : i32
      %cond3A_25 = arith.cmpi ne, %convert_element_type3A_23, %cond3A_24 : i32
      scf.if %cond3A_25 {
        %add3A_26 = arith.constant 1 : i32
        %add3A_27 = arith.addi %scan3A_15, %add3A_26 : i32
        %lt3A = arith.constant 79 : i32
        %lt3A_28 = arith.cmpi slt, %add3A_27, %lt3A : i32
        %convert_element_type3A_29 = arith.extui %lt3A_28 : i1 to i32
        %cond3A_30 = arith.constant 0 : i32
        %cond3A_31 = arith.cmpi ne, %convert_element_type3A_29, %cond3A_30 : i32
        scf.if %cond3A_31 {
          %add3A_37 = arith.constant 1 : i32
          %add3A_38 = arith.addi %scan3A_15, %add3A_37 : i32
          %dma_start3A_39 = arith.constant 0 : i32
          %dma_start3A_40 = tpu.memref_slice %arg8[%add3A_38, %dma_start3A_39] : memref<79x128xi32, #tpu.memory_space<vmem>> -> memref<1x128xi32, #tpu.memory_space<vmem>>
          %dma_start3A_41 = tpu.memref_squeeze %dma_start3A_40 : memref<1x128xi32, #tpu.memory_space<vmem>> -> memref<128xi32, #tpu.memory_space<vmem>>
          %dma_start3A_42 = arith.constant 0 : i32
          %dma_start3A_43 = arith.constant 0 : i32
          %dma_start3A_44 = tpu.memref_slice %arg2[%dma_start3A_42, %dma_start3A_43] : memref<10112x64xf32, #tpu.memory_space<hbm>> -> memref<10112x64xf32, #tpu.memory_space<hbm>>
          tpu.enqueue_indirect_dma source(%dma_start3A_44 : memref<10112x64xf32, #tpu.memory_space<hbm>>) target(%arg10 : memref<128x64xf32, #tpu.memory_space<vmem>>) offsets(%dma_start3A_41 : memref<128xi32, #tpu.memory_space<vmem>>) semaphore(%arg12 : memref<!tpu.dma_semaphore, #tpu.memory_space<semaphore_mem>>)
        } else {
        }
        %dma_wait3A = arith.constant 0 : i32
        %dma_wait3A_32 = tpu.memref_slice %arg8[%scan3A_15, %dma_wait3A] : memref<79x128xi32, #tpu.memory_space<vmem>> -> memref<1x128xi32, #tpu.memory_space<vmem>>
        %dma_wait3A_33 = tpu.memref_squeeze %dma_wait3A_32 : memref<1x128xi32, #tpu.memory_space<vmem>> -> memref<128xi32, #tpu.memory_space<vmem>>
        %dma_wait3A_34 = arith.constant 0 : i32
        %dma_wait3A_35 = arith.constant 0 : i32
        %dma_wait3A_36 = tpu.memref_slice %arg2[%dma_wait3A_34, %dma_wait3A_35] : memref<10112x64xf32, #tpu.memory_space<hbm>> -> memref<10112x64xf32, #tpu.memory_space<hbm>>
        tpu.wait_indirect_dma semaphore(%arg13 : memref<!tpu.dma_semaphore, #tpu.memory_space<semaphore_mem>>) src(%dma_wait3A_36 : memref<10112x64xf32, #tpu.memory_space<hbm>>) dst(%arg11 : memref<128x64xf32, #tpu.memory_space<vmem>>)
        "tpu.region"() ({
          %run_scoped3A = tpu.sem_alloc : memref<!tpu.dma_semaphore, #tpu.memory_space<semaphore_mem>>
          %dma_start3A_37 = arith.constant 0 : i32
          %dma_start3A_38 = tpu.memref_slice %arg9[%scan3A_15, %dma_start3A_37] : memref<79x128xi32, #tpu.memory_space<vmem>> -> memref<1x128xi32, #tpu.memory_space<vmem>>
          %dma_start3A_39 = tpu.memref_squeeze %dma_start3A_38 : memref<1x128xi32, #tpu.memory_space<vmem>> -> memref<128xi32, #tpu.memory_space<vmem>>
          %dma_start3A_40 = arith.constant 0 : i32
          %dma_start3A_41 = arith.constant 0 : i32
          %dma_start3A_42 = tpu.memref_slice %arg7[%dma_start3A_40, %dma_start3A_41] : memref<10112x64xf32, #tpu.memory_space<vmem_shared>> -> memref<10112x64xf32, #tpu.memory_space<vmem_shared>>
          tpu.enqueue_indirect_dma source(%arg11 : memref<128x64xf32, #tpu.memory_space<vmem>>) target(%dma_start3A_42 : memref<10112x64xf32, #tpu.memory_space<vmem_shared>>) offsets(%dma_start3A_39 : memref<128xi32, #tpu.memory_space<vmem>>) semaphore(%run_scoped3A : memref<!tpu.dma_semaphore, #tpu.memory_space<semaphore_mem>>) {add = true}
          %dma_wait3A_43 = arith.constant 0 : i32
          %dma_wait3A_44 = tpu.memref_slice %arg9[%scan3A_15, %dma_wait3A_43] : memref<79x128xi32, #tpu.memory_space<vmem>> -> memref<1x128xi32, #tpu.memory_space<vmem>>
          %dma_wait3A_45 = tpu.memref_squeeze %dma_wait3A_44 : memref<1x128xi32, #tpu.memory_space<vmem>> -> memref<128xi32, #tpu.memory_space<vmem>>
          %dma_wait3A_46 = arith.constant 0 : i32
          %dma_wait3A_47 = arith.constant 0 : i32
          %dma_wait3A_48 = tpu.memref_slice %arg7[%dma_wait3A_46, %dma_wait3A_47] : memref<10112x64xf32, #tpu.memory_space<vmem_shared>> -> memref<10112x64xf32, #tpu.memory_space<vmem_shared>>
          tpu.wait_indirect_dma semaphore(%run_scoped3A : memref<!tpu.dma_semaphore, #tpu.memory_space<semaphore_mem>>) src(%arg11 : memref<128x64xf32, #tpu.memory_space<vmem>>) dst(%dma_wait3A_48 : memref<10112x64xf32, #tpu.memory_space<vmem_shared>>)
          tpu.yield
        }) : () -> ()
      } else {
      }
    }
    %scan3A_13 = arith.constant 79 : i32
    %barrier3A_14 = arith.constant 0 : index
    tpu.barrier barrier_id(%barrier3A_14)
    "tpu.region"() ({
      %run_scoped3A = tpu.sem_alloc : memref<!tpu.dma_semaphore, #tpu.memory_space<semaphore_mem>>
      %dma_start3A_15 = arith.constant 0 : i32
      %dma_start3A_16 = tpu.memref_slice %arg6[%arg0, %mul3A_2, %dma_start3A_15] : memref<2x10112x64xf32, #tpu.memory_space<hbm>> -> memref<1x632x64xf32, #tpu.memory_space<hbm>>
      %dma_start3A_17 = tpu.memref_squeeze %dma_start3A_16 : memref<1x632x64xf32, #tpu.memory_space<hbm>> -> memref<632x64xf32, #tpu.memory_space<hbm>>
      %dma_start3A_18 = arith.constant 0 : i32
      %dma_start3A_19 = tpu.memref_slice %arg7[%mul3A_2, %dma_start3A_18] : memref<10112x64xf32, #tpu.memory_space<vmem_shared>> -> memref<632x64xf32, #tpu.memory_space<vmem_shared>>
      tpu.enqueue_dma source(%dma_start3A_19 : memref<632x64xf32, #tpu.memory_space<vmem_shared>>) target(%dma_start3A_17 : memref<632x64xf32, #tpu.memory_space<hbm>>) target_semaphore(%run_scoped3A : memref<!tpu.dma_semaphore, #tpu.memory_space<semaphore_mem>>)
      %dma_wait3A = arith.constant 0 : i32
      %dma_wait3A_20 = tpu.memref_slice %arg6[%arg0, %mul3A_2, %dma_wait3A] : memref<2x10112x64xf32, #tpu.memory_space<hbm>> -> memref<1x632x64xf32, #tpu.memory_space<hbm>>
      %dma_wait3A_21 = tpu.memref_squeeze %dma_wait3A_20 : memref<1x632x64xf32, #tpu.memory_space<hbm>> -> memref<632x64xf32, #tpu.memory_space<hbm>>
      %dma_wait3A_22 = arith.constant 0 : i32
      %dma_wait3A_23 = tpu.memref_slice %arg7[%mul3A_2, %dma_wait3A_22] : memref<10112x64xf32, #tpu.memory_space<vmem_shared>> -> memref<632x64xf32, #tpu.memory_space<vmem_shared>>
      tpu.wait_dma2 semaphore(%run_scoped3A : memref<!tpu.dma_semaphore, #tpu.memory_space<semaphore_mem>>) src(%dma_wait3A_23 : memref<632x64xf32, #tpu.memory_space<vmem_shared>>) dst(%dma_wait3A_21 : memref<632x64xf32, #tpu.memory_space<hbm>>)
      tpu.yield
    }) : () -> ()
    return
  }
}

module attributes {stable_mosaic.version = 14 : i64} {
  func.func @_tc0_body(%arg0: memref<2x10112x16xf32, #tpu.memory_space<vmem>>, %arg1: memref<10000x128xf32, #tpu.memory_space<vmem>>, %arg2: memref<64x128xf32, #tpu.memory_space<vmem>>, %arg3: memref<10112x128xf32, #tpu.memory_space<vmem>>, %arg4: memref<10112x64xf32, #tpu.memory_space<vmem>>) attributes {dimension_semantics = [], scalar_prefetch = 0 : i64, scratch_operands = 0 : i64, tpu.core_type = #tpu.core_type<tc>} {
    %get3A = arith.constant 0 : index
    %get3A_0 = arith.constant 0 : index
    %get3A_1 = arith.constant 0 : index
    %get3A_2 = vector.load %arg0[%get3A, %get3A_0, %get3A_1] : memref<2x10112x16xf32, #tpu.memory_space<vmem>>, vector<1x10112x1xf32>
    %get3A_3 = vector.shape_cast %get3A_2 : vector<1x10112x1xf32> to vector<10112x1xf32>
    %get3A_4 = arith.constant 1 : index
    %get3A_5 = arith.constant 0 : index
    %get3A_6 = arith.constant 0 : index
    %get3A_7 = vector.load %arg0[%get3A_4, %get3A_5, %get3A_6] : memref<2x10112x16xf32, #tpu.memory_space<vmem>>, vector<1x10112x1xf32>
    %get3A_8 = vector.shape_cast %get3A_7 : vector<1x10112x1xf32> to vector<10112x1xf32>
    %add3A = arith.addf %get3A_3, %get3A_8 : vector<10112x1xf32>
    %gt3A = arith.constant 0.000000e+00 : f32
    %gt3A_9 = vector.broadcast %gt3A : f32 to vector<10112x1xf32>
    %gt3A_10 = arith.cmpf ogt, %add3A, %gt3A_9 : vector<10112x1xf32>
    %jit3A = arith.constant 1.000000e+00 : f32
    %broadcast_in_dim3A = vector.broadcast %jit3A : f32 to vector<10112x1xf32>
    %select_n3A = arith.select %gt3A_10, %add3A, %broadcast_in_dim3A : vector<10112x1xi1>, vector<10112x1xf32>
    %gt3A_11 = arith.constant 0.000000e+00 : f32
    %gt3A_12 = vector.broadcast %gt3A_11 : f32 to vector<10112x1xf32>
    %gt3A_13 = arith.cmpf ogt, %add3A, %gt3A_12 : vector<10112x1xf32>
    %rsqrt3A = math.rsqrt %select_n3A : vector<10112x1xf32>
    %jit3A_14 = arith.constant 0.000000e+00 : f32
    %broadcast_in_dim3A_15 = vector.broadcast %jit3A_14 : f32 to vector<10112x1xf32>
    %select_n3A_16 = arith.select %gt3A_13, %rsqrt3A, %broadcast_in_dim3A_15 : vector<10112x1xi1>, vector<10112x1xf32>
    %broadcast_in_dim3A_17 = vector.shape_cast %select_n3A_16 : vector<10112x1xf32> to vector<10112x1xf32>
    %broadcast_in_dim3A_18 = vector.broadcast %broadcast_in_dim3A_17 : vector<10112x1xf32> to vector<10112x128xf32>
    %swap3A = arith.constant 0 : index
    %swap3A_19 = arith.constant 0 : index
    %swap3A_20 = vector.load %arg3[%swap3A, %swap3A_19] : memref<10112x128xf32, #tpu.memory_space<vmem>>, vector<10112x128xf32>
    tpu.vector_store %arg3[%swap3A, %swap3A_19], %broadcast_in_dim3A_18 {strides = array<i32>} : memref<10112x128xf32, #tpu.memory_space<vmem>>, vector<10112x128xf32>,
    %get3A_21 = arith.constant 0 : index
    %get3A_22 = arith.constant 0 : index
    %get3A_23 = vector.load %arg1[%get3A_21, %get3A_22] : memref<10000x128xf32, #tpu.memory_space<vmem>>, vector<10000x128xf32>
    %get3A_24 = arith.constant 0 : index
    %get3A_25 = arith.constant 0 : index
    %get3A_26 = vector.load %arg2[%get3A_24, %get3A_25] : memref<64x128xf32, #tpu.memory_space<vmem>>, vector<64x128xf32>
    %transpose3A = tpu.transpose %get3A_26, [1, 0] : vector<64x128xf32> -> vector<128x64xf32>
    %dot_general3A = arith.constant dense<0.000000e+00> : vector<10000x64xf32>
    %dot_general3A_27 = tpu.matmul %get3A_23, %transpose3A, %dot_general3A {dimension_numbers = #tpu.dot_dimension_numbers<[1], [0], [0], [1], [0, 0, 1, 1], [], []>, transpose_lhs_hint = false} : vector<10000x128xf32>, vector<128x64xf32>, vector<10000x64xf32> -> vector<10000x64xf32>
    %slice3A = vector.extract_strided_slice %select_n3A_16 {offsets = [0, 0], sizes = [10000, 1], strides = [1, 1]} : vector<10112x1xf32> to vector<10000x1xf32>
    %mul3A = vector.broadcast %slice3A : vector<10000x1xf32> to vector<10000x64xf32>
    %mul3A_28 = arith.mulf %mul3A, %dot_general3A_27 : vector<10000x64xf32>
    %broadcast_in_dim3A_29 = arith.constant 0.000000e+00 : f32
    %broadcast_in_dim3A_30 = vector.broadcast %broadcast_in_dim3A_29 : f32 to vector<112x64xf32>
    %concatenate3A = tpu.concatenate %mul3A_28, %broadcast_in_dim3A_30 in 0 : vector<10000x64xf32>, vector<112x64xf32> -> vector<10112x64xf32>
    %swap3A_31 = arith.constant 0 : index
    %swap3A_32 = arith.constant 0 : index
    %swap3A_33 = vector.load %arg4[%swap3A_31, %swap3A_32] : memref<10112x64xf32, #tpu.memory_space<vmem>>, vector<10112x64xf32>
    tpu.vector_store %arg4[%swap3A_31, %swap3A_32], %concatenate3A {strides = array<i32>} : memref<10112x64xf32, #tpu.memory_space<vmem>>, vector<10112x64xf32>,
    return
  }
}

module attributes {stable_mosaic.version = 14 : i64} {
  func.func @_tc1_body(%arg0: memref<2x10112x64xf32, #tpu.memory_space<vmem>>, %arg1: memref<10000x128xf32, #tpu.memory_space<vmem>>, %arg2: memref<64x128xf32, #tpu.memory_space<vmem>>, %arg3: memref<64xf32, #tpu.memory_space<vmem>>, %arg4: memref<64xf32, #tpu.memory_space<vmem>>, %arg5: memref<64xf32, #tpu.memory_space<vmem>>, %arg6: memref<10112x128xf32, #tpu.memory_space<vmem>>, %arg7: memref<16x64xf32, #tpu.memory_space<vmem>>, %arg8: memref<10000x64xf32, #tpu.memory_space<vmem>>, %arg9: memref<10112x16xf32, #tpu.memory_space<vmem>>) attributes {dimension_semantics = [], scalar_prefetch = 0 : i64, scratch_operands = 0 : i64, tpu.core_type = #tpu.core_type<tc>} {
    %get3A = arith.constant 0 : index
    %get3A_0 = arith.constant 0 : index
    %get3A_1 = arith.constant 0 : index
    %get3A_2 = vector.load %arg0[%get3A, %get3A_0, %get3A_1] : memref<2x10112x64xf32, #tpu.memory_space<vmem>>, vector<1x10000x64xf32>
    %get3A_3 = vector.shape_cast %get3A_2 : vector<1x10000x64xf32> to vector<10000x64xf32>
    %get3A_4 = arith.constant 1 : index
    %get3A_5 = arith.constant 0 : index
    %get3A_6 = arith.constant 0 : index
    %get3A_7 = vector.load %arg0[%get3A_4, %get3A_5, %get3A_6] : memref<2x10112x64xf32, #tpu.memory_space<vmem>>, vector<1x10000x64xf32>
    %get3A_8 = vector.shape_cast %get3A_7 : vector<1x10000x64xf32> to vector<10000x64xf32>
    %add3A = arith.addf %get3A_3, %get3A_8 : vector<10000x64xf32>
    %get3A_9 = arith.constant 0 : index
    %get3A_10 = arith.constant 0 : index
    %get3A_11 = vector.load %arg1[%get3A_9, %get3A_10] : memref<10000x128xf32, #tpu.memory_space<vmem>>, vector<10000x128xf32>
    %get3A_12 = arith.constant 0 : index
    %get3A_13 = arith.constant 0 : index
    %get3A_14 = vector.load %arg2[%get3A_12, %get3A_13] : memref<64x128xf32, #tpu.memory_space<vmem>>, vector<64x128xf32>
    %transpose3A = tpu.transpose %get3A_14, [1, 0] : vector<64x128xf32> -> vector<128x64xf32>
    %dot_general3A = arith.constant dense<0.000000e+00> : vector<10000x64xf32>
    %dot_general3A_15 = tpu.matmul %get3A_11, %transpose3A, %dot_general3A {dimension_numbers = #tpu.dot_dimension_numbers<[1], [0], [0], [1], [0, 0, 1, 1], [], []>, transpose_lhs_hint = false} : vector<10000x128xf32>, vector<128x64xf32>, vector<10000x64xf32> -> vector<10000x64xf32>
    %get3A_16 = arith.constant 0 : index
    %get3A_17 = arith.constant 0 : index
    %get3A_18 = vector.load %arg6[%get3A_16, %get3A_17] : memref<10112x128xf32, #tpu.memory_space<vmem>>, vector<10000x64xf32>
    %mul3A = arith.mulf %get3A_18, %add3A : vector<10000x64xf32>
    %sub3A = arith.subf %dot_general3A_15, %mul3A : vector<10000x64xf32>
    %get3A_19 = arith.constant 0 : index
    %get3A_20 = vector.load %arg3[%get3A_19] : memref<64xf32, #tpu.memory_space<vmem>>, vector<64xf32>
    %broadcast_in_dim3A = vector.shape_cast %get3A_20 : vector<64xf32> to vector<1x64xf32>
    %add3A_21 = vector.broadcast %broadcast_in_dim3A : vector<1x64xf32> to vector<10000x64xf32>
    %add3A_22 = arith.addf %sub3A, %add3A_21 : vector<10000x64xf32>
    %get3A_23 = arith.constant 0 : index
    %get3A_24 = vector.load %arg4[%get3A_23] : memref<64xf32, #tpu.memory_space<vmem>>, vector<64xf32>
    %get3A_25 = arith.constant 0 : index
    %get3A_26 = vector.load %arg5[%get3A_25] : memref<64xf32, #tpu.memory_space<vmem>>, vector<64xf32>
    %reduce_sum3A = arith.constant dense<0.000000e+00> : vector<64xf32>
    %reduce_sum3A_27 = vector.multi_reduction <add>, %add3A_22, %reduce_sum3A [0] : vector<10000x64xf32> to vector<64xf32>
    %div3A = arith.constant 1.000000e+04 : f32
    %div3A_28 = vector.broadcast %div3A : f32 to vector<64xf32>
    %div3A_29 = arith.divf %reduce_sum3A_27, %div3A_28 : vector<64xf32>
    %broadcast_in_dim3A_30 = vector.shape_cast %div3A_29 : vector<64xf32> to vector<1x64xf32>
    %sub3A_31 = vector.broadcast %broadcast_in_dim3A_30 : vector<1x64xf32> to vector<10000x64xf32>
    %sub3A_32 = arith.subf %add3A_22, %sub3A_31 : vector<10000x64xf32>
    %integer_pow3A = arith.mulf %sub3A_32, %sub3A_32 : vector<10000x64xf32>
    %reduce_sum3A_33 = arith.constant dense<0.000000e+00> : vector<64xf32>
    %reduce_sum3A_34 = vector.multi_reduction <add>, %integer_pow3A, %reduce_sum3A_33 [0] : vector<10000x64xf32> to vector<64xf32>
    %div3A_35 = arith.constant 1.000000e+04 : f32
    %div3A_36 = vector.broadcast %div3A_35 : f32 to vector<64xf32>
    %div3A_37 = arith.divf %reduce_sum3A_34, %div3A_36 : vector<64xf32>
    %broadcast_in_dim3A_38 = vector.shape_cast %div3A_29 : vector<64xf32> to vector<1x64xf32>
    %sub3A_39 = vector.broadcast %broadcast_in_dim3A_38 : vector<1x64xf32> to vector<10000x64xf32>
    %sub3A_40 = arith.subf %add3A_22, %sub3A_39 : vector<10000x64xf32>
    %broadcast_in_dim3A_41 = vector.shape_cast %get3A_24 : vector<64xf32> to vector<1x64xf32>
    %mul3A_42 = vector.broadcast %broadcast_in_dim3A_41 : vector<1x64xf32> to vector<10000x64xf32>
    %mul3A_43 = arith.mulf %mul3A_42, %sub3A_40 : vector<10000x64xf32>
    %add3A_44 = arith.constant 9.99999974E-6 : f32
    %add3A_45 = vector.broadcast %add3A_44 : f32 to vector<64xf32>
    %add3A_46 = arith.addf %div3A_37, %add3A_45 : vector<64xf32>
    %sqrt3A = math.sqrt %add3A_46 : vector<64xf32>
    %broadcast_in_dim3A_47 = vector.shape_cast %sqrt3A : vector<64xf32> to vector<1x64xf32>
    %div3A_48 = vector.broadcast %broadcast_in_dim3A_47 : vector<1x64xf32> to vector<10000x64xf32>
    %div3A_49 = arith.divf %mul3A_43, %div3A_48 : vector<10000x64xf32>
    %broadcast_in_dim3A_50 = vector.shape_cast %get3A_26 : vector<64xf32> to vector<1x64xf32>
    %add3A_51 = vector.broadcast %broadcast_in_dim3A_50 : vector<1x64xf32> to vector<10000x64xf32>
    %add3A_52 = arith.addf %div3A_49, %add3A_51 : vector<10000x64xf32>
    %max3A = arith.constant 0.000000e+00 : f32
    %max3A_53 = vector.broadcast %max3A : f32 to vector<10000x64xf32>
    %max3A_54 = arith.maximumf %add3A_52, %max3A_53 : vector<10000x64xf32>
    %swap3A = arith.constant 0 : index
    %swap3A_55 = arith.constant 0 : index
    %swap3A_56 = vector.load %arg8[%swap3A, %swap3A_55] : memref<10000x64xf32, #tpu.memory_space<vmem>>, vector<10000x64xf32>
    tpu.vector_store %arg8[%swap3A, %swap3A_55], %max3A_54 {strides = array<i32>} : memref<10000x64xf32, #tpu.memory_space<vmem>>, vector<10000x64xf32>,
    %get3A_57 = arith.constant 0 : index
    %get3A_58 = arith.constant 0 : index
    %get3A_59 = vector.load %arg7[%get3A_57, %get3A_58] : memref<16x64xf32, #tpu.memory_space<vmem>>, vector<16x64xf32>
    %transpose3A_60 = tpu.transpose %get3A_59, [1, 0] : vector<16x64xf32> -> vector<64x16xf32>
    %dot_general3A_61 = arith.constant dense<0.000000e+00> : vector<10000x16xf32>
    %dot_general3A_62 = tpu.matmul %max3A_54, %transpose3A_60, %dot_general3A_61 {dimension_numbers = #tpu.dot_dimension_numbers<[1], [0], [0], [1], [0, 0, 1, 1], [], []>, transpose_lhs_hint = false} : vector<10000x64xf32>, vector<64x16xf32>, vector<10000x16xf32> -> vector<10000x16xf32>
    %get3A_63 = arith.constant 0 : index
    %get3A_64 = arith.constant 0 : index
    %get3A_65 = vector.load %arg6[%get3A_63, %get3A_64] : memref<10112x128xf32, #tpu.memory_space<vmem>>, vector<10000x16xf32>
    %mul3A_66 = arith.mulf %get3A_65, %dot_general3A_62 : vector<10000x16xf32>
    %broadcast_in_dim3A_67 = arith.constant 0.000000e+00 : f32
    %broadcast_in_dim3A_68 = vector.broadcast %broadcast_in_dim3A_67 : f32 to vector<112x16xf32>
    %concatenate3A = tpu.concatenate %mul3A_66, %broadcast_in_dim3A_68 in 0 : vector<10000x16xf32>, vector<112x16xf32> -> vector<10112x16xf32>
    %swap3A_69 = arith.constant 0 : index
    %swap3A_70 = arith.constant 0 : index
    %swap3A_71 = vector.load %arg9[%swap3A_69, %swap3A_70] : memref<10112x16xf32, #tpu.memory_space<vmem>>, vector<10112x16xf32>
    tpu.vector_store %arg9[%swap3A_69, %swap3A_70], %concatenate3A {strides = array<i32>} : memref<10112x16xf32, #tpu.memory_space<vmem>>, vector<10112x16xf32>,
    return
  }
}

module attributes {stable_mosaic.version = 14 : i64} {
  func.func @_tc2_body(%arg0: memref<2x10112x16xf32, #tpu.memory_space<vmem>>, %arg1: memref<10000x64xf32, #tpu.memory_space<vmem>>, %arg2: memref<16x64xf32, #tpu.memory_space<vmem>>, %arg3: memref<16xf32, #tpu.memory_space<vmem>>, %arg4: memref<10112x128xf32, #tpu.memory_space<vmem>>, %arg5: memref<10000x16xf32, #tpu.memory_space<vmem>>, %arg6: memref<10112x16xf32, #tpu.memory_space<vmem>>) attributes {dimension_semantics = [], scalar_prefetch = 0 : i64, scratch_operands = 0 : i64, tpu.core_type = #tpu.core_type<tc>} {
    %get3A = arith.constant 0 : index
    %get3A_0 = arith.constant 0 : index
    %get3A_1 = arith.constant 0 : index
    %get3A_2 = vector.load %arg0[%get3A, %get3A_0, %get3A_1] : memref<2x10112x16xf32, #tpu.memory_space<vmem>>, vector<1x10000x16xf32>
    %get3A_3 = vector.shape_cast %get3A_2 : vector<1x10000x16xf32> to vector<10000x16xf32>
    %get3A_4 = arith.constant 1 : index
    %get3A_5 = arith.constant 0 : index
    %get3A_6 = arith.constant 0 : index
    %get3A_7 = vector.load %arg0[%get3A_4, %get3A_5, %get3A_6] : memref<2x10112x16xf32, #tpu.memory_space<vmem>>, vector<1x10000x16xf32>
    %get3A_8 = vector.shape_cast %get3A_7 : vector<1x10000x16xf32> to vector<10000x16xf32>
    %add3A = arith.addf %get3A_3, %get3A_8 : vector<10000x16xf32>
    %get3A_9 = arith.constant 0 : index
    %get3A_10 = arith.constant 0 : index
    %get3A_11 = vector.load %arg1[%get3A_9, %get3A_10] : memref<10000x64xf32, #tpu.memory_space<vmem>>, vector<10000x64xf32>
    %get3A_12 = arith.constant 0 : index
    %get3A_13 = arith.constant 0 : index
    %get3A_14 = vector.load %arg2[%get3A_12, %get3A_13] : memref<16x64xf32, #tpu.memory_space<vmem>>, vector<16x64xf32>
    %transpose3A = tpu.transpose %get3A_14, [1, 0] : vector<16x64xf32> -> vector<64x16xf32>
    %dot_general3A = arith.constant dense<0.000000e+00> : vector<10000x16xf32>
    %dot_general3A_15 = tpu.matmul %get3A_11, %transpose3A, %dot_general3A {dimension_numbers = #tpu.dot_dimension_numbers<[1], [0], [0], [1], [0, 0, 1, 1], [], []>, transpose_lhs_hint = false} : vector<10000x64xf32>, vector<64x16xf32>, vector<10000x16xf32> -> vector<10000x16xf32>
    %get3A_16 = arith.constant 0 : index
    %get3A_17 = arith.constant 0 : index
    %get3A_18 = vector.load %arg4[%get3A_16, %get3A_17] : memref<10112x128xf32, #tpu.memory_space<vmem>>, vector<10000x16xf32>
    %mul3A = arith.mulf %get3A_18, %add3A : vector<10000x16xf32>
    %sub3A = arith.subf %dot_general3A_15, %mul3A : vector<10000x16xf32>
    %get3A_19 = arith.constant 0 : index
    %get3A_20 = vector.load %arg3[%get3A_19] : memref<16xf32, #tpu.memory_space<vmem>>, vector<16xf32>
    %broadcast_in_dim3A = vector.shape_cast %get3A_20 : vector<16xf32> to vector<1x16xf32>
    %add3A_21 = vector.broadcast %broadcast_in_dim3A : vector<1x16xf32> to vector<10000x16xf32>
    %add3A_22 = arith.addf %sub3A, %add3A_21 : vector<10000x16xf32>
    %swap3A = arith.constant 0 : index
    %swap3A_23 = arith.constant 0 : index
    %swap3A_24 = vector.load %arg5[%swap3A, %swap3A_23] : memref<10000x16xf32, #tpu.memory_space<vmem>>, vector<10000x16xf32>
    tpu.vector_store %arg5[%swap3A, %swap3A_23], %add3A_22 {strides = array<i32>} : memref<10000x16xf32, #tpu.memory_space<vmem>>, vector<10000x16xf32>,
    %get3A_25 = arith.constant 0 : index
    %get3A_26 = arith.constant 0 : index
    %get3A_27 = vector.load %arg4[%get3A_25, %get3A_26] : memref<10112x128xf32, #tpu.memory_space<vmem>>, vector<10000x16xf32>
    %mul3A_28 = arith.mulf %get3A_27, %add3A_22 : vector<10000x16xf32>
    %broadcast_in_dim3A_29 = arith.constant 0.000000e+00 : f32
    %broadcast_in_dim3A_30 = vector.broadcast %broadcast_in_dim3A_29 : f32 to vector<112x16xf32>
    %concatenate3A = tpu.concatenate %mul3A_28, %broadcast_in_dim3A_30 in 0 : vector<10000x16xf32>, vector<112x16xf32> -> vector<10112x16xf32>
    %swap3A_31 = arith.constant 0 : index
    %swap3A_32 = arith.constant 0 : index
    %swap3A_33 = vector.load %arg6[%swap3A_31, %swap3A_32] : memref<10112x16xf32, #tpu.memory_space<vmem>>, vector<10112x16xf32>
    tpu.vector_store %arg6[%swap3A_31, %swap3A_32], %concatenate3A {strides = array<i32>} : memref<10112x16xf32, #tpu.memory_space<vmem>>, vector<10112x16xf32>,
    return
  }
}

module attributes {stable_mosaic.version = 14 : i64} {
  func.func @_tc3_body(%arg0: memref<2x10112x16xf32, #tpu.memory_space<vmem>>, %arg1: memref<10000x16xf32, #tpu.memory_space<vmem>>, %arg2: memref<64x16xf32, #tpu.memory_space<vmem>>, %arg3: memref<64x16xf32, #tpu.memory_space<vmem>>, %arg4: memref<64xf32, #tpu.memory_space<vmem>>, %arg5: memref<64xf32, #tpu.memory_space<vmem>>, %arg6: memref<64xf32, #tpu.memory_space<vmem>>, %arg7: memref<10112x128xf32, #tpu.memory_space<vmem>>, %arg8: memref<10000x64xf32, #tpu.memory_space<vmem>>, %arg9: memref<10112x64xf32, #tpu.memory_space<vmem>>) attributes {dimension_semantics = [], scalar_prefetch = 0 : i64, scratch_operands = 0 : i64, tpu.core_type = #tpu.core_type<tc>} {
    %get3A = arith.constant 0 : index
    %get3A_0 = arith.constant 0 : index
    %get3A_1 = arith.constant 0 : index
    %get3A_2 = vector.load %arg0[%get3A, %get3A_0, %get3A_1] : memref<2x10112x16xf32, #tpu.memory_space<vmem>>, vector<1x10000x16xf32>
    %get3A_3 = vector.shape_cast %get3A_2 : vector<1x10000x16xf32> to vector<10000x16xf32>
    %get3A_4 = arith.constant 1 : index
    %get3A_5 = arith.constant 0 : index
    %get3A_6 = arith.constant 0 : index
    %get3A_7 = vector.load %arg0[%get3A_4, %get3A_5, %get3A_6] : memref<2x10112x16xf32, #tpu.memory_space<vmem>>, vector<1x10000x16xf32>
    %get3A_8 = vector.shape_cast %get3A_7 : vector<1x10000x16xf32> to vector<10000x16xf32>
    %add3A = arith.addf %get3A_3, %get3A_8 : vector<10000x16xf32>
    %get3A_9 = arith.constant 0 : index
    %get3A_10 = arith.constant 0 : index
    %get3A_11 = vector.load %arg7[%get3A_9, %get3A_10] : memref<10112x128xf32, #tpu.memory_space<vmem>>, vector<10000x16xf32>
    %neg3A = arith.constant 0.000000e+00 : f32
    %neg3A_12 = vector.broadcast %neg3A : f32 to vector<10000x16xf32>
    %neg3A_13 = arith.subf %neg3A_12, %get3A_11 : vector<10000x16xf32>
    %mul3A = arith.mulf %neg3A_13, %add3A : vector<10000x16xf32>
    %get3A_14 = arith.constant 0 : index
    %get3A_15 = arith.constant 0 : index
    %get3A_16 = vector.load %arg3[%get3A_14, %get3A_15] : memref<64x16xf32, #tpu.memory_space<vmem>>, vector<64x16xf32>
    %transpose3A = tpu.transpose %get3A_16, [1, 0] : vector<64x16xf32> -> vector<16x64xf32>
    %dot_general3A = arith.constant dense<0.000000e+00> : vector<10000x64xf32>
    %dot_general3A_17 = tpu.matmul %mul3A, %transpose3A, %dot_general3A {dimension_numbers = #tpu.dot_dimension_numbers<[1], [0], [0], [1], [0, 0, 1, 1], [], []>, transpose_lhs_hint = false} : vector<10000x16xf32>, vector<16x64xf32>, vector<10000x64xf32> -> vector<10000x64xf32>
    %get3A_18 = arith.constant 0 : index
    %get3A_19 = arith.constant 0 : index
    %get3A_20 = vector.load %arg1[%get3A_18, %get3A_19] : memref<10000x16xf32, #tpu.memory_space<vmem>>, vector<10000x16xf32>
    %get3A_21 = arith.constant 0 : index
    %get3A_22 = arith.constant 0 : index
    %get3A_23 = vector.load %arg2[%get3A_21, %get3A_22] : memref<64x16xf32, #tpu.memory_space<vmem>>, vector<64x16xf32>
    %transpose3A_24 = tpu.transpose %get3A_23, [1, 0] : vector<64x16xf32> -> vector<16x64xf32>
    %dot_general3A_25 = arith.constant dense<0.000000e+00> : vector<10000x64xf32>
    %dot_general3A_26 = tpu.matmul %get3A_20, %transpose3A_24, %dot_general3A_25 {dimension_numbers = #tpu.dot_dimension_numbers<[1], [0], [0], [1], [0, 0, 1, 1], [], []>, transpose_lhs_hint = false} : vector<10000x16xf32>, vector<16x64xf32>, vector<10000x64xf32> -> vector<10000x64xf32>
    %add3A_27 = arith.addf %dot_general3A_26, %dot_general3A_17 : vector<10000x64xf32>
    %get3A_28 = arith.constant 0 : index
    %get3A_29 = vector.load %arg4[%get3A_28] : memref<64xf32, #tpu.memory_space<vmem>>, vector<64xf32>
    %broadcast_in_dim3A = vector.shape_cast %get3A_29 : vector<64xf32> to vector<1x64xf32>
    %add3A_30 = vector.broadcast %broadcast_in_dim3A : vector<1x64xf32> to vector<10000x64xf32>
    %add3A_31 = arith.addf %add3A_27, %add3A_30 : vector<10000x64xf32>
    %get3A_32 = arith.constant 0 : index
    %get3A_33 = vector.load %arg5[%get3A_32] : memref<64xf32, #tpu.memory_space<vmem>>, vector<64xf32>
    %get3A_34 = arith.constant 0 : index
    %get3A_35 = vector.load %arg6[%get3A_34] : memref<64xf32, #tpu.memory_space<vmem>>, vector<64xf32>
    %reduce_sum3A = arith.constant dense<0.000000e+00> : vector<64xf32>
    %reduce_sum3A_36 = vector.multi_reduction <add>, %add3A_31, %reduce_sum3A [0] : vector<10000x64xf32> to vector<64xf32>
    %div3A = arith.constant 1.000000e+04 : f32
    %div3A_37 = vector.broadcast %div3A : f32 to vector<64xf32>
    %div3A_38 = arith.divf %reduce_sum3A_36, %div3A_37 : vector<64xf32>
    %broadcast_in_dim3A_39 = vector.shape_cast %div3A_38 : vector<64xf32> to vector<1x64xf32>
    %sub3A = vector.broadcast %broadcast_in_dim3A_39 : vector<1x64xf32> to vector<10000x64xf32>
    %sub3A_40 = arith.subf %add3A_31, %sub3A : vector<10000x64xf32>
    %integer_pow3A = arith.mulf %sub3A_40, %sub3A_40 : vector<10000x64xf32>
    %reduce_sum3A_41 = arith.constant dense<0.000000e+00> : vector<64xf32>
    %reduce_sum3A_42 = vector.multi_reduction <add>, %integer_pow3A, %reduce_sum3A_41 [0] : vector<10000x64xf32> to vector<64xf32>
    %div3A_43 = arith.constant 1.000000e+04 : f32
    %div3A_44 = vector.broadcast %div3A_43 : f32 to vector<64xf32>
    %div3A_45 = arith.divf %reduce_sum3A_42, %div3A_44 : vector<64xf32>
    %broadcast_in_dim3A_46 = vector.shape_cast %div3A_38 : vector<64xf32> to vector<1x64xf32>
    %sub3A_47 = vector.broadcast %broadcast_in_dim3A_46 : vector<1x64xf32> to vector<10000x64xf32>
    %sub3A_48 = arith.subf %add3A_31, %sub3A_47 : vector<10000x64xf32>
    %broadcast_in_dim3A_49 = vector.shape_cast %get3A_33 : vector<64xf32> to vector<1x64xf32>
    %mul3A_50 = vector.broadcast %broadcast_in_dim3A_49 : vector<1x64xf32> to vector<10000x64xf32>
    %mul3A_51 = arith.mulf %mul3A_50, %sub3A_48 : vector<10000x64xf32>
    %add3A_52 = arith.constant 9.99999974E-6 : f32
    %add3A_53 = vector.broadcast %add3A_52 : f32 to vector<64xf32>
    %add3A_54 = arith.addf %div3A_45, %add3A_53 : vector<64xf32>
    %sqrt3A = math.sqrt %add3A_54 : vector<64xf32>
    %broadcast_in_dim3A_55 = vector.shape_cast %sqrt3A : vector<64xf32> to vector<1x64xf32>
    %div3A_56 = vector.broadcast %broadcast_in_dim3A_55 : vector<1x64xf32> to vector<10000x64xf32>
    %div3A_57 = arith.divf %mul3A_51, %div3A_56 : vector<10000x64xf32>
    %broadcast_in_dim3A_58 = vector.shape_cast %get3A_35 : vector<64xf32> to vector<1x64xf32>
    %add3A_59 = vector.broadcast %broadcast_in_dim3A_58 : vector<1x64xf32> to vector<10000x64xf32>
    %add3A_60 = arith.addf %div3A_57, %add3A_59 : vector<10000x64xf32>
    %max3A = arith.constant 0.000000e+00 : f32
    %max3A_61 = vector.broadcast %max3A : f32 to vector<10000x64xf32>
    %max3A_62 = arith.maximumf %add3A_60, %max3A_61 : vector<10000x64xf32>
    %swap3A = arith.constant 0 : index
    %swap3A_63 = arith.constant 0 : index
    %swap3A_64 = vector.load %arg8[%swap3A, %swap3A_63] : memref<10000x64xf32, #tpu.memory_space<vmem>>, vector<10000x64xf32>
    tpu.vector_store %arg8[%swap3A, %swap3A_63], %max3A_62 {strides = array<i32>} : memref<10000x64xf32, #tpu.memory_space<vmem>>, vector<10000x64xf32>,
    %get3A_65 = arith.constant 0 : index
    %get3A_66 = arith.constant 0 : index
    %get3A_67 = vector.load %arg7[%get3A_65, %get3A_66] : memref<10112x128xf32, #tpu.memory_space<vmem>>, vector<10000x64xf32>
    %mul3A_68 = arith.mulf %get3A_67, %max3A_62 : vector<10000x64xf32>
    %broadcast_in_dim3A_69 = arith.constant 0.000000e+00 : f32
    %broadcast_in_dim3A_70 = vector.broadcast %broadcast_in_dim3A_69 : f32 to vector<112x64xf32>
    %concatenate3A = tpu.concatenate %mul3A_68, %broadcast_in_dim3A_70 in 0 : vector<10000x64xf32>, vector<112x64xf32> -> vector<10112x64xf32>
    %swap3A_71 = arith.constant 0 : index
    %swap3A_72 = arith.constant 0 : index
    %swap3A_73 = vector.load %arg9[%swap3A_71, %swap3A_72] : memref<10112x64xf32, #tpu.memory_space<vmem>>, vector<10112x64xf32>
    tpu.vector_store %arg9[%swap3A_71, %swap3A_72], %concatenate3A {strides = array<i32>} : memref<10112x64xf32, #tpu.memory_space<vmem>>, vector<10112x64xf32>,
    return
  }
}

module attributes {stable_mosaic.version = 14 : i64} {
  func.func @_tc4_body(%arg0: memref<2x10112x64xf32, #tpu.memory_space<vmem>>, %arg1: memref<10000x64xf32, #tpu.memory_space<vmem>>, %arg2: memref<128x64xf32, #tpu.memory_space<vmem>>, %arg3: memref<128x64xf32, #tpu.memory_space<vmem>>, %arg4: memref<128xf32, #tpu.memory_space<vmem>>, %arg5: memref<10112x128xf32, #tpu.memory_space<vmem>>, %arg6: memref<10000x128xf32, #tpu.memory_space<vmem>>) attributes {dimension_semantics = [], scalar_prefetch = 0 : i64, scratch_operands = 0 : i64, tpu.core_type = #tpu.core_type<tc>} {
    %get3A = arith.constant 0 : index
    %get3A_0 = arith.constant 0 : index
    %get3A_1 = arith.constant 0 : index
    %get3A_2 = vector.load %arg0[%get3A, %get3A_0, %get3A_1] : memref<2x10112x64xf32, #tpu.memory_space<vmem>>, vector<1x10000x64xf32>
    %get3A_3 = vector.shape_cast %get3A_2 : vector<1x10000x64xf32> to vector<10000x64xf32>
    %get3A_4 = arith.constant 1 : index
    %get3A_5 = arith.constant 0 : index
    %get3A_6 = arith.constant 0 : index
    %get3A_7 = vector.load %arg0[%get3A_4, %get3A_5, %get3A_6] : memref<2x10112x64xf32, #tpu.memory_space<vmem>>, vector<1x10000x64xf32>
    %get3A_8 = vector.shape_cast %get3A_7 : vector<1x10000x64xf32> to vector<10000x64xf32>
    %add3A = arith.addf %get3A_3, %get3A_8 : vector<10000x64xf32>
    %get3A_9 = arith.constant 0 : index
    %get3A_10 = arith.constant 0 : index
    %get3A_11 = vector.load %arg5[%get3A_9, %get3A_10] : memref<10112x128xf32, #tpu.memory_space<vmem>>, vector<10000x64xf32>
    %neg3A = arith.constant 0.000000e+00 : f32
    %neg3A_12 = vector.broadcast %neg3A : f32 to vector<10000x64xf32>
    %neg3A_13 = arith.subf %neg3A_12, %get3A_11 : vector<10000x64xf32>
    %mul3A = arith.mulf %neg3A_13, %add3A : vector<10000x64xf32>
    %get3A_14 = arith.constant 0 : index
    %get3A_15 = arith.constant 0 : index
    %get3A_16 = vector.load %arg3[%get3A_14, %get3A_15] : memref<128x64xf32, #tpu.memory_space<vmem>>, vector<128x64xf32>
    %transpose3A = tpu.transpose %get3A_16, [1, 0] : vector<128x64xf32> -> vector<64x128xf32>
    %dot_general3A = arith.constant dense<0.000000e+00> : vector<10000x128xf32>
    %dot_general3A_17 = tpu.matmul %mul3A, %transpose3A, %dot_general3A {dimension_numbers = #tpu.dot_dimension_numbers<[1], [0], [0], [1], [0, 0, 1, 1], [], []>, transpose_lhs_hint = false} : vector<10000x64xf32>, vector<64x128xf32>, vector<10000x128xf32> -> vector<10000x128xf32>
    %get3A_18 = arith.constant 0 : index
    %get3A_19 = arith.constant 0 : index
    %get3A_20 = vector.load %arg1[%get3A_18, %get3A_19] : memref<10000x64xf32, #tpu.memory_space<vmem>>, vector<10000x64xf32>
    %get3A_21 = arith.constant 0 : index
    %get3A_22 = arith.constant 0 : index
    %get3A_23 = vector.load %arg2[%get3A_21, %get3A_22] : memref<128x64xf32, #tpu.memory_space<vmem>>, vector<128x64xf32>
    %transpose3A_24 = tpu.transpose %get3A_23, [1, 0] : vector<128x64xf32> -> vector<64x128xf32>
    %dot_general3A_25 = arith.constant dense<0.000000e+00> : vector<10000x128xf32>
    %dot_general3A_26 = tpu.matmul %get3A_20, %transpose3A_24, %dot_general3A_25 {dimension_numbers = #tpu.dot_dimension_numbers<[1], [0], [0], [1], [0, 0, 1, 1], [], []>, transpose_lhs_hint = false} : vector<10000x64xf32>, vector<64x128xf32>, vector<10000x128xf32> -> vector<10000x128xf32>
    %add3A_27 = arith.addf %dot_general3A_26, %dot_general3A_17 : vector<10000x128xf32>
    %get3A_28 = arith.constant 0 : index
    %get3A_29 = vector.load %arg4[%get3A_28] : memref<128xf32, #tpu.memory_space<vmem>>, vector<128xf32>
    %broadcast_in_dim3A = vector.shape_cast %get3A_29 : vector<128xf32> to vector<1x128xf32>
    %add3A_30 = vector.broadcast %broadcast_in_dim3A : vector<1x128xf32> to vector<10000x128xf32>
    %add3A_31 = arith.addf %add3A_27, %add3A_30 : vector<10000x128xf32>
    %swap3A = arith.constant 0 : index
    %swap3A_32 = arith.constant 0 : index
    %swap3A_33 = vector.load %arg6[%swap3A, %swap3A_32] : memref<10000x128xf32, #tpu.memory_space<vmem>>, vector<10000x128xf32>
    tpu.vector_store %arg6[%swap3A, %swap3A_32], %add3A_31 {strides = array<i32>} : memref<10000x128xf32, #tpu.memory_space<vmem>>, vector<10000x128xf32>,
    return
  }
}

</mosaic_0001>

<sc_bundles>
// kernel: kernel.12.cloned.1.call-start
scs
__scs_entry_jumppad:
0x0: {  	(pc) =	sbr.rel $0x88, $3  }
0x1: {  	(tag) =	ssettag $0x0;
	lr =	simm.s32 $0x1  }
0x2: {  	[smem:$0x3F8F] =	sst lr;
	_ =	strace $0xD0000000  }
0x3: {  	_ = 	snop  }
0x4: {  	_ = 	snop  }
0x5: {  	_ = 	snop  }
0x6: {  	_ = 	snop  }
0x7: {  	_ = 	snop  }
__scs_overlays_trampoline_lowered:
0x8: {  	[smem:$0x3F9E] =	sst s0  }
0x9: {  	[smem:$0x3F9F] =	sst s1  }
0xa: {  	[smem:$0x3FA0] =	sst s2  }
0xb: {  	[smem:$0x3FA1] =	sst s3  }
0xc: {  	[smem:$0x3FA2] =	sst s4  }
0xd: {  	[smem:$0x3FA3] =	sst s5  }
0xe: {  	[smem:$0x3FA4] =	sst s6  }
0xf: {  	[smem:$0x3FA5] =	sst s7  }
0x10: {  	[smem:$0x3FA6] =	sst s8  }
0x11: {  	[smem:$0x3FA7] =	sst s9;
	s0 =	simm.s32 @!p0 $0x0  }
0x12: {  	s1 =	sld [smem:$0x3F8D];
	s0 =	simm.s32 @p0 $0x1  }
0x13: {  	[smem:$0x3FA8] =	sst s0;
	s0 =	simm.s32 @!p1 $0x0  }
0x14: {  	s2 =	sld [smem:$0x3F8C];
	s0 =	simm.s32 @p1 $0x1  }
0x15: {  	[smem:$0x3FA9] =	sst s0;
	s0 =	simm.s32 @!p2 $0x0  }
0x16: {  	s3 =	sld [smem:$0x3FDB];
	s0 =	simm.s32 @p2 $0x1  }
0x17: {  	s4 =	simm.s32 $0x1BF5;
	[smem:$0x3FAB] =	sst s0  }
0x18: {  	s0 =	sld [smem:$0x3F8E];
	_ =	swait.ge [sflag:s4], $0x0  }
0x19: {  	s7 =	sld [smem:$0x3F8F]  }
0x1a: {  	s8 =	sadd.s32 $0xFFFFE003, lr  }
0x1b: {  	s9 =	sadd.s32 $0xFFFFFEF7, lr;
	s5 =	simm.s32 $0xFFFFFFFF;
	p2 =	slt.u32 s8, $0xFFFFF086  }
0x1c: {  	p1 =	slt.u32 s9, $0xF7A;
	s5 =	simm.s32 @!p2 $0x0  }
0x1d: {  	s5 =	simm.s32 @p1 $0x1;
	p0 =	seq.s32 s7, s2  }
0x1e: {  	s7 =	smul.u32 @!p0 $0xF7A, s2;
	p2 =	seq.s32 @!p0 s5, $0x0  }
0x1f: {  	s9 =	smul.u32 $0xF7A, s1;
	s8 =	simm.s32 @!p0 $0x1BF5;
	p2 =	por !p2, p0  }
0x20: {  	[sflag:s8] =	ssyncset.s32 @!p0 $0xFFFFF086;
	s6 =	sadd.s32 @!p0 s3, s7;
	s7 =	simm.s32 @!p0 $0x108  }
0x21: {  	s3 =	sadd.s32 s3, s9;
	s6 =	sadd.s32 @!p0 $0x88, s6;
	s7 =	simm.s32 @p2 $0x1082  }
0x22: {  	[simem:s7], [sflag:s8] =	dma.local @!p0 [hbm:s6], $0xF7A  }
0x23: {  	s9 =	sor.u32 $0xD0000000, s2;
	s6 =	simm.s32 $0x108;
	_ =	swait.ge @!p0 [sflag:s8], $0x0  }
0x24: {  	s3 =	sadd.s32 $0x88, s3;
	s6 =	simm.s32 @!p1 $0x1082;
	[sflag:s4] =	ssyncset.s32 $0xFFFFF086  }
0x25: {  	[simem:s6], [sflag:s4] =	dma.local [hbm:s3], $0xF7A  }
0x26: {  	[smem:$0x3F8F] =	sst s1;
	(tag) =	ssettag s2;
	_ =	strace s9  }
0x27: {  	s1 =	sld [smem:$0x3F9F]  }
0x28: {  	s2 =	sld [smem:$0x3FA0]  }
0x29: {  	s4 =	sld [smem:$0x3FA2]  }
0x2a: {  	p0 =	seq.s32 s5, $0x0;
	s5 =	sld [smem:$0x3FA3]  }
0x2b: {  	s6 =	sld [smem:$0x3FA4]  }
0x2c: {  	s7 =	sld [smem:$0x3FA5]  }
0x2d: {  	s3 =	simm.s32 $0x108;
	s8 =	sld [smem:$0x3FA6]  }
0x2e: {  	s3 =	simm.s32 @!p0 $0x1082;
	s9 =	sld [smem:$0x3FA7]  }
0x2f: {  	lr =	sadd.s32 s0, s3;
	s0 =	sld [smem:$0x3F9E]  }
0x30: {  	s3 =	sld [smem:$0x3FA1]  }
0x31: {  	[smem:$0x3FAA] =	sst s10  }
0x32: {  	s10 =	sld [smem:$0x3FA8];
	_ =	sdelay $0x3  }
0x33: {  	p0 =	seq.s32 s10, $0x1;
	s10 =	sld [smem:$0x3FAA];
	_ =	sdelay $0x3  }
0x34: {  	[smem:$0x3FAA] =	sst s10  }
0x35: {  	s10 =	sld [smem:$0x3FA9];
	_ =	sdelay $0x3  }
0x36: {  	p1 =	seq.s32 s10, $0x1;
	s10 =	sld [smem:$0x3FAA];
	_ =	sdelay $0x3  }
0x37: {  	[smem:$0x3FAA] =	sst s10  }
0x38: {  	s10 =	sld [smem:$0x3FAB]  }
0x39: {  	_ = 	snop;
	(pc) =	sbr.ind lr, $3  }
0x3a: {  	_ = 	snop  }
0x3b: {  	_ = 	snop  }
0x3c: {  	p2 =	seq.s32 s10, $0x1;
	s10 =	sld [smem:$0x3FAA]  }
0x3d: {  	_ =	shalt  }
0x3e: {  	_ =	shalt  }
0x3f: {  	_ =	shalt  }
0x40: {  	_ =	shalt  }
0x41: {  	_ =	shalt  }
0x42: {  	_ =	shalt  }
0x43: {  	_ =	shalt  }
0x44: {  	_ =	shalt  }
0x45: {  	_ =	shalt  }
0x46: {  	_ =	shalt  }
0x47: {  	_ =	shalt  }
0x48: {  	_ =	shalt  }
0x49: {  	_ =	shalt  }
0x4a: {  	_ =	shalt  }
0x4b: {  	_ =	shalt  }
0x4c: {  	_ =	shalt  }
0x4d: {  	_ =	shalt  }
0x4e: {  	_ =	shalt  }
0x4f: {  	_ =	shalt  }
0x50: {  	_ =	shalt  }
0x51: {  	_ =	shalt  }
0x52: {  	_ =	shalt  }
0x53: {  	_ =	shalt  }
0x54: {  	_ =	shalt  }
0x55: {  	_ =	shalt  }
0x56: {  	_ =	shalt  }
0x57: {  	_ =	shalt  }
0x58: {  	_ =	shalt  }
0x59: {  	_ =	shalt  }
0x5a: {  	_ =	shalt  }
0x5b: {  	_ =	shalt  }
0x5c: {  	_ =	shalt  }
0x5d: {  	_ =	shalt  }
0x5e: {  	_ =	shalt  }
0x5f: {  	_ =	shalt  }
0x60: {  	_ =	shalt  }
0x61: {  	_ =	shalt  }
0x62: {  	_ =	shalt  }
0x63: {  	_ =	shalt  }
0x64: {  	_ =	shalt  }
0x65: {  	_ =	shalt  }
0x66: {  	_ =	shalt  }
0x67: {  	_ =	shalt  }
0x68: {  	_ =	shalt  }
0x69: {  	_ =	shalt  }
0x6a: {  	_ =	shalt  }
0x6b: {  	_ =	shalt  }
0x6c: {  	_ =	shalt  }
0x6d: {  	_ =	shalt  }
0x6e: {  	_ =	shalt  }
0x6f: {  	_ =	shalt  }
0x70: {  	_ =	shalt  }
0x71: {  	_ =	shalt  }
0x72: {  	_ =	shalt  }
0x73: {  	_ =	shalt  }
0x74: {  	_ =	shalt  }
0x75: {  	_ =	shalt  }
0x76: {  	_ =	shalt  }
0x77: {  	_ =	shalt  }
0x78: {  	_ =	shalt  }
0x79: {  	_ =	shalt  }
0x7a: {  	_ =	shalt  }
0x7b: {  	_ =	shalt  }
0x7c: {  	_ =	shalt  }
0x7d: {  	_ =	shalt  }
0x7e: {  	_ =	shalt  }
0x7f: {  	_ =	shalt  }
0x80: {  	_ =	shalt  }
0x81: {  	_ =	shalt  }
0x82: {  	_ =	shalt  }
0x83: {  	_ =	shalt  }
0x84: {  	_ =	shalt  }
0x85: {  	_ =	shalt  }
0x86: {  	_ =	shalt  }
0x87: {  	_ =	shalt  }
.Lfunc_end0:
.L_simem_size_0:
called_computation_lowered:
.L_overlay_start_0:
0x88: {  	s2 =	sld [smem:$0x3FD9]  }
0x89: {  	s3 =	sld [smem:$0x3FFE];
	_ =	sdelay $0x1  }
0x8a: {  	s1 =	srdreg.scid  }
0x8b: {  	s0 =	sand.u32 $0x1, s1  }
0x8c: {  	s17 =	sshll.u32 s0, $0xA;
	s2 =	sadd.s32 s3, s2  }
0x8d: {  	s2 =	sadd.s32 s2, s17  }
0x8e: {  	[smem:$0x3FB6] =	sst s2  }
0x8f: {  	_ = 	snop  }
0x90: {  	s2 =	sld [smem:$0x3FD0];
	(tm) =	ssettm $0x1  }
0x91: {  	s18 =	sld [smem:$0x3FFB];
	_ =	sdelay $0x3  }
0x92: {  	_ =	strace s18  }
0x93: {  	s3 =	sld [smem:$0x3FFC];
	_ =	sdelay $0x3  }
0x94: {  	_ =	strace s3  }
0x95: {  	s3 =	sld [smem:$0x3FFD];
	_ =	sdelay $0x3  }
0x96: {  	_ =	strace s3  }
0x97: {  	_ =	strace $0x8FFFFFFF  }
0x98: {  	s19 =	sld [smem:$0x3FDB];
	_ =	sdelay $0x1  }
0x99: {  	s4 =	simm.s32 $_scs_section_size  }
0x9a: {  	s5 =	simm.s32 $_size__tile_overlayer_lowered;
	s6 =	simm.s32 $_tile_overlayer_lowered  }
0x9b: {  	s22 =	simm.s32 $0x1BFF;
	s21 =	sshll.u32 s6, $0x1;
	s3 =	sadd.s32 s4, s19  }
0x9c: {  	s7 =	simm.s32 $0x0;
	s20 =	sshll.u32 s5, $0x1;
	s5 =	sadd.s32 s21, s3  }
0x9d: {  	[timem:s7], [sflag:s22] =	dma.local [hbm:s5], s20  }
0x9e: {  	_ =	swait.ge [sflag:s22], s20  }
0x9f: {  	s4 =	ssub.s32 $0x0, s20;
	[sflag:s22] =	ssyncset.done $0x0  }
0xa0: {  	[sflag:s22] =	ssyncadd.s32 s4;
	_ =	sdelay $0x1  }
0xa1: {  	s23 =	simm.s32 $0x1B8B  }
0xa2: {  	_ =	swait.ge [sflag:s23], $0x1  }
0xa3: {  	[sflag:s23] =	ssyncset.done $0x0  }
0xa4: {  	s25 =	simm.s32 $0x1B8E;
	s24 =	sld [smem:$0x3FFE];
	[sflag:s23] =	ssyncadd.s32 $0xFFFFFFFF  }
0xa5: {  	s26 =	simm.s32 $execute0_lowered;
	[smem:$0x3FD2] =	sst s25  }
0xa6: {  	s5 =	sshll.u32 s26, $0x1;
	_ =	strace $0x80000046;
	[dreg:$0x1] =	wrdreg $0xFFFFFFFF  }
0xa7: {  	s28 =	simm.s32 $_size_execute0_lowered;
	s3 =	sadd.s32 s3, s5;
	[dreg:$0x0] =	wrdreg $0x0  }
0xa8: {  	s5 =	sshll.u32 s28, $0x1;
	[dreg:$0x2] =	wrdreg s3  }
0xa9: {  	[dreg:$0x3] =	wrdreg s5  }
0xaa: {  	[dreg:$0x4] =	wrdreg $0xC0  }
0xab: {  	_ =	task [dreg:s7], $0x5FFFF  }
0xac: {  	[dreg:$0x1] =	wrdreg $0xFFFFFFFF  }
0xad: {  	[dreg:$0x0] =	wrdreg $0x60  }
0xae: {  	[dreg:$0x2] =	wrdreg s24  }
0xaf: {  	[dreg:$0x3] =	wrdreg s2  }
0xb0: {  	[dreg:$0x4] =	wrdreg $0x0  }
0xb1: {  	[dreg:$0x5] =	wrdreg $0x9  }
0xb2: {  	_ =	task.clear_ibuf [dreg:s7], $0x6FFFF;
	_ =	strace $0x90000046  }
0xb3: {  	s29 =	simm.s32 $0x9;
	_ =	strace $0x80000048  }
0xb4: {  	_ =	swait.ge [sflag:s29], $0x1  }
0xb5: {  	[sflag:s29] =	ssyncadd.s32 $0xFFFFFFFF  }
0xb6: {  	_ =	strace $0x90000048  }
0xb7: {  	_ =	sfence  }
0xb8: {  	s30 =	sld [smem:$0x0];
	_ =	sdelay $0x2  }
0xb9: {  	s31 =	sshll.u32 s1, $0xD;
	s1 =	sshrl.u32 s1, $0x2  }
0xba: {  	s3 =	sand.u32 $0x4000, s31;
	s1 =	sadd.s32 s1, s30  }
0xbb: {  	s0 =	sor.u32 s3, s0;
	s1 =	sshll.u32 s1, $0x11  }
0xbc: {  	s0 =	sor.u32 s1, s0  }
0xbd: {  	s0 =	sadd.s32 $0x8F2B, s0  }
0xbe: {  	[sflag:s0] =	ssyncadd.remote.s32 $0x1  }
0xbf: {  	_ =	sfence.sel $0xFFFF  }
0xc0: {  	[dreg:$0x0] =	wrdreg $0xFFFFFFFF;
	(pc) =	sbr.abs _section_cstart, $3  }
0xc1: {  	[dreg:$0x1] =	wrdreg $0xFFFFFFFF  }
0xc2: {  	_ =	task.clear_ibuf [dreg:s7], $0x2FFFF;
	_ =	strace $0x9FFFFFFF  }
0xc3: {  	(tm) =	ssettm $0x7FFFFFFF  }
tec
execute0_lowered:
.L_overlay_start_1:
0x0: {  	(tag) =	ssettag $0x1  }
0x1: {  	s4 =	rddreg [dreg:$0x0]  }
0x2: {  	s8 =	rddreg [dreg:$0x1]  }
0x3: {  	s0 =	srdreg.scid;
	s2 =	rddreg [dreg:$0x2]  }
0x4: {  	s3 =	simm.s32 $0x0;
	s13 =	simm.s32 $0x4F00;
	s14 =	simm.s32 $0x80  }
0x5: {  	s15 =	simm.s32 $0x0;
	s5 =	sand.u32 $0x1, s0;
	s0 =	stileid.u32  }
0x6: {  	[smem:$0x7FF] =	sst s3;
	s1 =	sshll.u32 s5, $0x4;
	s7 =	smul.u32 $0x2780, s0  }
0x7: {  	s29 =	ssub.s32 $0x2, s5;
	s5 =	smul.u32 $0x27800, s5;
	s30 =	sshll.u32 s0, $0x6  }
0x8: {  	s6 =	sor.u32 s0, s1;
	s1 =	rddreg [dreg:$0x3];
	_ =	strace $0x80000047  }
0x9: {  	s11 =	sshrl.u32 s29, $0x1;
	s6 =	smul.u32 $0x4F0, s6;
	s10 =	sshrl.u32 s7, $0x3  }
0xa: {  	s11 =	ssub.s32 s29, s11;
	s12 =	sadd.s32 s7, s2;
	s7 =	sadd.s32 s7, s5  }
0xb: {  	s10 =	sadd.s32 s10, s4;
	s31 =	sshrl.u32 s7, $0x3;
	s9 =	sadd.s32 s6, s4  }
0xc: {  	s4 =	sadd.s32 $0x12A00, s4;
	s5 =	sadd.s32 $0xDA00, s10;
	s6 =	sor.u32 $0x1C01, s30  }
0xd: {  	s8 =	sadd.s32 s8, s31;
	s10 =	sshrl.u32 s12, $0x3;
	s12 =	simm.s32 $0x2780  }
0xe: {  	s7 =	sadd.s32 $0x3C00, s9;
	s9 =	smax.u32 s11, $0x1;
	s11 =	simm.s32 $0x1  }
.LBB2_1:
0xf: {  	[spmem:s10], [sflag:s6] =	dma.local [hbm:s5], $0x4F0  }
0x10: {  	_ =	swait.ge [sflag:s11], $0x4F0  }
0x11: {  	[sflag:s11] =	ssyncset.done $0x0  }
0x12: {  	[sflag:s11] =	ssyncadd.s32 $0xFFFFFB10  }
0x13: {  	[tilespmem:s12], [sflag:$0x1] =	stream.linear.gather [hbm4b:s7+s3], $0x2780, $0x38;
	[tilespmem:$0x5700] =	vst v63  }
0x14: {  	_ =	swait.ge [sflag:s11], $0x2780  }
0x15: {  	[sflag:s11] =	ssyncset.done $0x0  }
0x16: {  	[sflag:s11] =	ssyncadd.s32 $0xFFFFD880  }
0x17: {  	[tilespmem:s13], [sflag:$0x1] =	stream.linear.gather [hbm4b:s4+s3], $0x800, $0x38;
	[tilespmem:$0x5700] =	vst v63  }
0x18: {  	_ =	swait.ge [sflag:s11], $0x800  }
0x19: {  	[sflag:s11] =	ssyncset.done $0x0  }
0x1a: {  	[sflag:s11] =	ssyncadd.s32 $0xFFFFF800  }
0x1b: {  	s16 =	simm.s32 $0x2780;
	[bflag:$0x0] =	sbarrier.arrive $0xFFFF  }
0x1c: {  	[spmem:s2] =	stream.indirect.scatter.add.f32 [tilespmem:s13], [sflag:$0x1], $0x10, s16, s14, $0xb8;
	[tilespmem:$0x5700] =	vst v63  }
0x1d: {  	s16 =	simm.s32 $0x200;
	_ =	swait.ge [sflag:s11], $0x800  }
.LBB2_2:
0x1e: {  	s17 =	sshra.s32 s16, $0x2;
	[sflag:s11] =	ssyncset.done $0x0;
	p0 =	sne.s32 s16, $0x9C00  }
.Ltmp0:
0x1f: {  	s17 =	sadd.s32 $0x2780, s17;
	[sflag:s11] =	ssyncadd.s32 $0xFFFFF800;
	(pc) =	sbr.rel @p0 .LBB2_2-.Ltmp0, $3  }
0x20: {  	[spmem:s2] =	stream.indirect.scatter.add.f32 [tilespmem:s13], [sflag:$0x1], $0x10, s17, s14, $0xb8;
	[tilespmem:$0x5700] =	vst v63  }
0x21: {  	s16 =	sadd.s32 $0x200, s16;
	_ =	sdelay $0x1  }
0x22: {  	_ =	swait.ge [sflag:s11], $0x800  }
0x23: {  	[sflag:s11] =	ssyncset.done $0x0;
	s15 =	sadd.s32 $0x1, s15  }
0x24: {  	[sflag:s11] =	ssyncadd.s32 $0xFFFFF800;
	p0 =	sne.s32 s15, s9  }
.Ltmp1:
0x25: {  	[bflag:$0x0] =	sbarrier.arrive $0xFFFF;
	(pc) =	sbr.rel @p0 .LBB2_1-.Ltmp1, $4  }
0x26: {  	[hbm:s8], [sflag:s6] =	dma.local [spmem:s10], $0x4F0  }
0x27: {  	_ =	swait.ge [sflag:s11], $0x4F0  }
0x28: {  	[sflag:s11] =	ssyncset.done $0x0  }
0x29: {  	[sflag:s11] =	ssyncadd.s32 $0xFFFFFB10  }
0x2a: {  	_ =	sfence.sel $0x180000  }
0x2b: {  	[bflag:$0x0] =	sbarrier.arrive $0xFFFF  }
0x2c: {  	p0 =	sne.s32 s0, $0x0;
	_ =	strace $0x90000047  }
0x2d: {  	s0 =	sadd.s32 @!p0 $0x100000, s1;
	[bflag:$0x2] =	sbarrier.arrive $0xFFFF  }
0x2e: {  	[sflag:s0] =	ssyncadd.tile.s32 @!p0 $0x1;
	_ =	shalt  }
.Lfunc_end2:
_tile_overlayer_lowered:
.L_overlay_start_2:
0x2f: {  	(tag) =	ssettag $0x2  }
0x30: {  	s0 =	rddreg [dreg:$0x0];
	s2 =	stileid.u32  }
0x31: {  	s1 =	rddreg [dreg:$0x1];
	p0 =	sne.s32 s2, $0x0  }
0x32: {  	s3 =	rddreg [dreg:$0x2];
	[bflag:$0x3] =	sbarrier.arrive $0xFFFF;
	s2 =	simm.s32 @!p0 $0x1C01  }
0x33: {  	[timem:s3], [sflag:s2] =	dma.local @!p0 [hbm:s0], s1  }
0x34: {  	s0 =	simm.s32 @!p0 $0x1  }
0x35: {  	_ =	swait.ge @!p0 [sflag:s0], s1  }
0x36: {  	s1 =	ssub.s32 @!p0 $0x0, s1;
	[sflag:s0] =	ssyncset.done @!p0 $0x0  }
0x37: {  	[sflag:s0] =	ssyncadd.s32 @!p0 s1  }
0x38: {  	[bflag:$0x3] =	sbarrier.arrive $0xFFFF  }
0x39: {  	_ =	shalt  }

// kernel: kernel.15.cloned.1.call-start
scs
__scs_entry_jumppad:
0x0: {  	(pc) =	sbr.rel $0x88, $3  }
0x1: {  	(tag) =	ssettag $0x0;
	lr =	simm.s32 $0x1  }
0x2: {  	[smem:$0x3F8F] =	sst lr;
	_ =	strace $0xD0000000  }
0x3: {  	_ = 	snop  }
0x4: {  	_ = 	snop  }
0x5: {  	_ = 	snop  }
0x6: {  	_ = 	snop  }
0x7: {  	_ = 	snop  }
__scs_overlays_trampoline_lowered:
0x8: {  	[smem:$0x3F9E] =	sst s0  }
0x9: {  	[smem:$0x3F9F] =	sst s1  }
0xa: {  	[smem:$0x3FA0] =	sst s2  }
0xb: {  	[smem:$0x3FA1] =	sst s3  }
0xc: {  	[smem:$0x3FA2] =	sst s4  }
0xd: {  	[smem:$0x3FA3] =	sst s5  }
0xe: {  	[smem:$0x3FA4] =	sst s6  }
0xf: {  	[smem:$0x3FA5] =	sst s7  }
0x10: {  	[smem:$0x3FA6] =	sst s8  }
0x11: {  	[smem:$0x3FA7] =	sst s9;
	s0 =	simm.s32 @!p0 $0x0  }
0x12: {  	s1 =	sld [smem:$0x3F8D];
	s0 =	simm.s32 @p0 $0x1  }
0x13: {  	[smem:$0x3FA8] =	sst s0;
	s0 =	simm.s32 @!p1 $0x0  }
0x14: {  	s2 =	sld [smem:$0x3F8C];
	s0 =	simm.s32 @p1 $0x1  }
0x15: {  	[smem:$0x3FA9] =	sst s0;
	s0 =	simm.s32 @!p2 $0x0  }
0x16: {  	s3 =	sld [smem:$0x3FDB];
	s0 =	simm.s32 @p2 $0x1  }
0x17: {  	s4 =	simm.s32 $0x1BF5;
	[smem:$0x3FAB] =	sst s0  }
0x18: {  	s0 =	sld [smem:$0x3F8E];
	_ =	swait.ge [sflag:s4], $0x0  }
0x19: {  	s7 =	sld [smem:$0x3F8F]  }
0x1a: {  	s8 =	sadd.s32 $0xFFFFE003, lr  }
0x1b: {  	s9 =	sadd.s32 $0xFFFFFEF7, lr;
	s5 =	simm.s32 $0xFFFFFFFF;
	p2 =	slt.u32 s8, $0xFFFFF086  }
0x1c: {  	p1 =	slt.u32 s9, $0xF7A;
	s5 =	simm.s32 @!p2 $0x0  }
0x1d: {  	s5 =	simm.s32 @p1 $0x1;
	p0 =	seq.s32 s7, s2  }
0x1e: {  	s7 =	smul.u32 @!p0 $0xF7A, s2;
	p2 =	seq.s32 @!p0 s5, $0x0  }
0x1f: {  	s9 =	smul.u32 $0xF7A, s1;
	s8 =	simm.s32 @!p0 $0x1BF5;
	p2 =	por !p2, p0  }
0x20: {  	[sflag:s8] =	ssyncset.s32 @!p0 $0xFFFFF086;
	s6 =	sadd.s32 @!p0 s3, s7;
	s7 =	simm.s32 @!p0 $0x108  }
0x21: {  	s3 =	sadd.s32 s3, s9;
	s6 =	sadd.s32 @!p0 $0x88, s6;
	s7 =	simm.s32 @p2 $0x1082  }
0x22: {  	[simem:s7], [sflag:s8] =	dma.local @!p0 [hbm:s6], $0xF7A  }
0x23: {  	s9 =	sor.u32 $0xD0000000, s2;
	s6 =	simm.s32 $0x108;
	_ =	swait.ge @!p0 [sflag:s8], $0x0  }
0x24: {  	s3 =	sadd.s32 $0x88, s3;
	s6 =	simm.s32 @!p1 $0x1082;
	[sflag:s4] =	ssyncset.s32 $0xFFFFF086  }
0x25: {  	[simem:s6], [sflag:s4] =	dma.local [hbm:s3], $0xF7A  }
0x26: {  	[smem:$0x3F8F] =	sst s1;
	(tag) =	ssettag s2;
	_ =	strace s9  }
0x27: {  	s1 =	sld [smem:$0x3F9F]  }
0x28: {  	s2 =	sld [smem:$0x3FA0]  }
0x29: {  	s4 =	sld [smem:$0x3FA2]  }
0x2a: {  	p0 =	seq.s32 s5, $0x0;
	s5 =	sld [smem:$0x3FA3]  }
0x2b: {  	s6 =	sld [smem:$0x3FA4]  }
0x2c: {  	s7 =	sld [smem:$0x3FA5]  }
0x2d: {  	s3 =	simm.s32 $0x108;
	s8 =	sld [smem:$0x3FA6]  }
0x2e: {  	s3 =	simm.s32 @!p0 $0x1082;
	s9 =	sld [smem:$0x3FA7]  }
0x2f: {  	lr =	sadd.s32 s0, s3;
	s0 =	sld [smem:$0x3F9E]  }
0x30: {  	s3 =	sld [smem:$0x3FA1]  }
0x31: {  	[smem:$0x3FAA] =	sst s10  }
0x32: {  	s10 =	sld [smem:$0x3FA8];
	_ =	sdelay $0x3  }
0x33: {  	p0 =	seq.s32 s10, $0x1;
	s10 =	sld [smem:$0x3FAA];
	_ =	sdelay $0x3  }
0x34: {  	[smem:$0x3FAA] =	sst s10  }
0x35: {  	s10 =	sld [smem:$0x3FA9];
	_ =	sdelay $0x3  }
0x36: {  	p1 =	seq.s32 s10, $0x1;
	s10 =	sld [smem:$0x3FAA];
	_ =	sdelay $0x3  }
0x37: {  	[smem:$0x3FAA] =	sst s10  }
0x38: {  	s10 =	sld [smem:$0x3FAB]  }
0x39: {  	_ = 	snop;
	(pc) =	sbr.ind lr, $3  }
0x3a: {  	_ = 	snop  }
0x3b: {  	_ = 	snop  }
0x3c: {  	p2 =	seq.s32 s10, $0x1;
	s10 =	sld [smem:$0x3FAA]  }
0x3d: {  	_ =	shalt  }
0x3e: {  	_ =	shalt  }
0x3f: {  	_ =	shalt  }
0x40: {  	_ =	shalt  }
0x41: {  	_ =	shalt  }
0x42: {  	_ =	shalt  }
0x43: {  	_ =	shalt  }
0x44: {  	_ =	shalt  }
0x45: {  	_ =	shalt  }
0x46: {  	_ =	shalt  }
0x47: {  	_ =	shalt  }
0x48: {  	_ =	shalt  }
0x49: {  	_ =	shalt  }
0x4a: {  	_ =	shalt  }
0x4b: {  	_ =	shalt  }
0x4c: {  	_ =	shalt  }
0x4d: {  	_ =	shalt  }
0x4e: {  	_ =	shalt  }
0x4f: {  	_ =	shalt  }
0x50: {  	_ =	shalt  }
0x51: {  	_ =	shalt  }
0x52: {  	_ =	shalt  }
0x53: {  	_ =	shalt  }
0x54: {  	_ =	shalt  }
0x55: {  	_ =	shalt  }
0x56: {  	_ =	shalt  }
0x57: {  	_ =	shalt  }
0x58: {  	_ =	shalt  }
0x59: {  	_ =	shalt  }
0x5a: {  	_ =	shalt  }
0x5b: {  	_ =	shalt  }
0x5c: {  	_ =	shalt  }
0x5d: {  	_ =	shalt  }
0x5e: {  	_ =	shalt  }
0x5f: {  	_ =	shalt  }
0x60: {  	_ =	shalt  }
0x61: {  	_ =	shalt  }
0x62: {  	_ =	shalt  }
0x63: {  	_ =	shalt  }
0x64: {  	_ =	shalt  }
0x65: {  	_ =	shalt  }
0x66: {  	_ =	shalt  }
0x67: {  	_ =	shalt  }
0x68: {  	_ =	shalt  }
0x69: {  	_ =	shalt  }
0x6a: {  	_ =	shalt  }
0x6b: {  	_ =	shalt  }
0x6c: {  	_ =	shalt  }
0x6d: {  	_ =	shalt  }
0x6e: {  	_ =	shalt  }
0x6f: {  	_ =	shalt  }
0x70: {  	_ =	shalt  }
0x71: {  	_ =	shalt  }
0x72: {  	_ =	shalt  }
0x73: {  	_ =	shalt  }
0x74: {  	_ =	shalt  }
0x75: {  	_ =	shalt  }
0x76: {  	_ =	shalt  }
0x77: {  	_ =	shalt  }
0x78: {  	_ =	shalt  }
0x79: {  	_ =	shalt  }
0x7a: {  	_ =	shalt  }
0x7b: {  	_ =	shalt  }
0x7c: {  	_ =	shalt  }
0x7d: {  	_ =	shalt  }
0x7e: {  	_ =	shalt  }
0x7f: {  	_ =	shalt  }
0x80: {  	_ =	shalt  }
0x81: {  	_ =	shalt  }
0x82: {  	_ =	shalt  }
0x83: {  	_ =	shalt  }
0x84: {  	_ =	shalt  }
0x85: {  	_ =	shalt  }
0x86: {  	_ =	shalt  }
0x87: {  	_ =	shalt  }
.Lfunc_end0:
.L_simem_size_0:
called_computation.1_lowered:
.L_overlay_start_0:
0x88: {  	s2 =	sld [smem:$0x3FD9]  }
0x89: {  	s3 =	sld [smem:$0x3FFE];
	_ =	sdelay $0x1  }
0x8a: {  	s1 =	srdreg.scid  }
0x8b: {  	s0 =	sand.u32 $0x1, s1  }
0x8c: {  	s17 =	sshll.u32 s0, $0xA;
	s2 =	sadd.s32 s3, s2  }
0x8d: {  	s2 =	sadd.s32 s2, s17  }
0x8e: {  	[smem:$0x3FB6] =	sst s2  }
0x8f: {  	_ = 	snop  }
0x90: {  	s2 =	sld [smem:$0x3FD0];
	(tm) =	ssettm $0x1  }
0x91: {  	s18 =	sld [smem:$0x3FFB];
	_ =	sdelay $0x3  }
0x92: {  	_ =	strace s18  }
0x93: {  	s3 =	sld [smem:$0x3FFC];
	_ =	sdelay $0x3  }
0x94: {  	_ =	strace s3  }
0x95: {  	s3 =	sld [smem:$0x3FFD];
	_ =	sdelay $0x3  }
0x96: {  	_ =	strace s3  }
0x97: {  	_ =	strace $0x8FFFFFFF  }
0x98: {  	s19 =	sld [smem:$0x3FDB];
	_ =	sdelay $0x1  }
0x99: {  	s4 =	simm.s32 $_scs_section_size  }
0x9a: {  	s5 =	simm.s32 $_size__tile_overlayer_lowered;
	s6 =	simm.s32 $_tile_overlayer_lowered  }
0x9b: {  	s22 =	simm.s32 $0x1BFF;
	s21 =	sshll.u32 s6, $0x1;
	s3 =	sadd.s32 s4, s19  }
0x9c: {  	s7 =	simm.s32 $0x0;
	s20 =	sshll.u32 s5, $0x1;
	s5 =	sadd.s32 s21, s3  }
0x9d: {  	[timem:s7], [sflag:s22] =	dma.local [hbm:s5], s20  }
0x9e: {  	_ =	swait.ge [sflag:s22], s20  }
0x9f: {  	s4 =	ssub.s32 $0x0, s20;
	[sflag:s22] =	ssyncset.done $0x0  }
0xa0: {  	[sflag:s22] =	ssyncadd.s32 s4;
	_ =	sdelay $0x1  }
0xa1: {  	s23 =	simm.s32 $0x1B8B  }
0xa2: {  	_ =	swait.ge [sflag:s23], $0x1  }
0xa3: {  	[sflag:s23] =	ssyncset.done $0x0  }
0xa4: {  	s25 =	simm.s32 $0x1B8E;
	s24 =	sld [smem:$0x3FFE];
	[sflag:s23] =	ssyncadd.s32 $0xFFFFFFFF  }
0xa5: {  	s26 =	simm.s32 $execute0_lowered;
	[smem:$0x3FD2] =	sst s25  }
0xa6: {  	s5 =	sshll.u32 s26, $0x1;
	_ =	strace $0x80000049;
	[dreg:$0x1] =	wrdreg $0xFFFFFFFF  }
0xa7: {  	s28 =	simm.s32 $_size_execute0_lowered;
	s3 =	sadd.s32 s3, s5;
	[dreg:$0x0] =	wrdreg $0x0  }
0xa8: {  	s5 =	sshll.u32 s28, $0x1;
	[dreg:$0x2] =	wrdreg s3  }
0xa9: {  	[dreg:$0x3] =	wrdreg s5  }
0xaa: {  	[dreg:$0x4] =	wrdreg $0xC0  }
0xab: {  	_ =	task [dreg:s7], $0x5FFFF  }
0xac: {  	[dreg:$0x1] =	wrdreg $0xFFFFFFFF  }
0xad: {  	[dreg:$0x0] =	wrdreg $0x60  }
0xae: {  	[dreg:$0x2] =	wrdreg s2  }
0xaf: {  	[dreg:$0x3] =	wrdreg s24  }
0xb0: {  	[dreg:$0x4] =	wrdreg $0x0  }
0xb1: {  	[dreg:$0x5] =	wrdreg $0x9  }
0xb2: {  	_ =	task.clear_ibuf [dreg:s7], $0x6FFFF;
	_ =	strace $0x90000049  }
0xb3: {  	s29 =	simm.s32 $0x9;
	_ =	strace $0x8000004B  }
0xb4: {  	_ =	swait.ge [sflag:s29], $0x1  }
0xb5: {  	[sflag:s29] =	ssyncadd.s32 $0xFFFFFFFF  }
0xb6: {  	_ =	strace $0x9000004B  }
0xb7: {  	_ =	sfence  }
0xb8: {  	s30 =	sld [smem:$0x0];
	_ =	sdelay $0x2  }
0xb9: {  	s31 =	sshll.u32 s1, $0xD;
	s1 =	sshrl.u32 s1, $0x2  }
0xba: {  	s3 =	sand.u32 $0x4000, s31;
	s1 =	sadd.s32 s1, s30  }
0xbb: {  	s0 =	sor.u32 s3, s0;
	s1 =	sshll.u32 s1, $0x11  }
0xbc: {  	s0 =	sor.u32 s1, s0  }
0xbd: {  	s0 =	sadd.s32 $0x8F2B, s0  }
0xbe: {  	[sflag:s0] =	ssyncadd.remote.s32 $0x1  }
0xbf: {  	_ =	sfence.sel $0xFFFF  }
0xc0: {  	[dreg:$0x0] =	wrdreg $0xFFFFFFFF;
	(pc) =	sbr.abs _section_cstart, $3  }
0xc1: {  	[dreg:$0x1] =	wrdreg $0xFFFFFFFF  }
0xc2: {  	_ =	task.clear_ibuf [dreg:s7], $0x2FFFF;
	_ =	strace $0x9FFFFFFF  }
0xc3: {  	(tm) =	ssettm $0x7FFFFFFF  }
tec
execute0_lowered:
.L_overlay_start_1:
0x0: {  	(tag) =	ssettag $0x1  }
0x1: {  	s2 =	rddreg [dreg:$0x0]  }
0x2: {  	s6 =	rddreg [dreg:$0x1]  }
0x3: {  	s0 =	srdreg.scid;
	s3 =	rddreg [dreg:$0x2];
	s4 =	simm.s32 $0x0  }
0x4: {  	s14 =	simm.s32 $0x80;
	s15 =	simm.s32 $0xED00;
	s16 =	simm.s32 $0x1  }
0x5: {  	s17 =	simm.s32 $0xEC80;
	s5 =	sand.u32 $0x1, s0;
	s0 =	stileid.u32  }
0x6: {  	s18 =	simm.s32 $0x4;
	s19 =	simm.s32 $0x0;
	s8 =	smul.u32 $0x9E00, s0  }
0x7: {  	[smem:$0x7FF] =	sst s4;
	s1 =	sshll.u32 s5, $0x4;
	s9 =	smul.u32 $0x9E000, s5  }
0x8: {  	s5 =	ssub.s32 $0x2, s5;
	s31 =	sshll.u32 s0, $0x6;
	s1 =	sor.u32 s0, s1  }
0x9: {  	s30 =	sshrl.u32 s5, $0x1;
	s7 =	smul.u32 $0x4F0, s1;
	s1 =	rddreg [dreg:$0x3]  }
0xa: {  	_ =	strace $0x8000004A;
	s28 =	sadd.s32 s8, s9;
	s29 =	sshrl.u32 s8, $0x3  }
0xb: {  	s12 =	ssub.s32 s5, s30;
	s13 =	sadd.s32 s8, s3;
	s9 =	sadd.s32 s29, s6  }
0xc: {  	s10 =	sadd.s32 s7, s6;
	s7 =	sshrl.u32 s28, $0x3;
	s5 =	sadd.s32 $0x1CA00, s9  }
0xd: {  	s11 =	sadd.s32 s7, s6;
	s6 =	sor.u32 $0x1C03, s31;
	s7 =	sadd.s32 $0x3C00, s10  }
0xe: {  	s8 =	sadd.s32 $0x12C00, s10;
	s10 =	smax.u32 s12, $0x1;
	s12 =	simm.s32 $0x3  }
0xf: {  	s9 =	sadd.s32 $0x30600, s11;
	s11 =	sshrl.u32 s13, $0x3;
	s13 =	simm.s32 $0x9E00  }
.LBB2_1:
0x10: {  	[spmem:s11], [sflag:s6] =	dma.local [hbm:s5], $0x13C0  }
0x11: {  	_ =	swait.ge [sflag:s12], $0x13C0  }
0x12: {  	[sflag:s12] =	ssyncset.done $0x0  }
0x13: {  	[sflag:s12] =	ssyncadd.s32 $0xFFFFEC40  }
0x14: {  	[tilespmem:s13], [sflag:$0x3] =	stream.linear.gather [hbm4b:s7+s4], $0x2780, $0x38;
	[tilespmem:$0x12D00] =	vst v63  }
0x15: {  	_ =	swait.ge [sflag:s12], $0x2780  }
0x16: {  	[sflag:s12] =	ssyncset.done $0x0  }
0x17: {  	s20 =	simm.s32 $0xC580;
	[sflag:s12] =	ssyncadd.s32 $0xFFFFD880  }
0x18: {  	[tilespmem:s20], [sflag:$0x3] =	stream.linear.gather [hbm4b:s8+s4], $0x2780, $0x38;
	[tilespmem:$0x12D00] =	vst v63  }
0x19: {  	_ =	swait.ge [sflag:s12], $0x2780  }
0x1a: {  	[sflag:s12] =	ssyncset.done $0x0  }
0x1b: {  	s21 =	sand.u32 $0x1, s4;
	[sflag:s12] =	ssyncadd.s32 $0xFFFFD880  }
0x1c: {  	s22 =	simm.s32 $0x9E80;
	p0 =	seq.s32 s21, $0x1;
	[bflag:$0x0] =	sbarrier.arrive $0xFFFF  }
0x1d: {  	[tilespmem:s15], [sflag:$0x1] =	stream.indirect.gather [hbm4b:s2+s14], $0x40, s13, s14, $0xb8;
	[tilespmem:$0x12D00] =	vst v63  }
0x1e: {  	s21 =	simm.s32 @p0 $0x80;
	s23 =	simm.s32 @p0 $0xED00;
	s24 =	simm.s32 @p0 $0x2  }
0x1f: {  	[tilespmem:s23], [sflag:$0x1] =	stream.indirect.gather @p0 [hbm4b:s2+s21], $0x40, s22, s21, $0xb8;
	[tilespmem:$0x12D00] =	vst v63  }
0x20: {  	_ =	swait.ge @p0 [sflag:s24], $0x2000  }
0x21: {  	[sflag:s24] =	ssyncset.done @p0 $0x0  }
0x22: {  	s23 =	simm.s32 @p0 $0x10D00;
	[sflag:s24] =	ssyncadd.s32 @p0 $0xFFFFE000  }
0x23: {  	[spmem:s3] =	stream.indirect.scatter.add.f32 @p0 [tilespmem:s23], [sflag:$0x3], $0x40, s20, s21, $0xb8;
	[tilespmem:$0x12D00] =	vst v63  }
0x24: {  	s24 =	simm.s32 @!p0 $0x1;
	s21 =	simm.s32 @!p0 $0x80;
	s23 =	simm.s32 @!p0 $0x10D00  }
0x25: {  	[tilespmem:s23], [sflag:$0x2] =	stream.indirect.gather @!p0 [hbm4b:s2+s21], $0x40, s22, s21, $0xb8;
	[tilespmem:$0x12D00] =	vst v63  }
0x26: {  	_ =	swait.ge @!p0 [sflag:s24], $0x2000  }
0x27: {  	s25 =	simm.s32 $0x1;
	s23 =	simm.s32 @!p0 $0x4;
	[sflag:s24] =	ssyncset.done @!p0 $0x0  }
0x28: {  	s22 =	simm.s32 @!p0 $0xED00;
	s23 =	simm.s32 @p0 $0x3;
	[sflag:s24] =	ssyncadd.s32 @!p0 $0xFFFFE000  }
0x29: {  	[spmem:s3] =	stream.indirect.scatter.add.f32 @!p0 [tilespmem:s22], [sflag:$0x4], $0x40, s20, s21, $0xb8;
	[tilespmem:$0x12D00] =	vst v63  }
0x2a: {  	s24 =	sand.u32 $0x1, s25;
	s22 =	simm.s32 $0x2;
	_ =	swait.ge [sflag:s23], $0x2000  }
0x2b: {  	s21 =	simm.s32 $0x9F00;
	s20 =	simm.s32 $0xC600;
	[sflag:s23] =	ssyncset.done $0x0  }
.LBB2_2:
0x2c: {  	p0 =	seq.s32 s24, $0x1  }
0x2d: {  	[sflag:s23] =	ssyncadd.s32 $0xFFFFE000;
	s24 =	smov.u32 s22;
	s22 =	sadd.s32 $0x1, s22  }
0x2e: {  	s25 =	simm.s32 @p0 $0x80;
	s23 =	simm.s32 @p0 $0xED00;
	s26 =	simm.s32 @p0 $0x2  }
0x2f: {  	[tilespmem:s23], [sflag:$0x1] =	stream.indirect.gather @p0 [hbm4b:s2+s25], $0x40, s21, s25, $0xb8;
	[tilespmem:$0x12D00] =	vst v63  }
0x30: {  	p1 =	sne.s32 s22, $0x4E;
	s23 =	simm.s32 @!p0 $0x4;
	_ =	swait.ge @p0 [sflag:s26], $0x2000  }
0x31: {  	[sflag:s26] =	ssyncset.done @p0 $0x0  }
0x32: {  	[sflag:s26] =	ssyncadd.s32 @p0 $0xFFFFE000;
	s26 =	simm.s32 @p0 $0x10D00  }
0x33: {  	[spmem:s3] =	stream.indirect.scatter.add.f32 @p0 [tilespmem:s26], [sflag:$0x3], $0x40, s20, s25, $0xb8;
	[tilespmem:$0x12D00] =	vst v63  }
0x34: {  	s28 =	simm.s32 @!p0 $0x1;
	s25 =	simm.s32 @!p0 $0x80;
	s26 =	simm.s32 @!p0 $0x10D00  }
0x35: {  	[tilespmem:s26], [sflag:$0x2] =	stream.indirect.gather @!p0 [hbm4b:s2+s25], $0x40, s21, s25, $0xb8;
	[tilespmem:$0x12D00] =	vst v63  }
0x36: {  	_ =	swait.ge @!p0 [sflag:s28], $0x2000  }
.Ltmp0:
0x37: {  	[sflag:s28] =	ssyncset.done @!p0 $0x0;
	(pc) =	sbr.rel @p1 .LBB2_2-.Ltmp0, $4  }
0x38: {  	s23 =	simm.s32 @p0 $0x3;
	s26 =	simm.s32 @!p0 $0xED00;
	[sflag:s28] =	ssyncadd.s32 @!p0 $0xFFFFE000  }
0x39: {  	[spmem:s3] =	stream.indirect.scatter.add.f32 @!p0 [tilespmem:s26], [sflag:$0x4], $0x40, s20, s25, $0xb8;
	[tilespmem:$0x12D00] =	vst v63  }
0x3a: {  	s21 =	sadd.s32 $0x80, s21;
	_ =	swait.ge [sflag:s23], $0x2000  }
0x3b: {  	s24 =	sand.u32 $0x1, s24;
	s20 =	sadd.s32 $0x80, s20;
	[sflag:s23] =	ssyncset.done $0x0  }
0x3c: {  	p0 =	seq.s32 s24, $0x1;
	[sflag:s23] =	ssyncadd.s32 $0xFFFFE000  }
0x3d: {  	s22 =	simm.s32 @p0 $0x80;
	s23 =	simm.s32 @p0 $0xED00;
	s24 =	simm.s32 @p0 $0x2  }
0x3e: {  	[tilespmem:s23], [sflag:$0x1] =	stream.indirect.gather @p0 [hbm4b:s2+s22], $0x40, s21, s22, $0xb8;
	[tilespmem:$0x12D00] =	vst v63  }
0x3f: {  	_ =	swait.ge @p0 [sflag:s24], $0x2000  }
0x40: {  	[sflag:s24] =	ssyncset.done @p0 $0x0  }
0x41: {  	s23 =	simm.s32 @p0 $0x10D00;
	[sflag:s24] =	ssyncadd.s32 @p0 $0xFFFFE000  }
0x42: {  	[spmem:s3] =	stream.indirect.scatter.add.f32 @p0 [tilespmem:s23], [sflag:$0x3], $0x40, s20, s22, $0xb8;
	[tilespmem:$0x12D00] =	vst v63  }
0x43: {  	s24 =	simm.s32 @!p0 $0x1;
	s22 =	simm.s32 @!p0 $0x80;
	s23 =	simm.s32 @!p0 $0x10D00  }
0x44: {  	[tilespmem:s23], [sflag:$0x2] =	stream.indirect.gather @!p0 [hbm4b:s2+s22], $0x40, s21, s22, $0xb8;
	[tilespmem:$0x12D00] =	vst v63  }
0x45: {  	_ =	swait.ge @!p0 [sflag:s24], $0x2000  }
0x46: {  	s21 =	simm.s32 @!p0 $0x4;
	[sflag:s24] =	ssyncset.done @!p0 $0x0  }
0x47: {  	s23 =	simm.s32 @!p0 $0xED00;
	s21 =	simm.s32 @p0 $0x3;
	[sflag:s24] =	ssyncadd.s32 @!p0 $0xFFFFE000  }
0x48: {  	[spmem:s3] =	stream.indirect.scatter.add.f32 @!p0 [tilespmem:s23], [sflag:$0x4], $0x40, s20, s22, $0xb8;
	[tilespmem:$0x12D00] =	vst v63  }
0x49: {  	_ =	swait.ge [sflag:s21], $0x2000  }
0x4a: {  	[sflag:s21] =	ssyncset.done $0x0  }
0x4b: {  	[sflag:s21] =	ssyncadd.s32 $0xFFFFE000  }
0x4c: {  	_ =	swait.ge [sflag:s16], $0x2000  }
0x4d: {  	[sflag:s16] =	ssyncset.done $0x0  }
0x4e: {  	[sflag:s16] =	ssyncadd.s32 $0xFFFFE000  }
0x4f: {  	[spmem:s3] =	stream.indirect.scatter.add.f32 [tilespmem:s15], [sflag:$0x4], $0x40, s17, s14, $0xb8;
	[tilespmem:$0x12D00] =	vst v63  }
0x50: {  	_ =	swait.ge [sflag:s18], $0x2000  }
0x51: {  	s19 =	sadd.s32 $0x1, s19;
	[sflag:s18] =	ssyncset.done $0x0  }
0x52: {  	p0 =	sne.s32 s19, s10;
	[sflag:s18] =	ssyncadd.s32 $0xFFFFE000  }
.Ltmp1:
0x53: {  	[bflag:$0x0] =	sbarrier.arrive $0xFFFF;
	(pc) =	sbr.rel @p0 .LBB2_1-.Ltmp1, $4  }
0x54: {  	[hbm:s9], [sflag:s6] =	dma.local [spmem:s11], $0x13C0  }
0x55: {  	_ =	swait.ge [sflag:s12], $0x13C0  }
0x56: {  	[sflag:s12] =	ssyncset.done $0x0  }
0x57: {  	[sflag:s12] =	ssyncadd.s32 $0xFFFFEC40  }
0x58: {  	_ =	sfence.sel $0x180000  }
0x59: {  	[bflag:$0x0] =	sbarrier.arrive $0xFFFF  }
0x5a: {  	p0 =	sne.s32 s0, $0x0;
	_ =	strace $0x9000004A  }
0x5b: {  	s0 =	sadd.s32 @!p0 $0x100000, s1;
	[bflag:$0x2] =	sbarrier.arrive $0xFFFF  }
0x5c: {  	[sflag:s0] =	ssyncadd.tile.s32 @!p0 $0x1;
	_ =	shalt  }
.Lfunc_end2:
_tile_overlayer_lowered:
.L_overlay_start_2:
0x5d: {  	(tag) =	ssettag $0x2  }
0x5e: {  	s0 =	rddreg [dreg:$0x0];
	s2 =	stileid.u32  }
0x5f: {  	s1 =	rddreg [dreg:$0x1];
	p0 =	sne.s32 s2, $0x0  }
0x60: {  	s3 =	rddreg [dreg:$0x2];
	[bflag:$0x3] =	sbarrier.arrive $0xFFFF;
	s2 =	simm.s32 @!p0 $0x1C03  }
0x61: {  	[timem:s3], [sflag:s2] =	dma.local @!p0 [hbm:s0], s1  }
0x62: {  	s0 =	simm.s32 @!p0 $0x3  }
0x63: {  	_ =	swait.ge @!p0 [sflag:s0], s1  }
0x64: {  	s1 =	ssub.s32 @!p0 $0x0, s1;
	[sflag:s0] =	ssyncset.done @!p0 $0x0  }
0x65: {  	[sflag:s0] =	ssyncadd.s32 @!p0 s1  }
0x66: {  	[bflag:$0x3] =	sbarrier.arrive $0xFFFF  }
0x67: {  	_ =	shalt  }

// kernel: kernel.18.cloned.1.call-start
scs
__scs_entry_jumppad:
0x0: {  	(pc) =	sbr.rel $0x88, $3  }
0x1: {  	(tag) =	ssettag $0x0;
	lr =	simm.s32 $0x1  }
0x2: {  	[smem:$0x3F8F] =	sst lr;
	_ =	strace $0xD0000000  }
0x3: {  	_ = 	snop  }
0x4: {  	_ = 	snop  }
0x5: {  	_ = 	snop  }
0x6: {  	_ = 	snop  }
0x7: {  	_ = 	snop  }
__scs_overlays_trampoline_lowered:
0x8: {  	[smem:$0x3F9E] =	sst s0  }
0x9: {  	[smem:$0x3F9F] =	sst s1  }
0xa: {  	[smem:$0x3FA0] =	sst s2  }
0xb: {  	[smem:$0x3FA1] =	sst s3  }
0xc: {  	[smem:$0x3FA2] =	sst s4  }
0xd: {  	[smem:$0x3FA3] =	sst s5  }
0xe: {  	[smem:$0x3FA4] =	sst s6  }
0xf: {  	[smem:$0x3FA5] =	sst s7  }
0x10: {  	[smem:$0x3FA6] =	sst s8  }
0x11: {  	[smem:$0x3FA7] =	sst s9;
	s0 =	simm.s32 @!p0 $0x0  }
0x12: {  	s1 =	sld [smem:$0x3F8D];
	s0 =	simm.s32 @p0 $0x1  }
0x13: {  	[smem:$0x3FA8] =	sst s0;
	s0 =	simm.s32 @!p1 $0x0  }
0x14: {  	s2 =	sld [smem:$0x3F8C];
	s0 =	simm.s32 @p1 $0x1  }
0x15: {  	[smem:$0x3FA9] =	sst s0;
	s0 =	simm.s32 @!p2 $0x0  }
0x16: {  	s3 =	sld [smem:$0x3FDB];
	s0 =	simm.s32 @p2 $0x1  }
0x17: {  	s4 =	simm.s32 $0x1BF5;
	[smem:$0x3FAB] =	sst s0  }
0x18: {  	s0 =	sld [smem:$0x3F8E];
	_ =	swait.ge [sflag:s4], $0x0  }
0x19: {  	s7 =	sld [smem:$0x3F8F]  }
0x1a: {  	s8 =	sadd.s32 $0xFFFFE003, lr  }
0x1b: {  	s9 =	sadd.s32 $0xFFFFFEF7, lr;
	s5 =	simm.s32 $0xFFFFFFFF;
	p2 =	slt.u32 s8, $0xFFFFF086  }
0x1c: {  	p1 =	slt.u32 s9, $0xF7A;
	s5 =	simm.s32 @!p2 $0x0  }
0x1d: {  	s5 =	simm.s32 @p1 $0x1;
	p0 =	seq.s32 s7, s2  }
0x1e: {  	s7 =	smul.u32 @!p0 $0xF7A, s2;
	p2 =	seq.s32 @!p0 s5, $0x0  }
0x1f: {  	s9 =	smul.u32 $0xF7A, s1;
	s8 =	simm.s32 @!p0 $0x1BF5;
	p2 =	por !p2, p0  }
0x20: {  	[sflag:s8] =	ssyncset.s32 @!p0 $0xFFFFF086;
	s6 =	sadd.s32 @!p0 s3, s7;
	s7 =	simm.s32 @!p0 $0x108  }
0x21: {  	s3 =	sadd.s32 s3, s9;
	s6 =	sadd.s32 @!p0 $0x88, s6;
	s7 =	simm.s32 @p2 $0x1082  }
0x22: {  	[simem:s7], [sflag:s8] =	dma.local @!p0 [hbm:s6], $0xF7A  }
0x23: {  	s9 =	sor.u32 $0xD0000000, s2;
	s6 =	simm.s32 $0x108;
	_ =	swait.ge @!p0 [sflag:s8], $0x0  }
0x24: {  	s3 =	sadd.s32 $0x88, s3;
	s6 =	simm.s32 @!p1 $0x1082;
	[sflag:s4] =	ssyncset.s32 $0xFFFFF086  }
0x25: {  	[simem:s6], [sflag:s4] =	dma.local [hbm:s3], $0xF7A  }
0x26: {  	[smem:$0x3F8F] =	sst s1;
	(tag) =	ssettag s2;
	_ =	strace s9  }
0x27: {  	s1 =	sld [smem:$0x3F9F]  }
0x28: {  	s2 =	sld [smem:$0x3FA0]  }
0x29: {  	s4 =	sld [smem:$0x3FA2]  }
0x2a: {  	p0 =	seq.s32 s5, $0x0;
	s5 =	sld [smem:$0x3FA3]  }
0x2b: {  	s6 =	sld [smem:$0x3FA4]  }
0x2c: {  	s7 =	sld [smem:$0x3FA5]  }
0x2d: {  	s3 =	simm.s32 $0x108;
	s8 =	sld [smem:$0x3FA6]  }
0x2e: {  	s3 =	simm.s32 @!p0 $0x1082;
	s9 =	sld [smem:$0x3FA7]  }
0x2f: {  	lr =	sadd.s32 s0, s3;
	s0 =	sld [smem:$0x3F9E]  }
0x30: {  	s3 =	sld [smem:$0x3FA1]  }
0x31: {  	[smem:$0x3FAA] =	sst s10  }
0x32: {  	s10 =	sld [smem:$0x3FA8];
	_ =	sdelay $0x3  }
0x33: {  	p0 =	seq.s32 s10, $0x1;
	s10 =	sld [smem:$0x3FAA];
	_ =	sdelay $0x3  }
0x34: {  	[smem:$0x3FAA] =	sst s10  }
0x35: {  	s10 =	sld [smem:$0x3FA9];
	_ =	sdelay $0x3  }
0x36: {  	p1 =	seq.s32 s10, $0x1;
	s10 =	sld [smem:$0x3FAA];
	_ =	sdelay $0x3  }
0x37: {  	[smem:$0x3FAA] =	sst s10  }
0x38: {  	s10 =	sld [smem:$0x3FAB]  }
0x39: {  	_ = 	snop;
	(pc) =	sbr.ind lr, $3  }
0x3a: {  	_ = 	snop  }
0x3b: {  	_ = 	snop  }
0x3c: {  	p2 =	seq.s32 s10, $0x1;
	s10 =	sld [smem:$0x3FAA]  }
0x3d: {  	_ =	shalt  }
0x3e: {  	_ =	shalt  }
0x3f: {  	_ =	shalt  }
0x40: {  	_ =	shalt  }
0x41: {  	_ =	shalt  }
0x42: {  	_ =	shalt  }
0x43: {  	_ =	shalt  }
0x44: {  	_ =	shalt  }
0x45: {  	_ =	shalt  }
0x46: {  	_ =	shalt  }
0x47: {  	_ =	shalt  }
0x48: {  	_ =	shalt  }
0x49: {  	_ =	shalt  }
0x4a: {  	_ =	shalt  }
0x4b: {  	_ =	shalt  }
0x4c: {  	_ =	shalt  }
0x4d: {  	_ =	shalt  }
0x4e: {  	_ =	shalt  }
0x4f: {  	_ =	shalt  }
0x50: {  	_ =	shalt  }
0x51: {  	_ =	shalt  }
0x52: {  	_ =	shalt  }
0x53: {  	_ =	shalt  }
0x54: {  	_ =	shalt  }
0x55: {  	_ =	shalt  }
0x56: {  	_ =	shalt  }
0x57: {  	_ =	shalt  }
0x58: {  	_ =	shalt  }
0x59: {  	_ =	shalt  }
0x5a: {  	_ =	shalt  }
0x5b: {  	_ =	shalt  }
0x5c: {  	_ =	shalt  }
0x5d: {  	_ =	shalt  }
0x5e: {  	_ =	shalt  }
0x5f: {  	_ =	shalt  }
0x60: {  	_ =	shalt  }
0x61: {  	_ =	shalt  }
0x62: {  	_ =	shalt  }
0x63: {  	_ =	shalt  }
0x64: {  	_ =	shalt  }
0x65: {  	_ =	shalt  }
0x66: {  	_ =	shalt  }
0x67: {  	_ =	shalt  }
0x68: {  	_ =	shalt  }
0x69: {  	_ =	shalt  }
0x6a: {  	_ =	shalt  }
0x6b: {  	_ =	shalt  }
0x6c: {  	_ =	shalt  }
0x6d: {  	_ =	shalt  }
0x6e: {  	_ =	shalt  }
0x6f: {  	_ =	shalt  }
0x70: {  	_ =	shalt  }
0x71: {  	_ =	shalt  }
0x72: {  	_ =	shalt  }
0x73: {  	_ =	shalt  }
0x74: {  	_ =	shalt  }
0x75: {  	_ =	shalt  }
0x76: {  	_ =	shalt  }
0x77: {  	_ =	shalt  }
0x78: {  	_ =	shalt  }
0x79: {  	_ =	shalt  }
0x7a: {  	_ =	shalt  }
0x7b: {  	_ =	shalt  }
0x7c: {  	_ =	shalt  }
0x7d: {  	_ =	shalt  }
0x7e: {  	_ =	shalt  }
0x7f: {  	_ =	shalt  }
0x80: {  	_ =	shalt  }
0x81: {  	_ =	shalt  }
0x82: {  	_ =	shalt  }
0x83: {  	_ =	shalt  }
0x84: {  	_ =	shalt  }
0x85: {  	_ =	shalt  }
0x86: {  	_ =	shalt  }
0x87: {  	_ =	shalt  }
.Lfunc_end0:
.L_simem_size_0:
called_computation.2_lowered:
.L_overlay_start_0:
0x88: {  	s2 =	sld [smem:$0x3FD9]  }
0x89: {  	s3 =	sld [smem:$0x3FFE];
	_ =	sdelay $0x1  }
0x8a: {  	s1 =	srdreg.scid  }
0x8b: {  	s0 =	sand.u32 $0x1, s1  }
0x8c: {  	s17 =	sshll.u32 s0, $0xA;
	s2 =	sadd.s32 s3, s2  }
0x8d: {  	s2 =	sadd.s32 s2, s17  }
0x8e: {  	[smem:$0x3FB6] =	sst s2  }
0x8f: {  	_ = 	snop  }
0x90: {  	s2 =	sld [smem:$0x3FD0];
	(tm) =	ssettm $0x1  }
0x91: {  	s18 =	sld [smem:$0x3FFB];
	_ =	sdelay $0x3  }
0x92: {  	_ =	strace s18  }
0x93: {  	s3 =	sld [smem:$0x3FFC];
	_ =	sdelay $0x3  }
0x94: {  	_ =	strace s3  }
0x95: {  	s3 =	sld [smem:$0x3FFD];
	_ =	sdelay $0x3  }
0x96: {  	_ =	strace s3  }
0x97: {  	_ =	strace $0x8FFFFFFF  }
0x98: {  	s19 =	sld [smem:$0x3FDB];
	_ =	sdelay $0x1  }
0x99: {  	s4 =	simm.s32 $_scs_section_size  }
0x9a: {  	s5 =	simm.s32 $_size__tile_overlayer_lowered;
	s6 =	simm.s32 $_tile_overlayer_lowered  }
0x9b: {  	s22 =	simm.s32 $0x1BFF;
	s21 =	sshll.u32 s6, $0x1;
	s3 =	sadd.s32 s4, s19  }
0x9c: {  	s7 =	simm.s32 $0x0;
	s20 =	sshll.u32 s5, $0x1;
	s5 =	sadd.s32 s21, s3  }
0x9d: {  	[timem:s7], [sflag:s22] =	dma.local [hbm:s5], s20  }
0x9e: {  	_ =	swait.ge [sflag:s22], s20  }
0x9f: {  	s4 =	ssub.s32 $0x0, s20;
	[sflag:s22] =	ssyncset.done $0x0  }
0xa0: {  	[sflag:s22] =	ssyncadd.s32 s4;
	_ =	sdelay $0x1  }
0xa1: {  	s23 =	simm.s32 $0x1B8B  }
0xa2: {  	_ =	swait.ge [sflag:s23], $0x1  }
0xa3: {  	[sflag:s23] =	ssyncset.done $0x0  }
0xa4: {  	s25 =	simm.s32 $0x1B8E;
	s24 =	sld [smem:$0x3FFE];
	[sflag:s23] =	ssyncadd.s32 $0xFFFFFFFF  }
0xa5: {  	s26 =	simm.s32 $execute0_lowered;
	[smem:$0x3FD2] =	sst s25  }
0xa6: {  	s5 =	sshll.u32 s26, $0x1;
	_ =	strace $0x8000004C;
	[dreg:$0x1] =	wrdreg $0xFFFFFFFF  }
0xa7: {  	s28 =	simm.s32 $_size_execute0_lowered;
	s3 =	sadd.s32 s3, s5;
	[dreg:$0x0] =	wrdreg $0x0  }
0xa8: {  	s5 =	sshll.u32 s28, $0x1;
	[dreg:$0x2] =	wrdreg s3  }
0xa9: {  	[dreg:$0x3] =	wrdreg s5  }
0xaa: {  	[dreg:$0x4] =	wrdreg $0xC0  }
0xab: {  	_ =	task [dreg:s7], $0x5FFFF  }
0xac: {  	[dreg:$0x1] =	wrdreg $0xFFFFFFFF  }
0xad: {  	[dreg:$0x0] =	wrdreg $0x60  }
0xae: {  	[dreg:$0x2] =	wrdreg s24  }
0xaf: {  	[dreg:$0x3] =	wrdreg s2  }
0xb0: {  	[dreg:$0x4] =	wrdreg $0x0  }
0xb1: {  	[dreg:$0x5] =	wrdreg $0x9  }
0xb2: {  	_ =	task.clear_ibuf [dreg:s7], $0x6FFFF;
	_ =	strace $0x9000004C  }
0xb3: {  	s29 =	simm.s32 $0x9;
	_ =	strace $0x8000004E  }
0xb4: {  	_ =	swait.ge [sflag:s29], $0x1  }
0xb5: {  	[sflag:s29] =	ssyncadd.s32 $0xFFFFFFFF  }
0xb6: {  	_ =	strace $0x9000004E  }
0xb7: {  	_ =	sfence  }
0xb8: {  	s30 =	sld [smem:$0x0];
	_ =	sdelay $0x2  }
0xb9: {  	s31 =	sshll.u32 s1, $0xD;
	s1 =	sshrl.u32 s1, $0x2  }
0xba: {  	s3 =	sand.u32 $0x4000, s31;
	s1 =	sadd.s32 s1, s30  }
0xbb: {  	s0 =	sor.u32 s3, s0;
	s1 =	sshll.u32 s1, $0x11  }
0xbc: {  	s0 =	sor.u32 s1, s0  }
0xbd: {  	s0 =	sadd.s32 $0x8F2B, s0  }
0xbe: {  	[sflag:s0] =	ssyncadd.remote.s32 $0x1  }
0xbf: {  	_ =	sfence.sel $0xFFFF  }
0xc0: {  	[dreg:$0x0] =	wrdreg $0xFFFFFFFF;
	(pc) =	sbr.abs _section_cstart, $3  }
0xc1: {  	[dreg:$0x1] =	wrdreg $0xFFFFFFFF  }
0xc2: {  	_ =	task.clear_ibuf [dreg:s7], $0x2FFFF;
	_ =	strace $0x9FFFFFFF  }
0xc3: {  	(tm) =	ssettm $0x7FFFFFFF  }
tec
execute0_lowered:
.L_overlay_start_1:
0x0: {  	(tag) =	ssettag $0x1  }
0x1: {  	s5 =	rddreg [dreg:$0x0]  }
0x2: {  	s0 =	srdreg.scid;
	s9 =	rddreg [dreg:$0x1]  }
0x3: {  	s2 =	rddreg [dreg:$0x2];
	s1 =	stileid.u32  }
0x4: {  	s3 =	simm.s32 $0x0;
	s14 =	simm.s32 $0x80;
	s15 =	simm.s32 $0x7680  }
0x5: {  	s16 =	simm.s32 $0x1;
	s17 =	simm.s32 $0x7600;
	s18 =	simm.s32 $0x4  }
0x6: {  	s19 =	simm.s32 $0x0;
	s6 =	sand.u32 $0x1, s0;
	s0 =	rddreg [dreg:$0x3]  }
0x7: {  	[smem:$0x7FF] =	sst s3;
	s8 =	smul.u32 $0x2780, s1;
	s31 =	sshll.u32 s1, $0x6  }
0x8: {  	s4 =	sshll.u32 s6, $0x4;
	_ =	strace $0x8000004D;
	s28 =	ssub.s32 $0x2, s6  }
0x9: {  	s6 =	smul.u32 $0x27800, s6;
	s4 =	sor.u32 s1, s4;
	s11 =	sshrl.u32 s8, $0x3  }
0xa: {  	s12 =	sshrl.u32 s28, $0x1;
	s30 =	sadd.s32 s8, s2;
	s7 =	smul.u32 $0x4F0, s4  }
0xb: {  	s4 =	sadd.s32 $0x30600, s5;
	s29 =	ssub.s32 s28, s12;
	s8 =	sadd.s32 s8, s6  }
0xc: {  	s6 =	sor.u32 $0x1C03, s31;
	s12 =	simm.s32 $0x3;
	s13 =	sshrl.u32 s8, $0x3  }
0xd: {  	s10 =	sadd.s32 s7, s5;
	s5 =	sadd.s32 s11, s5;
	s9 =	sadd.s32 s9, s13  }
0xe: {  	s11 =	sshrl.u32 s30, $0x3;
	s13 =	simm.s32 $0x2780;
	s5 =	sadd.s32 $0xDA00, s5  }
0xf: {  	s7 =	sadd.s32 $0x3C00, s10;
	s8 =	sadd.s32 $0x12C00, s10;
	s10 =	smax.u32 s29, $0x1  }
.LBB2_1:
0x10: {  	[spmem:s11], [sflag:s6] =	dma.local [hbm:s5], $0x4F0  }
0x11: {  	_ =	swait.ge [sflag:s12], $0x4F0  }
0x12: {  	[sflag:s12] =	ssyncset.done $0x0  }
0x13: {  	[sflag:s12] =	ssyncadd.s32 $0xFFFFFB10  }
0x14: {  	[tilespmem:s13], [sflag:$0x3] =	stream.linear.gather [hbm4b:s7+s3], $0x2780, $0x38;
	[tilespmem:$0x8680] =	vst v63  }
0x15: {  	_ =	swait.ge [sflag:s12], $0x2780  }
0x16: {  	[sflag:s12] =	ssyncset.done $0x0  }
0x17: {  	s20 =	simm.s32 $0x4F00;
	[sflag:s12] =	ssyncadd.s32 $0xFFFFD880  }
0x18: {  	[tilespmem:s20], [sflag:$0x3] =	stream.linear.gather [hbm4b:s8+s3], $0x2780, $0x38;
	[tilespmem:$0x8680] =	vst v63  }
0x19: {  	_ =	swait.ge [sflag:s12], $0x2780  }
0x1a: {  	[sflag:s12] =	ssyncset.done $0x0  }
0x1b: {  	s21 =	sand.u32 $0x1, s3;
	[sflag:s12] =	ssyncadd.s32 $0xFFFFD880  }
0x1c: {  	s22 =	simm.s32 $0x2800;
	p0 =	seq.s32 s21, $0x1;
	[bflag:$0x0] =	sbarrier.arrive $0xFFFF  }
0x1d: {  	[tilespmem:s15], [sflag:$0x1] =	stream.indirect.gather [hbm4b:s4+s14], $0x10, s13, s14, $0xb8;
	[tilespmem:$0x8680] =	vst v63  }
0x1e: {  	s21 =	simm.s32 @p0 $0x80;
	s23 =	simm.s32 @p0 $0x7680;
	s24 =	simm.s32 @p0 $0x2  }
0x1f: {  	[tilespmem:s23], [sflag:$0x1] =	stream.indirect.gather @p0 [hbm4b:s4+s21], $0x10, s22, s21, $0xb8;
	[tilespmem:$0x8680] =	vst v63  }
0x20: {  	_ =	swait.ge @p0 [sflag:s24], $0x800  }
0x21: {  	[sflag:s24] =	ssyncset.done @p0 $0x0  }
0x22: {  	s23 =	simm.s32 @p0 $0x7E80;
	[sflag:s24] =	ssyncadd.s32 @p0 $0xFFFFF800  }
0x23: {  	[spmem:s2] =	stream.indirect.scatter.add.f32 @p0 [tilespmem:s23], [sflag:$0x3], $0x10, s20, s21, $0xb8;
	[tilespmem:$0x8680] =	vst v63  }
0x24: {  	s24 =	simm.s32 @!p0 $0x1;
	s21 =	simm.s32 @!p0 $0x80;
	s23 =	simm.s32 @!p0 $0x7E80  }
0x25: {  	[tilespmem:s23], [sflag:$0x2] =	stream.indirect.gather @!p0 [hbm4b:s4+s21], $0x10, s22, s21, $0xb8;
	[tilespmem:$0x8680] =	vst v63  }
0x26: {  	_ =	swait.ge @!p0 [sflag:s24], $0x800  }
0x27: {  	s25 =	simm.s32 $0x1;
	s23 =	simm.s32 @!p0 $0x4;
	[sflag:s24] =	ssyncset.done @!p0 $0x0  }
0x28: {  	s22 =	simm.s32 @!p0 $0x7680;
	s23 =	simm.s32 @p0 $0x3;
	[sflag:s24] =	ssyncadd.s32 @!p0 $0xFFFFF800  }
0x29: {  	[spmem:s2] =	stream.indirect.scatter.add.f32 @!p0 [tilespmem:s22], [sflag:$0x4], $0x10, s20, s21, $0xb8;
	[tilespmem:$0x8680] =	vst v63  }
0x2a: {  	s24 =	sand.u32 $0x1, s25;
	s22 =	simm.s32 $0x2;
	_ =	swait.ge [sflag:s23], $0x800  }
0x2b: {  	s21 =	simm.s32 $0x2880;
	s20 =	simm.s32 $0x4F80;
	[sflag:s23] =	ssyncset.done $0x0  }
.LBB2_2:
0x2c: {  	p0 =	seq.s32 s24, $0x1  }
0x2d: {  	[sflag:s23] =	ssyncadd.s32 $0xFFFFF800;
	s24 =	smov.u32 s22;
	s22 =	sadd.s32 $0x1, s22  }
0x2e: {  	s25 =	simm.s32 @p0 $0x80;
	s23 =	simm.s32 @p0 $0x7680;
	s26 =	simm.s32 @p0 $0x2  }
0x2f: {  	[tilespmem:s23], [sflag:$0x1] =	stream.indirect.gather @p0 [hbm4b:s4+s25], $0x10, s21, s25, $0xb8;
	[tilespmem:$0x8680] =	vst v63  }
0x30: {  	p1 =	sne.s32 s22, $0x4E;
	s23 =	simm.s32 @!p0 $0x4;
	_ =	swait.ge @p0 [sflag:s26], $0x800  }
0x31: {  	[sflag:s26] =	ssyncset.done @p0 $0x0  }
0x32: {  	[sflag:s26] =	ssyncadd.s32 @p0 $0xFFFFF800;
	s26 =	simm.s32 @p0 $0x7E80  }
0x33: {  	[spmem:s2] =	stream.indirect.scatter.add.f32 @p0 [tilespmem:s26], [sflag:$0x3], $0x10, s20, s25, $0xb8;
	[tilespmem:$0x8680] =	vst v63  }
0x34: {  	s28 =	simm.s32 @!p0 $0x1;
	s25 =	simm.s32 @!p0 $0x80;
	s26 =	simm.s32 @!p0 $0x7E80  }
0x35: {  	[tilespmem:s26], [sflag:$0x2] =	stream.indirect.gather @!p0 [hbm4b:s4+s25], $0x10, s21, s25, $0xb8;
	[tilespmem:$0x8680] =	vst v63  }
0x36: {  	_ =	swait.ge @!p0 [sflag:s28], $0x800  }
.Ltmp0:
0x37: {  	[sflag:s28] =	ssyncset.done @!p0 $0x0;
	(pc) =	sbr.rel @p1 .LBB2_2-.Ltmp0, $4  }
0x38: {  	s23 =	simm.s32 @p0 $0x3;
	s26 =	simm.s32 @!p0 $0x7680;
	[sflag:s28] =	ssyncadd.s32 @!p0 $0xFFFFF800  }
0x39: {  	[spmem:s2] =	stream.indirect.scatter.add.f32 @!p0 [tilespmem:s26], [sflag:$0x4], $0x10, s20, s25, $0xb8;
	[tilespmem:$0x8680] =	vst v63  }
0x3a: {  	s21 =	sadd.s32 $0x80, s21;
	_ =	swait.ge [sflag:s23], $0x800  }
0x3b: {  	s24 =	sand.u32 $0x1, s24;
	s20 =	sadd.s32 $0x80, s20;
	[sflag:s23] =	ssyncset.done $0x0  }
0x3c: {  	p0 =	seq.s32 s24, $0x1;
	[sflag:s23] =	ssyncadd.s32 $0xFFFFF800  }
0x3d: {  	s22 =	simm.s32 @p0 $0x80;
	s23 =	simm.s32 @p0 $0x7680;
	s24 =	simm.s32 @p0 $0x2  }
0x3e: {  	[tilespmem:s23], [sflag:$0x1] =	stream.indirect.gather @p0 [hbm4b:s4+s22], $0x10, s21, s22, $0xb8;
	[tilespmem:$0x8680] =	vst v63  }
0x3f: {  	_ =	swait.ge @p0 [sflag:s24], $0x800  }
0x40: {  	[sflag:s24] =	ssyncset.done @p0 $0x0  }
0x41: {  	s23 =	simm.s32 @p0 $0x7E80;
	[sflag:s24] =	ssyncadd.s32 @p0 $0xFFFFF800  }
0x42: {  	[spmem:s2] =	stream.indirect.scatter.add.f32 @p0 [tilespmem:s23], [sflag:$0x3], $0x10, s20, s22, $0xb8;
	[tilespmem:$0x8680] =	vst v63  }
0x43: {  	s24 =	simm.s32 @!p0 $0x1;
	s22 =	simm.s32 @!p0 $0x80;
	s23 =	simm.s32 @!p0 $0x7E80  }
0x44: {  	[tilespmem:s23], [sflag:$0x2] =	stream.indirect.gather @!p0 [hbm4b:s4+s22], $0x10, s21, s22, $0xb8;
	[tilespmem:$0x8680] =	vst v63  }
0x45: {  	_ =	swait.ge @!p0 [sflag:s24], $0x800  }
0x46: {  	s21 =	simm.s32 @!p0 $0x4;
	[sflag:s24] =	ssyncset.done @!p0 $0x0  }
0x47: {  	s23 =	simm.s32 @!p0 $0x7680;
	s21 =	simm.s32 @p0 $0x3;
	[sflag:s24] =	ssyncadd.s32 @!p0 $0xFFFFF800  }
0x48: {  	[spmem:s2] =	stream.indirect.scatter.add.f32 @!p0 [tilespmem:s23], [sflag:$0x4], $0x10, s20, s22, $0xb8;
	[tilespmem:$0x8680] =	vst v63  }
0x49: {  	_ =	swait.ge [sflag:s21], $0x800  }
0x4a: {  	[sflag:s21] =	ssyncset.done $0x0  }
0x4b: {  	[sflag:s21] =	ssyncadd.s32 $0xFFFFF800  }
0x4c: {  	_ =	swait.ge [sflag:s16], $0x800  }
0x4d: {  	[sflag:s16] =	ssyncset.done $0x0  }
0x4e: {  	[sflag:s16] =	ssyncadd.s32 $0xFFFFF800  }
0x4f: {  	[spmem:s2] =	stream.indirect.scatter.add.f32 [tilespmem:s15], [sflag:$0x4], $0x10, s17, s14, $0xb8;
	[tilespmem:$0x8680] =	vst v63  }
0x50: {  	_ =	swait.ge [sflag:s18], $0x800  }
0x51: {  	s19 =	sadd.s32 $0x1, s19;
	[sflag:s18] =	ssyncset.done $0x0  }
0x52: {  	p0 =	sne.s32 s19, s10;
	[sflag:s18] =	ssyncadd.s32 $0xFFFFF800  }
.Ltmp1:
0x53: {  	[bflag:$0x0] =	sbarrier.arrive $0xFFFF;
	(pc) =	sbr.rel @p0 .LBB2_1-.Ltmp1, $4  }
0x54: {  	[hbm:s9], [sflag:s6] =	dma.local [spmem:s11], $0x4F0  }
0x55: {  	_ =	swait.ge [sflag:s12], $0x4F0  }
0x56: {  	[sflag:s12] =	ssyncset.done $0x0  }
0x57: {  	[sflag:s12] =	ssyncadd.s32 $0xFFFFFB10  }
0x58: {  	_ =	sfence.sel $0x180000  }
0x59: {  	[bflag:$0x0] =	sbarrier.arrive $0xFFFF  }
0x5a: {  	p0 =	sne.s32 s1, $0x0;
	_ =	strace $0x9000004D  }
0x5b: {  	s0 =	sadd.s32 @!p0 $0x100000, s0;
	[bflag:$0x2] =	sbarrier.arrive $0xFFFF  }
0x5c: {  	[sflag:s0] =	ssyncadd.tile.s32 @!p0 $0x1;
	_ =	shalt  }
.Lfunc_end2:
_tile_overlayer_lowered:
.L_overlay_start_2:
0x5d: {  	(tag) =	ssettag $0x2  }
0x5e: {  	s0 =	rddreg [dreg:$0x0];
	s2 =	stileid.u32  }
0x5f: {  	s1 =	rddreg [dreg:$0x1];
	p0 =	sne.s32 s2, $0x0  }
0x60: {  	s3 =	rddreg [dreg:$0x2];
	[bflag:$0x3] =	sbarrier.arrive $0xFFFF;
	s2 =	simm.s32 @!p0 $0x1C03  }
0x61: {  	[timem:s3], [sflag:s2] =	dma.local @!p0 [hbm:s0], s1  }
0x62: {  	s0 =	simm.s32 @!p0 $0x3  }
0x63: {  	_ =	swait.ge @!p0 [sflag:s0], s1  }
0x64: {  	s1 =	ssub.s32 @!p0 $0x0, s1;
	[sflag:s0] =	ssyncset.done @!p0 $0x0  }
0x65: {  	[sflag:s0] =	ssyncadd.s32 @!p0 s1  }
0x66: {  	[bflag:$0x3] =	sbarrier.arrive $0xFFFF  }
0x67: {  	_ =	shalt  }

// kernel: kernel.21.cloned.1.call-start
scs
__scs_entry_jumppad:
0x0: {  	(pc) =	sbr.rel $0x88, $3  }
0x1: {  	(tag) =	ssettag $0x0;
	lr =	simm.s32 $0x1  }
0x2: {  	[smem:$0x3F8F] =	sst lr;
	_ =	strace $0xD0000000  }
0x3: {  	_ = 	snop  }
0x4: {  	_ = 	snop  }
0x5: {  	_ = 	snop  }
0x6: {  	_ = 	snop  }
0x7: {  	_ = 	snop  }
__scs_overlays_trampoline_lowered:
0x8: {  	[smem:$0x3F9E] =	sst s0  }
0x9: {  	[smem:$0x3F9F] =	sst s1  }
0xa: {  	[smem:$0x3FA0] =	sst s2  }
0xb: {  	[smem:$0x3FA1] =	sst s3  }
0xc: {  	[smem:$0x3FA2] =	sst s4  }
0xd: {  	[smem:$0x3FA3] =	sst s5  }
0xe: {  	[smem:$0x3FA4] =	sst s6  }
0xf: {  	[smem:$0x3FA5] =	sst s7  }
0x10: {  	[smem:$0x3FA6] =	sst s8  }
0x11: {  	[smem:$0x3FA7] =	sst s9;
	s0 =	simm.s32 @!p0 $0x0  }
0x12: {  	s1 =	sld [smem:$0x3F8D];
	s0 =	simm.s32 @p0 $0x1  }
0x13: {  	[smem:$0x3FA8] =	sst s0;
	s0 =	simm.s32 @!p1 $0x0  }
0x14: {  	s2 =	sld [smem:$0x3F8C];
	s0 =	simm.s32 @p1 $0x1  }
0x15: {  	[smem:$0x3FA9] =	sst s0;
	s0 =	simm.s32 @!p2 $0x0  }
0x16: {  	s3 =	sld [smem:$0x3FDB];
	s0 =	simm.s32 @p2 $0x1  }
0x17: {  	s4 =	simm.s32 $0x1BF5;
	[smem:$0x3FAB] =	sst s0  }
0x18: {  	s0 =	sld [smem:$0x3F8E];
	_ =	swait.ge [sflag:s4], $0x0  }
0x19: {  	s7 =	sld [smem:$0x3F8F]  }
0x1a: {  	s8 =	sadd.s32 $0xFFFFE003, lr  }
0x1b: {  	s9 =	sadd.s32 $0xFFFFFEF7, lr;
	s5 =	simm.s32 $0xFFFFFFFF;
	p2 =	slt.u32 s8, $0xFFFFF086  }
0x1c: {  	p1 =	slt.u32 s9, $0xF7A;
	s5 =	simm.s32 @!p2 $0x0  }
0x1d: {  	s5 =	simm.s32 @p1 $0x1;
	p0 =	seq.s32 s7, s2  }
0x1e: {  	s7 =	smul.u32 @!p0 $0xF7A, s2;
	p2 =	seq.s32 @!p0 s5, $0x0  }
0x1f: {  	s9 =	smul.u32 $0xF7A, s1;
	s8 =	simm.s32 @!p0 $0x1BF5;
	p2 =	por !p2, p0  }
0x20: {  	[sflag:s8] =	ssyncset.s32 @!p0 $0xFFFFF086;
	s6 =	sadd.s32 @!p0 s3, s7;
	s7 =	simm.s32 @!p0 $0x108  }
0x21: {  	s3 =	sadd.s32 s3, s9;
	s6 =	sadd.s32 @!p0 $0x88, s6;
	s7 =	simm.s32 @p2 $0x1082  }
0x22: {  	[simem:s7], [sflag:s8] =	dma.local @!p0 [hbm:s6], $0xF7A  }
0x23: {  	s9 =	sor.u32 $0xD0000000, s2;
	s6 =	simm.s32 $0x108;
	_ =	swait.ge @!p0 [sflag:s8], $0x0  }
0x24: {  	s3 =	sadd.s32 $0x88, s3;
	s6 =	simm.s32 @!p1 $0x1082;
	[sflag:s4] =	ssyncset.s32 $0xFFFFF086  }
0x25: {  	[simem:s6], [sflag:s4] =	dma.local [hbm:s3], $0xF7A  }
0x26: {  	[smem:$0x3F8F] =	sst s1;
	(tag) =	ssettag s2;
	_ =	strace s9  }
0x27: {  	s1 =	sld [smem:$0x3F9F]  }
0x28: {  	s2 =	sld [smem:$0x3FA0]  }
0x29: {  	s4 =	sld [smem:$0x3FA2]  }
0x2a: {  	p0 =	seq.s32 s5, $0x0;
	s5 =	sld [smem:$0x3FA3]  }
0x2b: {  	s6 =	sld [smem:$0x3FA4]  }
0x2c: {  	s7 =	sld [smem:$0x3FA5]  }
0x2d: {  	s3 =	simm.s32 $0x108;
	s8 =	sld [smem:$0x3FA6]  }
0x2e: {  	s3 =	simm.s32 @!p0 $0x1082;
	s9 =	sld [smem:$0x3FA7]  }
0x2f: {  	lr =	sadd.s32 s0, s3;
	s0 =	sld [smem:$0x3F9E]  }
0x30: {  	s3 =	sld [smem:$0x3FA1]  }
0x31: {  	[smem:$0x3FAA] =	sst s10  }
0x32: {  	s10 =	sld [smem:$0x3FA8];
	_ =	sdelay $0x3  }
0x33: {  	p0 =	seq.s32 s10, $0x1;
	s10 =	sld [smem:$0x3FAA];
	_ =	sdelay $0x3  }
0x34: {  	[smem:$0x3FAA] =	sst s10  }
0x35: {  	s10 =	sld [smem:$0x3FA9];
	_ =	sdelay $0x3  }
0x36: {  	p1 =	seq.s32 s10, $0x1;
	s10 =	sld [smem:$0x3FAA];
	_ =	sdelay $0x3  }
0x37: {  	[smem:$0x3FAA] =	sst s10  }
0x38: {  	s10 =	sld [smem:$0x3FAB]  }
0x39: {  	_ = 	snop;
	(pc) =	sbr.ind lr, $3  }
0x3a: {  	_ = 	snop  }
0x3b: {  	_ = 	snop  }
0x3c: {  	p2 =	seq.s32 s10, $0x1;
	s10 =	sld [smem:$0x3FAA]  }
0x3d: {  	_ =	shalt  }
0x3e: {  	_ =	shalt  }
0x3f: {  	_ =	shalt  }
0x40: {  	_ =	shalt  }
0x41: {  	_ =	shalt  }
0x42: {  	_ =	shalt  }
0x43: {  	_ =	shalt  }
0x44: {  	_ =	shalt  }
0x45: {  	_ =	shalt  }
0x46: {  	_ =	shalt  }
0x47: {  	_ =	shalt  }
0x48: {  	_ =	shalt  }
0x49: {  	_ =	shalt  }
0x4a: {  	_ =	shalt  }
0x4b: {  	_ =	shalt  }
0x4c: {  	_ =	shalt  }
0x4d: {  	_ =	shalt  }
0x4e: {  	_ =	shalt  }
0x4f: {  	_ =	shalt  }
0x50: {  	_ =	shalt  }
0x51: {  	_ =	shalt  }
0x52: {  	_ =	shalt  }
0x53: {  	_ =	shalt  }
0x54: {  	_ =	shalt  }
0x55: {  	_ =	shalt  }
0x56: {  	_ =	shalt  }
0x57: {  	_ =	shalt  }
0x58: {  	_ =	shalt  }
0x59: {  	_ =	shalt  }
0x5a: {  	_ =	shalt  }
0x5b: {  	_ =	shalt  }
0x5c: {  	_ =	shalt  }
0x5d: {  	_ =	shalt  }
0x5e: {  	_ =	shalt  }
0x5f: {  	_ =	shalt  }
0x60: {  	_ =	shalt  }
0x61: {  	_ =	shalt  }
0x62: {  	_ =	shalt  }
0x63: {  	_ =	shalt  }
0x64: {  	_ =	shalt  }
0x65: {  	_ =	shalt  }
0x66: {  	_ =	shalt  }
0x67: {  	_ =	shalt  }
0x68: {  	_ =	shalt  }
0x69: {  	_ =	shalt  }
0x6a: {  	_ =	shalt  }
0x6b: {  	_ =	shalt  }
0x6c: {  	_ =	shalt  }
0x6d: {  	_ =	shalt  }
0x6e: {  	_ =	shalt  }
0x6f: {  	_ =	shalt  }
0x70: {  	_ =	shalt  }
0x71: {  	_ =	shalt  }
0x72: {  	_ =	shalt  }
0x73: {  	_ =	shalt  }
0x74: {  	_ =	shalt  }
0x75: {  	_ =	shalt  }
0x76: {  	_ =	shalt  }
0x77: {  	_ =	shalt  }
0x78: {  	_ =	shalt  }
0x79: {  	_ =	shalt  }
0x7a: {  	_ =	shalt  }
0x7b: {  	_ =	shalt  }
0x7c: {  	_ =	shalt  }
0x7d: {  	_ =	shalt  }
0x7e: {  	_ =	shalt  }
0x7f: {  	_ =	shalt  }
0x80: {  	_ =	shalt  }
0x81: {  	_ =	shalt  }
0x82: {  	_ =	shalt  }
0x83: {  	_ =	shalt  }
0x84: {  	_ =	shalt  }
0x85: {  	_ =	shalt  }
0x86: {  	_ =	shalt  }
0x87: {  	_ =	shalt  }
.Lfunc_end0:
.L_simem_size_0:
called_computation.3_lowered:
.L_overlay_start_0:
0x88: {  	s2 =	sld [smem:$0x3FD9]  }
0x89: {  	s3 =	sld [smem:$0x3FFE];
	_ =	sdelay $0x1  }
0x8a: {  	s1 =	srdreg.scid  }
0x8b: {  	s0 =	sand.u32 $0x1, s1  }
0x8c: {  	s17 =	sshll.u32 s0, $0xA;
	s2 =	sadd.s32 s3, s2  }
0x8d: {  	s2 =	sadd.s32 s2, s17  }
0x8e: {  	[smem:$0x3FB6] =	sst s2  }
0x8f: {  	_ = 	snop  }
0x90: {  	s2 =	sld [smem:$0x3FD0];
	(tm) =	ssettm $0x1  }
0x91: {  	s18 =	sld [smem:$0x3FFB];
	_ =	sdelay $0x3  }
0x92: {  	_ =	strace s18  }
0x93: {  	s3 =	sld [smem:$0x3FFC];
	_ =	sdelay $0x3  }
0x94: {  	_ =	strace s3  }
0x95: {  	s3 =	sld [smem:$0x3FFD];
	_ =	sdelay $0x3  }
0x96: {  	_ =	strace s3  }
0x97: {  	_ =	strace $0x8FFFFFFF  }
0x98: {  	s19 =	sld [smem:$0x3FDB];
	_ =	sdelay $0x1  }
0x99: {  	s4 =	simm.s32 $_scs_section_size  }
0x9a: {  	s5 =	simm.s32 $_size__tile_overlayer_lowered;
	s6 =	simm.s32 $_tile_overlayer_lowered  }
0x9b: {  	s22 =	simm.s32 $0x1BFF;
	s21 =	sshll.u32 s6, $0x1;
	s3 =	sadd.s32 s4, s19  }
0x9c: {  	s7 =	simm.s32 $0x0;
	s20 =	sshll.u32 s5, $0x1;
	s5 =	sadd.s32 s21, s3  }
0x9d: {  	[timem:s7], [sflag:s22] =	dma.local [hbm:s5], s20  }
0x9e: {  	_ =	swait.ge [sflag:s22], s20  }
0x9f: {  	s4 =	ssub.s32 $0x0, s20;
	[sflag:s22] =	ssyncset.done $0x0  }
0xa0: {  	[sflag:s22] =	ssyncadd.s32 s4;
	_ =	sdelay $0x1  }
0xa1: {  	s23 =	simm.s32 $0x1B8B  }
0xa2: {  	_ =	swait.ge [sflag:s23], $0x1  }
0xa3: {  	[sflag:s23] =	ssyncset.done $0x0  }
0xa4: {  	s25 =	simm.s32 $0x1B8E;
	s24 =	sld [smem:$0x3FFE];
	[sflag:s23] =	ssyncadd.s32 $0xFFFFFFFF  }
0xa5: {  	s26 =	simm.s32 $execute0_lowered;
	[smem:$0x3FD2] =	sst s25  }
0xa6: {  	s5 =	sshll.u32 s26, $0x1;
	_ =	strace $0x8000004F;
	[dreg:$0x1] =	wrdreg $0xFFFFFFFF  }
0xa7: {  	s28 =	simm.s32 $_size_execute0_lowered;
	s3 =	sadd.s32 s3, s5;
	[dreg:$0x0] =	wrdreg $0x0  }
0xa8: {  	s5 =	sshll.u32 s28, $0x1;
	[dreg:$0x2] =	wrdreg s3  }
0xa9: {  	[dreg:$0x3] =	wrdreg s5  }
0xaa: {  	[dreg:$0x4] =	wrdreg $0xC0  }
0xab: {  	_ =	task [dreg:s7], $0x5FFFF  }
0xac: {  	[dreg:$0x1] =	wrdreg $0xFFFFFFFF  }
0xad: {  	[dreg:$0x0] =	wrdreg $0x60  }
0xae: {  	[dreg:$0x2] =	wrdreg s24  }
0xaf: {  	[dreg:$0x3] =	wrdreg s2  }
0xb0: {  	[dreg:$0x4] =	wrdreg $0x0  }
0xb1: {  	[dreg:$0x5] =	wrdreg $0x9  }
0xb2: {  	_ =	task.clear_ibuf [dreg:s7], $0x6FFFF;
	_ =	strace $0x9000004F  }
0xb3: {  	s29 =	simm.s32 $0x9;
	_ =	strace $0x80000051  }
0xb4: {  	_ =	swait.ge [sflag:s29], $0x1  }
0xb5: {  	[sflag:s29] =	ssyncadd.s32 $0xFFFFFFFF  }
0xb6: {  	_ =	strace $0x90000051  }
0xb7: {  	_ =	sfence  }
0xb8: {  	s30 =	sld [smem:$0x0];
	_ =	sdelay $0x2  }
0xb9: {  	s31 =	sshll.u32 s1, $0xD;
	s1 =	sshrl.u32 s1, $0x2  }
0xba: {  	s3 =	sand.u32 $0x4000, s31;
	s1 =	sadd.s32 s1, s30  }
0xbb: {  	s0 =	sor.u32 s3, s0;
	s1 =	sshll.u32 s1, $0x11  }
0xbc: {  	s0 =	sor.u32 s1, s0  }
0xbd: {  	s0 =	sadd.s32 $0x8F2B, s0  }
0xbe: {  	[sflag:s0] =	ssyncadd.remote.s32 $0x1  }
0xbf: {  	_ =	sfence.sel $0xFFFF  }
0xc0: {  	[dreg:$0x0] =	wrdreg $0xFFFFFFFF;
	(pc) =	sbr.abs _section_cstart, $3  }
0xc1: {  	[dreg:$0x1] =	wrdreg $0xFFFFFFFF  }
0xc2: {  	_ =	task.clear_ibuf [dreg:s7], $0x2FFFF;
	_ =	strace $0x9FFFFFFF  }
0xc3: {  	(tm) =	ssettm $0x7FFFFFFF  }
tec
execute0_lowered:
.L_overlay_start_1:
0x0: {  	(tag) =	ssettag $0x1  }
0x1: {  	s5 =	rddreg [dreg:$0x0]  }
0x2: {  	s0 =	srdreg.scid;
	s9 =	rddreg [dreg:$0x1]  }
0x3: {  	s2 =	rddreg [dreg:$0x2];
	s1 =	stileid.u32  }
0x4: {  	s3 =	simm.s32 $0x0;
	s14 =	simm.s32 $0x80;
	s15 =	simm.s32 $0x7680  }
0x5: {  	s16 =	simm.s32 $0x1;
	s17 =	simm.s32 $0x7600;
	s18 =	simm.s32 $0x4  }
0x6: {  	s19 =	simm.s32 $0x0;
	s6 =	sand.u32 $0x1, s0;
	s0 =	rddreg [dreg:$0x3]  }
0x7: {  	[smem:$0x7FF] =	sst s3;
	s8 =	smul.u32 $0x2780, s1;
	s31 =	sshll.u32 s1, $0x6  }
0x8: {  	s4 =	sshll.u32 s6, $0x4;
	_ =	strace $0x80000050;
	s28 =	ssub.s32 $0x2, s6  }
0x9: {  	s6 =	smul.u32 $0x27800, s6;
	s4 =	sor.u32 s1, s4;
	s11 =	sshrl.u32 s8, $0x3  }
0xa: {  	s12 =	sshrl.u32 s28, $0x1;
	s30 =	sadd.s32 s8, s2;
	s7 =	smul.u32 $0x4F0, s4  }
0xb: {  	s4 =	sadd.s32 $0x30600, s5;
	s29 =	ssub.s32 s28, s12;
	s8 =	sadd.s32 s8, s6  }
0xc: {  	s6 =	sor.u32 $0x1C03, s31;
	s12 =	simm.s32 $0x3;
	s13 =	sshrl.u32 s8, $0x3  }
0xd: {  	s10 =	sadd.s32 s7, s5;
	s5 =	sadd.s32 s11, s5;
	s9 =	sadd.s32 s9, s13  }
0xe: {  	s11 =	sshrl.u32 s30, $0x3;
	s13 =	simm.s32 $0x2780;
	s5 =	sadd.s32 $0xDA00, s5  }
0xf: {  	s7 =	sadd.s32 $0x3C00, s10;
	s8 =	sadd.s32 $0x12C00, s10;
	s10 =	smax.u32 s29, $0x1  }
.LBB2_1:
0x10: {  	[spmem:s11], [sflag:s6] =	dma.local [hbm:s5], $0x4F0  }
0x11: {  	_ =	swait.ge [sflag:s12], $0x4F0  }
0x12: {  	[sflag:s12] =	ssyncset.done $0x0  }
0x13: {  	[sflag:s12] =	ssyncadd.s32 $0xFFFFFB10  }
0x14: {  	[tilespmem:s13], [sflag:$0x3] =	stream.linear.gather [hbm4b:s7+s3], $0x2780, $0x38;
	[tilespmem:$0x8680] =	vst v63  }
0x15: {  	_ =	swait.ge [sflag:s12], $0x2780  }
0x16: {  	[sflag:s12] =	ssyncset.done $0x0  }
0x17: {  	s20 =	simm.s32 $0x4F00;
	[sflag:s12] =	ssyncadd.s32 $0xFFFFD880  }
0x18: {  	[tilespmem:s20], [sflag:$0x3] =	stream.linear.gather [hbm4b:s8+s3], $0x2780, $0x38;
	[tilespmem:$0x8680] =	vst v63  }
0x19: {  	_ =	swait.ge [sflag:s12], $0x2780  }
0x1a: {  	[sflag:s12] =	ssyncset.done $0x0  }
0x1b: {  	s21 =	sand.u32 $0x1, s3;
	[sflag:s12] =	ssyncadd.s32 $0xFFFFD880  }
0x1c: {  	s22 =	simm.s32 $0x2800;
	p0 =	seq.s32 s21, $0x1;
	[bflag:$0x0] =	sbarrier.arrive $0xFFFF  }
0x1d: {  	[tilespmem:s15], [sflag:$0x1] =	stream.indirect.gather [hbm4b:s4+s14], $0x10, s13, s14, $0xb8;
	[tilespmem:$0x8680] =	vst v63  }
0x1e: {  	s21 =	simm.s32 @p0 $0x80;
	s23 =	simm.s32 @p0 $0x7680;
	s24 =	simm.s32 @p0 $0x2  }
0x1f: {  	[tilespmem:s23], [sflag:$0x1] =	stream.indirect.gather @p0 [hbm4b:s4+s21], $0x10, s22, s21, $0xb8;
	[tilespmem:$0x8680] =	vst v63  }
0x20: {  	_ =	swait.ge @p0 [sflag:s24], $0x800  }
0x21: {  	[sflag:s24] =	ssyncset.done @p0 $0x0  }
0x22: {  	s23 =	simm.s32 @p0 $0x7E80;
	[sflag:s24] =	ssyncadd.s32 @p0 $0xFFFFF800  }
0x23: {  	[spmem:s2] =	stream.indirect.scatter.add.f32 @p0 [tilespmem:s23], [sflag:$0x3], $0x10, s20, s21, $0xb8;
	[tilespmem:$0x8680] =	vst v63  }
0x24: {  	s24 =	simm.s32 @!p0 $0x1;
	s21 =	simm.s32 @!p0 $0x80;
	s23 =	simm.s32 @!p0 $0x7E80  }
0x25: {  	[tilespmem:s23], [sflag:$0x2] =	stream.indirect.gather @!p0 [hbm4b:s4+s21], $0x10, s22, s21, $0xb8;
	[tilespmem:$0x8680] =	vst v63  }
0x26: {  	_ =	swait.ge @!p0 [sflag:s24], $0x800  }
0x27: {  	s25 =	simm.s32 $0x1;
	s23 =	simm.s32 @!p0 $0x4;
	[sflag:s24] =	ssyncset.done @!p0 $0x0  }
0x28: {  	s22 =	simm.s32 @!p0 $0x7680;
	s23 =	simm.s32 @p0 $0x3;
	[sflag:s24] =	ssyncadd.s32 @!p0 $0xFFFFF800  }
0x29: {  	[spmem:s2] =	stream.indirect.scatter.add.f32 @!p0 [tilespmem:s22], [sflag:$0x4], $0x10, s20, s21, $0xb8;
	[tilespmem:$0x8680] =	vst v63  }
0x2a: {  	s24 =	sand.u32 $0x1, s25;
	s22 =	simm.s32 $0x2;
	_ =	swait.ge [sflag:s23], $0x800  }
0x2b: {  	s21 =	simm.s32 $0x2880;
	s20 =	simm.s32 $0x4F80;
	[sflag:s23] =	ssyncset.done $0x0  }
.LBB2_2:
0x2c: {  	p0 =	seq.s32 s24, $0x1  }
0x2d: {  	[sflag:s23] =	ssyncadd.s32 $0xFFFFF800;
	s24 =	smov.u32 s22;
	s22 =	sadd.s32 $0x1, s22  }
0x2e: {  	s25 =	simm.s32 @p0 $0x80;
	s23 =	simm.s32 @p0 $0x7680;
	s26 =	simm.s32 @p0 $0x2  }
0x2f: {  	[tilespmem:s23], [sflag:$0x1] =	stream.indirect.gather @p0 [hbm4b:s4+s25], $0x10, s21, s25, $0xb8;
	[tilespmem:$0x8680] =	vst v63  }
0x30: {  	p1 =	sne.s32 s22, $0x4E;
	s23 =	simm.s32 @!p0 $0x4;
	_ =	swait.ge @p0 [sflag:s26], $0x800  }
0x31: {  	[sflag:s26] =	ssyncset.done @p0 $0x0  }
0x32: {  	[sflag:s26] =	ssyncadd.s32 @p0 $0xFFFFF800;
	s26 =	simm.s32 @p0 $0x7E80  }
0x33: {  	[spmem:s2] =	stream.indirect.scatter.add.f32 @p0 [tilespmem:s26], [sflag:$0x3], $0x10, s20, s25, $0xb8;
	[tilespmem:$0x8680] =	vst v63  }
0x34: {  	s28 =	simm.s32 @!p0 $0x1;
	s25 =	simm.s32 @!p0 $0x80;
	s26 =	simm.s32 @!p0 $0x7E80  }
0x35: {  	[tilespmem:s26], [sflag:$0x2] =	stream.indirect.gather @!p0 [hbm4b:s4+s25], $0x10, s21, s25, $0xb8;
	[tilespmem:$0x8680] =	vst v63  }
0x36: {  	_ =	swait.ge @!p0 [sflag:s28], $0x800  }
.Ltmp0:
0x37: {  	[sflag:s28] =	ssyncset.done @!p0 $0x0;
	(pc) =	sbr.rel @p1 .LBB2_2-.Ltmp0, $4  }
0x38: {  	s23 =	simm.s32 @p0 $0x3;
	s26 =	simm.s32 @!p0 $0x7680;
	[sflag:s28] =	ssyncadd.s32 @!p0 $0xFFFFF800  }
0x39: {  	[spmem:s2] =	stream.indirect.scatter.add.f32 @!p0 [tilespmem:s26], [sflag:$0x4], $0x10, s20, s25, $0xb8;
	[tilespmem:$0x8680] =	vst v63  }
0x3a: {  	s21 =	sadd.s32 $0x80, s21;
	_ =	swait.ge [sflag:s23], $0x800  }
0x3b: {  	s24 =	sand.u32 $0x1, s24;
	s20 =	sadd.s32 $0x80, s20;
	[sflag:s23] =	ssyncset.done $0x0  }
0x3c: {  	p0 =	seq.s32 s24, $0x1;
	[sflag:s23] =	ssyncadd.s32 $0xFFFFF800  }
0x3d: {  	s22 =	simm.s32 @p0 $0x80;
	s23 =	simm.s32 @p0 $0x7680;
	s24 =	simm.s32 @p0 $0x2  }
0x3e: {  	[tilespmem:s23], [sflag:$0x1] =	stream.indirect.gather @p0 [hbm4b:s4+s22], $0x10, s21, s22, $0xb8;
	[tilespmem:$0x8680] =	vst v63  }
0x3f: {  	_ =	swait.ge @p0 [sflag:s24], $0x800  }
0x40: {  	[sflag:s24] =	ssyncset.done @p0 $0x0  }
0x41: {  	s23 =	simm.s32 @p0 $0x7E80;
	[sflag:s24] =	ssyncadd.s32 @p0 $0xFFFFF800  }
0x42: {  	[spmem:s2] =	stream.indirect.scatter.add.f32 @p0 [tilespmem:s23], [sflag:$0x3], $0x10, s20, s22, $0xb8;
	[tilespmem:$0x8680] =	vst v63  }
0x43: {  	s24 =	simm.s32 @!p0 $0x1;
	s22 =	simm.s32 @!p0 $0x80;
	s23 =	simm.s32 @!p0 $0x7E80  }
0x44: {  	[tilespmem:s23], [sflag:$0x2] =	stream.indirect.gather @!p0 [hbm4b:s4+s22], $0x10, s21, s22, $0xb8;
	[tilespmem:$0x8680] =	vst v63  }
0x45: {  	_ =	swait.ge @!p0 [sflag:s24], $0x800  }
0x46: {  	s21 =	simm.s32 @!p0 $0x4;
	[sflag:s24] =	ssyncset.done @!p0 $0x0  }
0x47: {  	s23 =	simm.s32 @!p0 $0x7680;
	s21 =	simm.s32 @p0 $0x3;
	[sflag:s24] =	ssyncadd.s32 @!p0 $0xFFFFF800  }
0x48: {  	[spmem:s2] =	stream.indirect.scatter.add.f32 @!p0 [tilespmem:s23], [sflag:$0x4], $0x10, s20, s22, $0xb8;
	[tilespmem:$0x8680] =	vst v63  }
0x49: {  	_ =	swait.ge [sflag:s21], $0x800  }
0x4a: {  	[sflag:s21] =	ssyncset.done $0x0  }
0x4b: {  	[sflag:s21] =	ssyncadd.s32 $0xFFFFF800  }
0x4c: {  	_ =	swait.ge [sflag:s16], $0x800  }
0x4d: {  	[sflag:s16] =	ssyncset.done $0x0  }
0x4e: {  	[sflag:s16] =	ssyncadd.s32 $0xFFFFF800  }
0x4f: {  	[spmem:s2] =	stream.indirect.scatter.add.f32 [tilespmem:s15], [sflag:$0x4], $0x10, s17, s14, $0xb8;
	[tilespmem:$0x8680] =	vst v63  }
0x50: {  	_ =	swait.ge [sflag:s18], $0x800  }
0x51: {  	s19 =	sadd.s32 $0x1, s19;
	[sflag:s18] =	ssyncset.done $0x0  }
0x52: {  	p0 =	sne.s32 s19, s10;
	[sflag:s18] =	ssyncadd.s32 $0xFFFFF800  }
.Ltmp1:
0x53: {  	[bflag:$0x0] =	sbarrier.arrive $0xFFFF;
	(pc) =	sbr.rel @p0 .LBB2_1-.Ltmp1, $4  }
0x54: {  	[hbm:s9], [sflag:s6] =	dma.local [spmem:s11], $0x4F0  }
0x55: {  	_ =	swait.ge [sflag:s12], $0x4F0  }
0x56: {  	[sflag:s12] =	ssyncset.done $0x0  }
0x57: {  	[sflag:s12] =	ssyncadd.s32 $0xFFFFFB10  }
0x58: {  	_ =	sfence.sel $0x180000  }
0x59: {  	[bflag:$0x0] =	sbarrier.arrive $0xFFFF  }
0x5a: {  	p0 =	sne.s32 s1, $0x0;
	_ =	strace $0x90000050  }
0x5b: {  	s0 =	sadd.s32 @!p0 $0x100000, s0;
	[bflag:$0x2] =	sbarrier.arrive $0xFFFF  }
0x5c: {  	[sflag:s0] =	ssyncadd.tile.s32 @!p0 $0x1;
	_ =	shalt  }
.Lfunc_end2:
_tile_overlayer_lowered:
.L_overlay_start_2:
0x5d: {  	(tag) =	ssettag $0x2  }
0x5e: {  	s0 =	rddreg [dreg:$0x0];
	s2 =	stileid.u32  }
0x5f: {  	s1 =	rddreg [dreg:$0x1];
	p0 =	sne.s32 s2, $0x0  }
0x60: {  	s3 =	rddreg [dreg:$0x2];
	[bflag:$0x3] =	sbarrier.arrive $0xFFFF;
	s2 =	simm.s32 @!p0 $0x1C03  }
0x61: {  	[timem:s3], [sflag:s2] =	dma.local @!p0 [hbm:s0], s1  }
0x62: {  	s0 =	simm.s32 @!p0 $0x3  }
0x63: {  	_ =	swait.ge @!p0 [sflag:s0], s1  }
0x64: {  	s1 =	ssub.s32 @!p0 $0x0, s1;
	[sflag:s0] =	ssyncset.done @!p0 $0x0  }
0x65: {  	[sflag:s0] =	ssyncadd.s32 @!p0 s1  }
0x66: {  	[bflag:$0x3] =	sbarrier.arrive $0xFFFF  }
0x67: {  	_ =	shalt  }

// kernel: kernel.24.cloned.1.call-start
scs
__scs_entry_jumppad:
0x0: {  	(pc) =	sbr.rel $0x88, $3  }
0x1: {  	(tag) =	ssettag $0x0;
	lr =	simm.s32 $0x1  }
0x2: {  	[smem:$0x3F8F] =	sst lr;
	_ =	strace $0xD0000000  }
0x3: {  	_ = 	snop  }
0x4: {  	_ = 	snop  }
0x5: {  	_ = 	snop  }
0x6: {  	_ = 	snop  }
0x7: {  	_ = 	snop  }
__scs_overlays_trampoline_lowered:
0x8: {  	[smem:$0x3F9E] =	sst s0  }
0x9: {  	[smem:$0x3F9F] =	sst s1  }
0xa: {  	[smem:$0x3FA0] =	sst s2  }
0xb: {  	[smem:$0x3FA1] =	sst s3  }
0xc: {  	[smem:$0x3FA2] =	sst s4  }
0xd: {  	[smem:$0x3FA3] =	sst s5  }
0xe: {  	[smem:$0x3FA4] =	sst s6  }
0xf: {  	[smem:$0x3FA5] =	sst s7  }
0x10: {  	[smem:$0x3FA6] =	sst s8  }
0x11: {  	[smem:$0x3FA7] =	sst s9;
	s0 =	simm.s32 @!p0 $0x0  }
0x12: {  	s1 =	sld [smem:$0x3F8D];
	s0 =	simm.s32 @p0 $0x1  }
0x13: {  	[smem:$0x3FA8] =	sst s0;
	s0 =	simm.s32 @!p1 $0x0  }
0x14: {  	s2 =	sld [smem:$0x3F8C];
	s0 =	simm.s32 @p1 $0x1  }
0x15: {  	[smem:$0x3FA9] =	sst s0;
	s0 =	simm.s32 @!p2 $0x0  }
0x16: {  	s3 =	sld [smem:$0x3FDB];
	s0 =	simm.s32 @p2 $0x1  }
0x17: {  	s4 =	simm.s32 $0x1BF5;
	[smem:$0x3FAB] =	sst s0  }
0x18: {  	s0 =	sld [smem:$0x3F8E];
	_ =	swait.ge [sflag:s4], $0x0  }
0x19: {  	s7 =	sld [smem:$0x3F8F]  }
0x1a: {  	s8 =	sadd.s32 $0xFFFFE003, lr  }
0x1b: {  	s9 =	sadd.s32 $0xFFFFFEF7, lr;
	s5 =	simm.s32 $0xFFFFFFFF;
	p2 =	slt.u32 s8, $0xFFFFF086  }
0x1c: {  	p1 =	slt.u32 s9, $0xF7A;
	s5 =	simm.s32 @!p2 $0x0  }
0x1d: {  	s5 =	simm.s32 @p1 $0x1;
	p0 =	seq.s32 s7, s2  }
0x1e: {  	s7 =	smul.u32 @!p0 $0xF7A, s2;
	p2 =	seq.s32 @!p0 s5, $0x0  }
0x1f: {  	s9 =	smul.u32 $0xF7A, s1;
	s8 =	simm.s32 @!p0 $0x1BF5;
	p2 =	por !p2, p0  }
0x20: {  	[sflag:s8] =	ssyncset.s32 @!p0 $0xFFFFF086;
	s6 =	sadd.s32 @!p0 s3, s7;
	s7 =	simm.s32 @!p0 $0x108  }
0x21: {  	s3 =	sadd.s32 s3, s9;
	s6 =	sadd.s32 @!p0 $0x88, s6;
	s7 =	simm.s32 @p2 $0x1082  }
0x22: {  	[simem:s7], [sflag:s8] =	dma.local @!p0 [hbm:s6], $0xF7A  }
0x23: {  	s9 =	sor.u32 $0xD0000000, s2;
	s6 =	simm.s32 $0x108;
	_ =	swait.ge @!p0 [sflag:s8], $0x0  }
0x24: {  	s3 =	sadd.s32 $0x88, s3;
	s6 =	simm.s32 @!p1 $0x1082;
	[sflag:s4] =	ssyncset.s32 $0xFFFFF086  }
0x25: {  	[simem:s6], [sflag:s4] =	dma.local [hbm:s3], $0xF7A  }
0x26: {  	[smem:$0x3F8F] =	sst s1;
	(tag) =	ssettag s2;
	_ =	strace s9  }
0x27: {  	s1 =	sld [smem:$0x3F9F]  }
0x28: {  	s2 =	sld [smem:$0x3FA0]  }
0x29: {  	s4 =	sld [smem:$0x3FA2]  }
0x2a: {  	p0 =	seq.s32 s5, $0x0;
	s5 =	sld [smem:$0x3FA3]  }
0x2b: {  	s6 =	sld [smem:$0x3FA4]  }
0x2c: {  	s7 =	sld [smem:$0x3FA5]  }
0x2d: {  	s3 =	simm.s32 $0x108;
	s8 =	sld [smem:$0x3FA6]  }
0x2e: {  	s3 =	simm.s32 @!p0 $0x1082;
	s9 =	sld [smem:$0x3FA7]  }
0x2f: {  	lr =	sadd.s32 s0, s3;
	s0 =	sld [smem:$0x3F9E]  }
0x30: {  	s3 =	sld [smem:$0x3FA1]  }
0x31: {  	[smem:$0x3FAA] =	sst s10  }
0x32: {  	s10 =	sld [smem:$0x3FA8];
	_ =	sdelay $0x3  }
0x33: {  	p0 =	seq.s32 s10, $0x1;
	s10 =	sld [smem:$0x3FAA];
	_ =	sdelay $0x3  }
0x34: {  	[smem:$0x3FAA] =	sst s10  }
0x35: {  	s10 =	sld [smem:$0x3FA9];
	_ =	sdelay $0x3  }
0x36: {  	p1 =	seq.s32 s10, $0x1;
	s10 =	sld [smem:$0x3FAA];
	_ =	sdelay $0x3  }
0x37: {  	[smem:$0x3FAA] =	sst s10  }
0x38: {  	s10 =	sld [smem:$0x3FAB]  }
0x39: {  	_ = 	snop;
	(pc) =	sbr.ind lr, $3  }
0x3a: {  	_ = 	snop  }
0x3b: {  	_ = 	snop  }
0x3c: {  	p2 =	seq.s32 s10, $0x1;
	s10 =	sld [smem:$0x3FAA]  }
0x3d: {  	_ =	shalt  }
0x3e: {  	_ =	shalt  }
0x3f: {  	_ =	shalt  }
0x40: {  	_ =	shalt  }
0x41: {  	_ =	shalt  }
0x42: {  	_ =	shalt  }
0x43: {  	_ =	shalt  }
0x44: {  	_ =	shalt  }
0x45: {  	_ =	shalt  }
0x46: {  	_ =	shalt  }
0x47: {  	_ =	shalt  }
0x48: {  	_ =	shalt  }
0x49: {  	_ =	shalt  }
0x4a: {  	_ =	shalt  }
0x4b: {  	_ =	shalt  }
0x4c: {  	_ =	shalt  }
0x4d: {  	_ =	shalt  }
0x4e: {  	_ =	shalt  }
0x4f: {  	_ =	shalt  }
0x50: {  	_ =	shalt  }
0x51: {  	_ =	shalt  }
0x52: {  	_ =	shalt  }
0x53: {  	_ =	shalt  }
0x54: {  	_ =	shalt  }
0x55: {  	_ =	shalt  }
0x56: {  	_ =	shalt  }
0x57: {  	_ =	shalt  }
0x58: {  	_ =	shalt  }
0x59: {  	_ =	shalt  }
0x5a: {  	_ =	shalt  }
0x5b: {  	_ =	shalt  }
0x5c: {  	_ =	shalt  }
0x5d: {  	_ =	shalt  }
0x5e: {  	_ =	shalt  }
0x5f: {  	_ =	shalt  }
0x60: {  	_ =	shalt  }
0x61: {  	_ =	shalt  }
0x62: {  	_ =	shalt  }
0x63: {  	_ =	shalt  }
0x64: {  	_ =	shalt  }
0x65: {  	_ =	shalt  }
0x66: {  	_ =	shalt  }
0x67: {  	_ =	shalt  }
0x68: {  	_ =	shalt  }
0x69: {  	_ =	shalt  }
0x6a: {  	_ =	shalt  }
0x6b: {  	_ =	shalt  }
0x6c: {  	_ =	shalt  }
0x6d: {  	_ =	shalt  }
0x6e: {  	_ =	shalt  }
0x6f: {  	_ =	shalt  }
0x70: {  	_ =	shalt  }
0x71: {  	_ =	shalt  }
0x72: {  	_ =	shalt  }
0x73: {  	_ =	shalt  }
0x74: {  	_ =	shalt  }
0x75: {  	_ =	shalt  }
0x76: {  	_ =	shalt  }
0x77: {  	_ =	shalt  }
0x78: {  	_ =	shalt  }
0x79: {  	_ =	shalt  }
0x7a: {  	_ =	shalt  }
0x7b: {  	_ =	shalt  }
0x7c: {  	_ =	shalt  }
0x7d: {  	_ =	shalt  }
0x7e: {  	_ =	shalt  }
0x7f: {  	_ =	shalt  }
0x80: {  	_ =	shalt  }
0x81: {  	_ =	shalt  }
0x82: {  	_ =	shalt  }
0x83: {  	_ =	shalt  }
0x84: {  	_ =	shalt  }
0x85: {  	_ =	shalt  }
0x86: {  	_ =	shalt  }
0x87: {  	_ =	shalt  }
.Lfunc_end0:
.L_simem_size_0:
called_computation.4_lowered:
.L_overlay_start_0:
0x88: {  	s2 =	sld [smem:$0x3FD9]  }
0x89: {  	s3 =	sld [smem:$0x3FFE];
	_ =	sdelay $0x1  }
0x8a: {  	s1 =	srdreg.scid  }
0x8b: {  	s0 =	sand.u32 $0x1, s1  }
0x8c: {  	s17 =	sshll.u32 s0, $0xA;
	s2 =	sadd.s32 s3, s2  }
0x8d: {  	s2 =	sadd.s32 s2, s17  }
0x8e: {  	[smem:$0x3FB6] =	sst s2  }
0x8f: {  	_ = 	snop  }
0x90: {  	s2 =	sld [smem:$0x3FD0];
	(tm) =	ssettm $0x1  }
0x91: {  	s18 =	sld [smem:$0x3FFB];
	_ =	sdelay $0x3  }
0x92: {  	_ =	strace s18  }
0x93: {  	s3 =	sld [smem:$0x3FFC];
	_ =	sdelay $0x3  }
0x94: {  	_ =	strace s3  }
0x95: {  	s3 =	sld [smem:$0x3FFD];
	_ =	sdelay $0x3  }
0x96: {  	_ =	strace s3  }
0x97: {  	_ =	strace $0x8FFFFFFF  }
0x98: {  	s19 =	sld [smem:$0x3FDB];
	_ =	sdelay $0x1  }
0x99: {  	s4 =	simm.s32 $_scs_section_size  }
0x9a: {  	s5 =	simm.s32 $_size__tile_overlayer_lowered;
	s6 =	simm.s32 $_tile_overlayer_lowered  }
0x9b: {  	s22 =	simm.s32 $0x1BFF;
	s21 =	sshll.u32 s6, $0x1;
	s3 =	sadd.s32 s4, s19  }
0x9c: {  	s7 =	simm.s32 $0x0;
	s20 =	sshll.u32 s5, $0x1;
	s5 =	sadd.s32 s21, s3  }
0x9d: {  	[timem:s7], [sflag:s22] =	dma.local [hbm:s5], s20  }
0x9e: {  	_ =	swait.ge [sflag:s22], s20  }
0x9f: {  	s4 =	ssub.s32 $0x0, s20;
	[sflag:s22] =	ssyncset.done $0x0  }
0xa0: {  	[sflag:s22] =	ssyncadd.s32 s4;
	_ =	sdelay $0x1  }
0xa1: {  	s23 =	simm.s32 $0x1B8B  }
0xa2: {  	_ =	swait.ge [sflag:s23], $0x1  }
0xa3: {  	[sflag:s23] =	ssyncset.done $0x0  }
0xa4: {  	s25 =	simm.s32 $0x1B8E;
	s24 =	sld [smem:$0x3FFE];
	[sflag:s23] =	ssyncadd.s32 $0xFFFFFFFF  }
0xa5: {  	s26 =	simm.s32 $execute0_lowered;
	[smem:$0x3FD2] =	sst s25  }
0xa6: {  	s5 =	sshll.u32 s26, $0x1;
	_ =	strace $0x80000052;
	[dreg:$0x1] =	wrdreg $0xFFFFFFFF  }
0xa7: {  	s28 =	simm.s32 $_size_execute0_lowered;
	s3 =	sadd.s32 s3, s5;
	[dreg:$0x0] =	wrdreg $0x0  }
0xa8: {  	s5 =	sshll.u32 s28, $0x1;
	[dreg:$0x2] =	wrdreg s3  }
0xa9: {  	[dreg:$0x3] =	wrdreg s5  }
0xaa: {  	[dreg:$0x4] =	wrdreg $0xC0  }
0xab: {  	_ =	task [dreg:s7], $0x5FFFF  }
0xac: {  	[dreg:$0x1] =	wrdreg $0xFFFFFFFF  }
0xad: {  	[dreg:$0x0] =	wrdreg $0x60  }
0xae: {  	[dreg:$0x2] =	wrdreg s2  }
0xaf: {  	[dreg:$0x3] =	wrdreg s24  }
0xb0: {  	[dreg:$0x4] =	wrdreg $0x0  }
0xb1: {  	[dreg:$0x5] =	wrdreg $0x9  }
0xb2: {  	_ =	task.clear_ibuf [dreg:s7], $0x6FFFF;
	_ =	strace $0x90000052  }
0xb3: {  	s29 =	simm.s32 $0x9;
	_ =	strace $0x80000054  }
0xb4: {  	_ =	swait.ge [sflag:s29], $0x1  }
0xb5: {  	[sflag:s29] =	ssyncadd.s32 $0xFFFFFFFF  }
0xb6: {  	_ =	strace $0x90000054  }
0xb7: {  	_ =	sfence  }
0xb8: {  	s30 =	sld [smem:$0x0];
	_ =	sdelay $0x2  }
0xb9: {  	s31 =	sshll.u32 s1, $0xD;
	s1 =	sshrl.u32 s1, $0x2  }
0xba: {  	s3 =	sand.u32 $0x4000, s31;
	s1 =	sadd.s32 s1, s30  }
0xbb: {  	s0 =	sor.u32 s3, s0;
	s1 =	sshll.u32 s1, $0x11  }
0xbc: {  	s0 =	sor.u32 s1, s0  }
0xbd: {  	s0 =	sadd.s32 $0x8F2B, s0  }
0xbe: {  	[sflag:s0] =	ssyncadd.remote.s32 $0x1  }
0xbf: {  	_ =	sfence.sel $0xFFFF  }
0xc0: {  	[dreg:$0x0] =	wrdreg $0xFFFFFFFF;
	(pc) =	sbr.abs _section_cstart, $3  }
0xc1: {  	[dreg:$0x1] =	wrdreg $0xFFFFFFFF  }
0xc2: {  	_ =	task.clear_ibuf [dreg:s7], $0x2FFFF;
	_ =	strace $0x9FFFFFFF  }
0xc3: {  	(tm) =	ssettm $0x7FFFFFFF  }
tec
execute0_lowered:
.L_overlay_start_1:
0x0: {  	(tag) =	ssettag $0x1  }
0x1: {  	s2 =	rddreg [dreg:$0x0]  }
0x2: {  	s6 =	rddreg [dreg:$0x1]  }
0x3: {  	s0 =	srdreg.scid;
	s3 =	rddreg [dreg:$0x2];
	s4 =	simm.s32 $0x0  }
0x4: {  	s14 =	simm.s32 $0x80;
	s15 =	simm.s32 $0xED00;
	s16 =	simm.s32 $0x1  }
0x5: {  	s17 =	simm.s32 $0xEC80;
	s5 =	sand.u32 $0x1, s0;
	s0 =	stileid.u32  }
0x6: {  	s18 =	simm.s32 $0x4;
	s19 =	simm.s32 $0x0;
	s8 =	smul.u32 $0x9E00, s0  }
0x7: {  	[smem:$0x7FF] =	sst s4;
	s1 =	sshll.u32 s5, $0x4;
	s9 =	smul.u32 $0x9E000, s5  }
0x8: {  	s5 =	ssub.s32 $0x2, s5;
	s31 =	sshll.u32 s0, $0x6;
	s1 =	sor.u32 s0, s1  }
0x9: {  	s30 =	sshrl.u32 s5, $0x1;
	s7 =	smul.u32 $0x4F0, s1;
	s1 =	rddreg [dreg:$0x3]  }
0xa: {  	_ =	strace $0x80000053;
	s28 =	sadd.s32 s8, s9;
	s29 =	sshrl.u32 s8, $0x3  }
0xb: {  	s12 =	ssub.s32 s5, s30;
	s13 =	sadd.s32 s8, s3;
	s9 =	sadd.s32 s29, s6  }
0xc: {  	s10 =	sadd.s32 s7, s6;
	s7 =	sshrl.u32 s28, $0x3;
	s5 =	sadd.s32 $0x1CA00, s9  }
0xd: {  	s11 =	sadd.s32 s7, s6;
	s6 =	sor.u32 $0x1C03, s31;
	s7 =	sadd.s32 $0x3C00, s10  }
0xe: {  	s8 =	sadd.s32 $0x12C00, s10;
	s10 =	smax.u32 s12, $0x1;
	s12 =	simm.s32 $0x3  }
0xf: {  	s9 =	sadd.s32 $0x30600, s11;
	s11 =	sshrl.u32 s13, $0x3;
	s13 =	simm.s32 $0x9E00  }
.LBB2_1:
0x10: {  	[spmem:s11], [sflag:s6] =	dma.local [hbm:s5], $0x13C0  }
0x11: {  	_ =	swait.ge [sflag:s12], $0x13C0  }
0x12: {  	[sflag:s12] =	ssyncset.done $0x0  }
0x13: {  	[sflag:s12] =	ssyncadd.s32 $0xFFFFEC40  }
0x14: {  	[tilespmem:s13], [sflag:$0x3] =	stream.linear.gather [hbm4b:s7+s4], $0x2780, $0x38;
	[tilespmem:$0x12D00] =	vst v63  }
0x15: {  	_ =	swait.ge [sflag:s12], $0x2780  }
0x16: {  	[sflag:s12] =	ssyncset.done $0x0  }
0x17: {  	s20 =	simm.s32 $0xC580;
	[sflag:s12] =	ssyncadd.s32 $0xFFFFD880  }
0x18: {  	[tilespmem:s20], [sflag:$0x3] =	stream.linear.gather [hbm4b:s8+s4], $0x2780, $0x38;
	[tilespmem:$0x12D00] =	vst v63  }
0x19: {  	_ =	swait.ge [sflag:s12], $0x2780  }
0x1a: {  	[sflag:s12] =	ssyncset.done $0x0  }
0x1b: {  	s21 =	sand.u32 $0x1, s4;
	[sflag:s12] =	ssyncadd.s32 $0xFFFFD880  }
0x1c: {  	s22 =	simm.s32 $0x9E80;
	p0 =	seq.s32 s21, $0x1;
	[bflag:$0x0] =	sbarrier.arrive $0xFFFF  }
0x1d: {  	[tilespmem:s15], [sflag:$0x1] =	stream.indirect.gather [hbm4b:s2+s14], $0x40, s13, s14, $0xb8;
	[tilespmem:$0x12D00] =	vst v63  }
0x1e: {  	s21 =	simm.s32 @p0 $0x80;
	s23 =	simm.s32 @p0 $0xED00;
	s24 =	simm.s32 @p0 $0x2  }
0x1f: {  	[tilespmem:s23], [sflag:$0x1] =	stream.indirect.gather @p0 [hbm4b:s2+s21], $0x40, s22, s21, $0xb8;
	[tilespmem:$0x12D00] =	vst v63  }
0x20: {  	_ =	swait.ge @p0 [sflag:s24], $0x2000  }
0x21: {  	[sflag:s24] =	ssyncset.done @p0 $0x0  }
0x22: {  	s23 =	simm.s32 @p0 $0x10D00;
	[sflag:s24] =	ssyncadd.s32 @p0 $0xFFFFE000  }
0x23: {  	[spmem:s3] =	stream.indirect.scatter.add.f32 @p0 [tilespmem:s23], [sflag:$0x3], $0x40, s20, s21, $0xb8;
	[tilespmem:$0x12D00] =	vst v63  }
0x24: {  	s24 =	simm.s32 @!p0 $0x1;
	s21 =	simm.s32 @!p0 $0x80;
	s23 =	simm.s32 @!p0 $0x10D00  }
0x25: {  	[tilespmem:s23], [sflag:$0x2] =	stream.indirect.gather @!p0 [hbm4b:s2+s21], $0x40, s22, s21, $0xb8;
	[tilespmem:$0x12D00] =	vst v63  }
0x26: {  	_ =	swait.ge @!p0 [sflag:s24], $0x2000  }
0x27: {  	s25 =	simm.s32 $0x1;
	s23 =	simm.s32 @!p0 $0x4;
	[sflag:s24] =	ssyncset.done @!p0 $0x0  }
0x28: {  	s22 =	simm.s32 @!p0 $0xED00;
	s23 =	simm.s32 @p0 $0x3;
	[sflag:s24] =	ssyncadd.s32 @!p0 $0xFFFFE000  }
0x29: {  	[spmem:s3] =	stream.indirect.scatter.add.f32 @!p0 [tilespmem:s22], [sflag:$0x4], $0x40, s20, s21, $0xb8;
	[tilespmem:$0x12D00] =	vst v63  }
0x2a: {  	s24 =	sand.u32 $0x1, s25;
	s22 =	simm.s32 $0x2;
	_ =	swait.ge [sflag:s23], $0x2000  }
0x2b: {  	s21 =	simm.s32 $0x9F00;
	s20 =	simm.s32 $0xC600;
	[sflag:s23] =	ssyncset.done $0x0  }
.LBB2_2:
0x2c: {  	p0 =	seq.s32 s24, $0x1  }
0x2d: {  	[sflag:s23] =	ssyncadd.s32 $0xFFFFE000;
	s24 =	smov.u32 s22;
	s22 =	sadd.s32 $0x1, s22  }
0x2e: {  	s25 =	simm.s32 @p0 $0x80;
	s23 =	simm.s32 @p0 $0xED00;
	s26 =	simm.s32 @p0 $0x2  }
0x2f: {  	[tilespmem:s23], [sflag:$0x1] =	stream.indirect.gather @p0 [hbm4b:s2+s25], $0x40, s21, s25, $0xb8;
	[tilespmem:$0x12D00] =	vst v63  }
0x30: {  	p1 =	sne.s32 s22, $0x4E;
	s23 =	simm.s32 @!p0 $0x4;
	_ =	swait.ge @p0 [sflag:s26], $0x2000  }
0x31: {  	[sflag:s26] =	ssyncset.done @p0 $0x0  }
0x32: {  	[sflag:s26] =	ssyncadd.s32 @p0 $0xFFFFE000;
	s26 =	simm.s32 @p0 $0x10D00  }
0x33: {  	[spmem:s3] =	stream.indirect.scatter.add.f32 @p0 [tilespmem:s26], [sflag:$0x3], $0x40, s20, s25, $0xb8;
	[tilespmem:$0x12D00] =	vst v63  }
0x34: {  	s28 =	simm.s32 @!p0 $0x1;
	s25 =	simm.s32 @!p0 $0x80;
	s26 =	simm.s32 @!p0 $0x10D00  }
0x35: {  	[tilespmem:s26], [sflag:$0x2] =	stream.indirect.gather @!p0 [hbm4b:s2+s25], $0x40, s21, s25, $0xb8;
	[tilespmem:$0x12D00] =	vst v63  }
0x36: {  	_ =	swait.ge @!p0 [sflag:s28], $0x2000  }
.Ltmp0:
0x37: {  	[sflag:s28] =	ssyncset.done @!p0 $0x0;
	(pc) =	sbr.rel @p1 .LBB2_2-.Ltmp0, $4  }
0x38: {  	s23 =	simm.s32 @p0 $0x3;
	s26 =	simm.s32 @!p0 $0xED00;
	[sflag:s28] =	ssyncadd.s32 @!p0 $0xFFFFE000  }
0x39: {  	[spmem:s3] =	stream.indirect.scatter.add.f32 @!p0 [tilespmem:s26], [sflag:$0x4], $0x40, s20, s25, $0xb8;
	[tilespmem:$0x12D00] =	vst v63  }
0x3a: {  	s21 =	sadd.s32 $0x80, s21;
	_ =	swait.ge [sflag:s23], $0x2000  }
0x3b: {  	s24 =	sand.u32 $0x1, s24;
	s20 =	sadd.s32 $0x80, s20;
	[sflag:s23] =	ssyncset.done $0x0  }
0x3c: {  	p0 =	seq.s32 s24, $0x1;
	[sflag:s23] =	ssyncadd.s32 $0xFFFFE000  }
0x3d: {  	s22 =	simm.s32 @p0 $0x80;
	s23 =	simm.s32 @p0 $0xED00;
	s24 =	simm.s32 @p0 $0x2  }
0x3e: {  	[tilespmem:s23], [sflag:$0x1] =	stream.indirect.gather @p0 [hbm4b:s2+s22], $0x40, s21, s22, $0xb8;
	[tilespmem:$0x12D00] =	vst v63  }
0x3f: {  	_ =	swait.ge @p0 [sflag:s24], $0x2000  }
0x40: {  	[sflag:s24] =	ssyncset.done @p0 $0x0  }
0x41: {  	s23 =	simm.s32 @p0 $0x10D00;
	[sflag:s24] =	ssyncadd.s32 @p0 $0xFFFFE000  }
0x42: {  	[spmem:s3] =	stream.indirect.scatter.add.f32 @p0 [tilespmem:s23], [sflag:$0x3], $0x40, s20, s22, $0xb8;
	[tilespmem:$0x12D00] =	vst v63  }
0x43: {  	s24 =	simm.s32 @!p0 $0x1;
	s22 =	simm.s32 @!p0 $0x80;
	s23 =	simm.s32 @!p0 $0x10D00  }
0x44: {  	[tilespmem:s23], [sflag:$0x2] =	stream.indirect.gather @!p0 [hbm4b:s2+s22], $0x40, s21, s22, $0xb8;
	[tilespmem:$0x12D00] =	vst v63  }
0x45: {  	_ =	swait.ge @!p0 [sflag:s24], $0x2000  }
0x46: {  	s21 =	simm.s32 @!p0 $0x4;
	[sflag:s24] =	ssyncset.done @!p0 $0x0  }
0x47: {  	s23 =	simm.s32 @!p0 $0xED00;
	s21 =	simm.s32 @p0 $0x3;
	[sflag:s24] =	ssyncadd.s32 @!p0 $0xFFFFE000  }
0x48: {  	[spmem:s3] =	stream.indirect.scatter.add.f32 @!p0 [tilespmem:s23], [sflag:$0x4], $0x40, s20, s22, $0xb8;
	[tilespmem:$0x12D00] =	vst v63  }
0x49: {  	_ =	swait.ge [sflag:s21], $0x2000  }
0x4a: {  	[sflag:s21] =	ssyncset.done $0x0  }
0x4b: {  	[sflag:s21] =	ssyncadd.s32 $0xFFFFE000  }
0x4c: {  	_ =	swait.ge [sflag:s16], $0x2000  }
0x4d: {  	[sflag:s16] =	ssyncset.done $0x0  }
0x4e: {  	[sflag:s16] =	ssyncadd.s32 $0xFFFFE000  }
0x4f: {  	[spmem:s3] =	stream.indirect.scatter.add.f32 [tilespmem:s15], [sflag:$0x4], $0x40, s17, s14, $0xb8;
	[tilespmem:$0x12D00] =	vst v63  }
0x50: {  	_ =	swait.ge [sflag:s18], $0x2000  }
0x51: {  	s19 =	sadd.s32 $0x1, s19;
	[sflag:s18] =	ssyncset.done $0x0  }
0x52: {  	p0 =	sne.s32 s19, s10;
	[sflag:s18] =	ssyncadd.s32 $0xFFFFE000  }
.Ltmp1:
0x53: {  	[bflag:$0x0] =	sbarrier.arrive $0xFFFF;
	(pc) =	sbr.rel @p0 .LBB2_1-.Ltmp1, $4  }
0x54: {  	[hbm:s9], [sflag:s6] =	dma.local [spmem:s11], $0x13C0  }
0x55: {  	_ =	swait.ge [sflag:s12], $0x13C0  }
0x56: {  	[sflag:s12] =	ssyncset.done $0x0  }
0x57: {  	[sflag:s12] =	ssyncadd.s32 $0xFFFFEC40  }
0x58: {  	_ =	sfence.sel $0x180000  }
0x59: {  	[bflag:$0x0] =	sbarrier.arrive $0xFFFF  }
0x5a: {  	p0 =	sne.s32 s0, $0x0;
	_ =	strace $0x90000053  }
0x5b: {  	s0 =	sadd.s32 @!p0 $0x100000, s1;
	[bflag:$0x2] =	sbarrier.arrive $0xFFFF  }
0x5c: {  	[sflag:s0] =	ssyncadd.tile.s32 @!p0 $0x1;
	_ =	shalt  }
.Lfunc_end2:
_tile_overlayer_lowered:
.L_overlay_start_2:
0x5d: {  	(tag) =	ssettag $0x2  }
0x5e: {  	s0 =	rddreg [dreg:$0x0];
	s2 =	stileid.u32  }
0x5f: {  	s1 =	rddreg [dreg:$0x1];
	p0 =	sne.s32 s2, $0x0  }
0x60: {  	s3 =	rddreg [dreg:$0x2];
	[bflag:$0x3] =	sbarrier.arrive $0xFFFF;
	s2 =	simm.s32 @!p0 $0x1C03  }
0x61: {  	[timem:s3], [sflag:s2] =	dma.local @!p0 [hbm:s0], s1  }
0x62: {  	s0 =	simm.s32 @!p0 $0x3  }
0x63: {  	_ =	swait.ge @!p0 [sflag:s0], s1  }
0x64: {  	s1 =	ssub.s32 @!p0 $0x0, s1;
	[sflag:s0] =	ssyncset.done @!p0 $0x0  }
0x65: {  	[sflag:s0] =	ssyncadd.s32 @!p0 s1  }
0x66: {  	[bflag:$0x3] =	sbarrier.arrive $0xFFFF  }
0x67: {  	_ =	shalt  }

</sc_bundles>
